<compile_context>
chip_gen: v7x
topology: tpu7x:2x2x1
jax: 0.10.2.dev20260603
libtpu: 0.0.44.dev20260713+nightly
codegen_flags: <defaults>
</compile_context>

<pallas_src>
import functools

import jax
import jax.numpy as jnp
from jax import lax
from jax.experimental import pallas as pl
from jax.experimental.pallas import tpu as pltpu
from jax.experimental.pallas import tpu_sc as plsc

D = 768
L = 16
G = D // L
EPS = 1e-5
_RSQRT_SEED = 0x5F3759DF


def _rsqrt16(x):
    i = lax.bitcast_convert_type(x, jnp.int32)
    seed = jnp.full((L,), _RSQRT_SEED, jnp.int32)
    y = lax.bitcast_convert_type(seed - (i >> 1), jnp.float32)
    half_x = 0.5 * x
    for _ in range(4):
        y = y * (1.5 - half_x * y * y)
    return y


def _make_kernel(N, S, C):
    info = plsc.get_sparse_core_info()
    NC, NS = info.num_cores, info.num_subcores
    NW = NC * NS
    assert N % NW == 0
    TPW = N // NW
    assert TPW % C == 0 and S % TPW == 0
    CHUNKS = TPW // C

    mesh = plsc.VectorSubcoreMesh(core_axis_name="c", subcore_axis_name="s")

    @functools.partial(
        pl.kernel,
        out_type=jax.ShapeDtypeStruct((N, D), jnp.float32),
        mesh=mesh,
        compiler_params=pltpu.CompilerParams(needs_layout_passes=False),
        scratch_types=[
            pltpu.VMEM((C,), jnp.int32),
            pltpu.VMEM((C,), jnp.int32),
            pltpu.VMEM((C, D), jnp.float32),
            pltpu.VMEM((C, D), jnp.float32),
            pltpu.VMEM((2, D), jnp.float32),
            pltpu.VMEM((D,), jnp.float32),
            pltpu.VMEM((D,), jnp.float32),
            pltpu.SemaphoreType.DMA,
        ],
    )
    def k(x_hbm, seg_hbm, tok_hbm, pos_hbm, segtab_hbm, gamma_hbm, beta_hbm,
          out_hbm, idx_v, segi_v, tokbuf, posbuf, segtab_v, gamma_v, beta_v,
          sem):
        wid = lax.axis_index("s") * NC + lax.axis_index("c")
        base = wid * TPW

        pltpu.sync_copy(segtab_hbm, segtab_v)
        pltpu.sync_copy(gamma_hbm, gamma_v)
        pltpu.sync_copy(beta_hbm, beta_v)

        def chunk_body(c, carry):
            cb = base + c * C
            pltpu.sync_copy(x_hbm.at[pl.ds(cb, C)], idx_v)
            pltpu.sync_copy(seg_hbm.at[pl.ds(cb, C)], segi_v)
            pltpu.async_copy(tok_hbm.at[idx_v], tokbuf, sem).wait()
            pos0 = lax.rem(cb, S)
            pltpu.sync_copy(pos_hbm.at[pl.ds(pos0, C)], posbuf)

            def tok_body(i, carry2):
                sub = lax.rem(i, L)
                v16 = segi_v[pl.ds(i - sub, L)].astype(jnp.float32)
                sel = jnp.where(lax.iota(jnp.int32, L) == sub, v16, 0.0)
                segf = jnp.full((L,), jnp.sum(sel))
                acc = jnp.zeros((L,), jnp.float32)
                acq = jnp.zeros((L,), jnp.float32)
                for j in range(G):
                    sl = pl.ds(j * L, L)
                    s0 = segtab_v[0, sl]
                    s1 = segtab_v[1, sl]
                    t = tokbuf[i, sl] + posbuf[i, sl] + (s0 + segf * (s1 - s0))
                    tokbuf[i, sl] = t
                    acc = acc + t
                    acq = acq + t * t
                tot = jnp.sum(acc)
                sq = jnp.sum(acq)
                mean = tot * (1.0 / D)
                var = sq * (1.0 / D) - mean * mean
                mean_v = jnp.full((L,), mean, jnp.float32)
                rs_v = _rsqrt16(jnp.full((L,), var + EPS, jnp.float32))
                for j in range(G):
                    sl = pl.ds(j * L, L)
                    o = (tokbuf[i, sl] - mean_v) * rs_v
                    tokbuf[i, sl] = o * gamma_v[sl] + beta_v[sl]
                return carry2

            lax.fori_loop(0, C, tok_body, 0)
            pltpu.sync_copy(tokbuf, out_hbm.at[pl.ds(cb, C)])
            return carry

        lax.fori_loop(0, CHUNKS, chunk_body, 0)

    return k


def kernel(x, seg, tok_table, pos_table, seg_table, gamma, beta):
    B, S = x.shape
    N = B * S
    k = _make_kernel(N, S, C=64)
    out = k(x.reshape(N), seg.reshape(N), tok_table, pos_table, seg_table,
            gamma, beta)
    return out.reshape(B, S, D)

# --- scband reference (transcript-rebuilt; emitter-appended) ---
"""Pipeline reference for scband-embedding-9620726743732 (READ-ONLY COPY).

The authoritative reference and input builder live on the scoring server;
editing this copy changes nothing except your own understanding.
"""

import jax, jax.numpy as jnp
import numpy as np

VOCAB = 100000
D_MODEL = 768
MAX_LEN = 8192
N_SEG = 2
B, S = 4, 2048
EPS = 1e-5

def setup_inputs(seed: int = 0) -> dict:
    key = jax.random.key(seed)
    k1, k2, k3, k4, k5 = jax.random.split(key, 5)
    x = jax.random.randint(k1, (B, S), 0, VOCAB, dtype=jnp.int64 if jax.config.jax_enable_x64 else jnp.int32)
    seg = jax.random.randint(k2, (B, S), 0, N_SEG, dtype=jnp.int64 if jax.config.jax_enable_x64 else jnp.int32)
    tok_table = jax.random.normal(k3, (VOCAB, D_MODEL), dtype=jnp.float32) * 0.02
    pos_table = jax.random.normal(k4, (MAX_LEN, D_MODEL), dtype=jnp.float32) * 0.02
    seg_table = jax.random.normal(k5, (N_SEG, D_MODEL), dtype=jnp.float32) * 0.02
    gamma = jnp.ones((D_MODEL,), dtype=jnp.float32)
    beta = jnp.zeros((D_MODEL,), dtype=jnp.float32)
    return {"x": x, "seg": seg, "tok_table": tok_table, "pos_table": pos_table, "seg_table": seg_table, "gamma": gamma, "beta": beta}

def reference(x, seg, tok_table, pos_table, seg_table, gamma, beta):
    seq_len = x.shape[1]
    pos = jnp.broadcast_to(jnp.arange(seq_len, dtype=x.dtype)[None, :], x.shape)
    emb = jnp.take(tok_table, x, axis=0) + jnp.take(pos_table, pos, axis=0) + jnp.take(seg_table, seg, axis=0)
    mean = jnp.mean(emb, axis=-1, keepdims=True)
    var = jnp.mean((emb - mean) ** 2, axis=-1, keepdims=True)
    normed = (emb - mean) / jnp.sqrt(var + EPS)
    return normed * gamma + beta

if __name__ == "__main__":
    import jax
    _d = setup_inputs()
    print(jax.jit(kernel)(*tuple(_d.values())))

</pallas_src>

<mosaic_0001>
#map = affine_map<(d0, d1) -> (0)>
#map1 = affine_map<(d0, d1) -> (0, 0)>
module attributes {stable_mosaic.version = 14 : i64} {
  func.func @k(%arg0: i32, %arg1: i32, %arg2: memref<8192xi32, #tpu.memory_space<hbm>>, %arg3: memref<8192xi32, #tpu.memory_space<hbm>>, %arg4: memref<100000x768xf32, #tpu.memory_space<hbm>>, %arg5: memref<8192x768xf32, #tpu.memory_space<hbm>>, %arg6: memref<2x768xf32, #tpu.memory_space<hbm>>, %arg7: memref<768xf32, #tpu.memory_space<hbm>>, %arg8: memref<768xf32, #tpu.memory_space<hbm>>, %arg9: memref<8192x768xf32, #tpu.memory_space<hbm>>, %arg10: memref<64xi32, #tpu.memory_space<vmem>>, %arg11: memref<64xi32, #tpu.memory_space<vmem>>, %arg12: memref<64x768xf32, #tpu.memory_space<vmem>>, %arg13: memref<64x768xf32, #tpu.memory_space<vmem>>, %arg14: memref<2x768xf32, #tpu.memory_space<vmem>>, %arg15: memref<768xf32, #tpu.memory_space<vmem>>, %arg16: memref<768xf32, #tpu.memory_space<vmem>>, %arg17: memref<!tpu.dma_semaphore, #tpu.memory_space<semaphore_mem>>) attributes {dimension_semantics = [#tpu.dimension_semantics<core_parallel>, #tpu.dimension_semantics<subcore_parallel>], iteration_bounds = array<i64: 2, 16>, scalar_prefetch = 0 : i64, scratch_operands = 8 : i64, tpu.core_type = #tpu.core_type<sc_vector_subcore>, window_params = [{transform_indices = #map}, {transform_indices = #map}, {transform_indices = #map1}, {transform_indices = #map1}, {transform_indices = #map1}, {transform_indices = #map}, {transform_indices = #map}, {transform_indices = #map1}]} {
    %mul3A = arith.constant 2 : i32
    %mul3A_0 = arith.muli %arg1, %mul3A : i32
    %add3A = arith.addi %mul3A_0, %arg0 : i32
    %mul3A_1 = arith.constant 256 : i32
    %mul3A_2 = arith.muli %add3A, %mul3A_1 : i32
    "tpu.region"() ({
      %run_scoped3A = tpu.sem_alloc : memref<!tpu.dma_semaphore, #tpu.memory_space<semaphore_mem>>
      tpu.enqueue_dma source(%arg6 : memref<2x768xf32, #tpu.memory_space<hbm>>) target(%arg14 : memref<2x768xf32, #tpu.memory_space<vmem>>) target_semaphore(%run_scoped3A : memref<!tpu.dma_semaphore, #tpu.memory_space<semaphore_mem>>)
      tpu.wait_dma2 semaphore(%run_scoped3A : memref<!tpu.dma_semaphore, #tpu.memory_space<semaphore_mem>>) src(%arg6 : memref<2x768xf32, #tpu.memory_space<hbm>>) dst(%arg14 : memref<2x768xf32, #tpu.memory_space<vmem>>)
      tpu.yield
    }) : () -> ()
    "tpu.region"() ({
      %run_scoped3A = tpu.sem_alloc : memref<!tpu.dma_semaphore, #tpu.memory_space<semaphore_mem>>
      tpu.enqueue_dma source(%arg7 : memref<768xf32, #tpu.memory_space<hbm>>) target(%arg15 : memref<768xf32, #tpu.memory_space<vmem>>) target_semaphore(%run_scoped3A : memref<!tpu.dma_semaphore, #tpu.memory_space<semaphore_mem>>)
      tpu.wait_dma2 semaphore(%run_scoped3A : memref<!tpu.dma_semaphore, #tpu.memory_space<semaphore_mem>>) src(%arg7 : memref<768xf32, #tpu.memory_space<hbm>>) dst(%arg15 : memref<768xf32, #tpu.memory_space<vmem>>)
      tpu.yield
    }) : () -> ()
    "tpu.region"() ({
      %run_scoped3A = tpu.sem_alloc : memref<!tpu.dma_semaphore, #tpu.memory_space<semaphore_mem>>
      tpu.enqueue_dma source(%arg8 : memref<768xf32, #tpu.memory_space<hbm>>) target(%arg16 : memref<768xf32, #tpu.memory_space<vmem>>) target_semaphore(%run_scoped3A : memref<!tpu.dma_semaphore, #tpu.memory_space<semaphore_mem>>)
      tpu.wait_dma2 semaphore(%run_scoped3A : memref<!tpu.dma_semaphore, #tpu.memory_space<semaphore_mem>>) src(%arg8 : memref<768xf32, #tpu.memory_space<hbm>>) dst(%arg16 : memref<768xf32, #tpu.memory_space<vmem>>)
      tpu.yield
    }) : () -> ()
    %scan3A = arith.constant 0 : i32
    %scan3A_3 = arith.constant 0 : i32
    %scan3A_4 = arith.constant 4 : i32
    %scan3A_5 = arith.addi %scan3A_3, %scan3A_4 : i32
    %scan3A_6 = arith.constant 1 : i32
    scf.for %scan3A_8 = %scan3A_3 to %scan3A_5 step %scan3A_6  : i32 {
      %mul3A_9 = arith.constant 64 : i32
      %mul3A_10 = arith.muli %scan3A_8, %mul3A_9 : i32
      %add3A_11 = arith.addi %mul3A_2, %mul3A_10 : i32
      "tpu.region"() ({
        %run_scoped3A = tpu.sem_alloc : memref<!tpu.dma_semaphore, #tpu.memory_space<semaphore_mem>>
        %dma_start3A_23 = tpu.memref_slice %arg2[%add3A_11] : memref<8192xi32, #tpu.memory_space<hbm>> -> memref<64xi32, #tpu.memory_space<hbm>>
        %dma_start3A_24 = tpu.memref_slice %arg2[%add3A_11] : memref<8192xi32, #tpu.memory_space<hbm>> -> memref<64xi32, #tpu.memory_space<hbm>>
        tpu.enqueue_dma source(%dma_start3A_24 : memref<64xi32, #tpu.memory_space<hbm>>) target(%arg10 : memref<64xi32, #tpu.memory_space<vmem>>) target_semaphore(%run_scoped3A : memref<!tpu.dma_semaphore, #tpu.memory_space<semaphore_mem>>)
        %dma_wait3A_25 = tpu.memref_slice %arg2[%add3A_11] : memref<8192xi32, #tpu.memory_space<hbm>> -> memref<64xi32, #tpu.memory_space<hbm>>
        %dma_wait3A_26 = tpu.memref_slice %arg2[%add3A_11] : memref<8192xi32, #tpu.memory_space<hbm>> -> memref<64xi32, #tpu.memory_space<hbm>>
        tpu.wait_dma2 semaphore(%run_scoped3A : memref<!tpu.dma_semaphore, #tpu.memory_space<semaphore_mem>>) src(%dma_wait3A_26 : memref<64xi32, #tpu.memory_space<hbm>>) dst(%arg10 : memref<64xi32, #tpu.memory_space<vmem>>)
        tpu.yield
      }) : () -> ()
      "tpu.region"() ({
        %run_scoped3A = tpu.sem_alloc : memref<!tpu.dma_semaphore, #tpu.memory_space<semaphore_mem>>
        %dma_start3A_23 = tpu.memref_slice %arg3[%add3A_11] : memref<8192xi32, #tpu.memory_space<hbm>> -> memref<64xi32, #tpu.memory_space<hbm>>
        %dma_start3A_24 = tpu.memref_slice %arg3[%add3A_11] : memref<8192xi32, #tpu.memory_space<hbm>> -> memref<64xi32, #tpu.memory_space<hbm>>
        tpu.enqueue_dma source(%dma_start3A_24 : memref<64xi32, #tpu.memory_space<hbm>>) target(%arg11 : memref<64xi32, #tpu.memory_space<vmem>>) target_semaphore(%run_scoped3A : memref<!tpu.dma_semaphore, #tpu.memory_space<semaphore_mem>>)
        %dma_wait3A_25 = tpu.memref_slice %arg3[%add3A_11] : memref<8192xi32, #tpu.memory_space<hbm>> -> memref<64xi32, #tpu.memory_space<hbm>>
        %dma_wait3A_26 = tpu.memref_slice %arg3[%add3A_11] : memref<8192xi32, #tpu.memory_space<hbm>> -> memref<64xi32, #tpu.memory_space<hbm>>
        tpu.wait_dma2 semaphore(%run_scoped3A : memref<!tpu.dma_semaphore, #tpu.memory_space<semaphore_mem>>) src(%dma_wait3A_26 : memref<64xi32, #tpu.memory_space<hbm>>) dst(%arg11 : memref<64xi32, #tpu.memory_space<vmem>>)
        tpu.yield
      }) : () -> ()
      %dma_start3A = arith.constant 0 : i32
      %dma_start3A_12 = arith.constant 0 : i32
      %dma_start3A_13 = tpu.memref_slice %arg4[%dma_start3A, %dma_start3A_12] : memref<100000x768xf32, #tpu.memory_space<hbm>> -> memref<100000x768xf32, #tpu.memory_space<hbm>>
      tpu.enqueue_indirect_dma source(%dma_start3A_13 : memref<100000x768xf32, #tpu.memory_space<hbm>>) target(%arg12 : memref<64x768xf32, #tpu.memory_space<vmem>>) offsets(%arg10 : memref<64xi32, #tpu.memory_space<vmem>>) semaphore(%arg17 : memref<!tpu.dma_semaphore, #tpu.memory_space<semaphore_mem>>)
      %dma_wait3A = arith.constant 0 : i32
      %dma_wait3A_14 = arith.constant 0 : i32
      %dma_wait3A_15 = tpu.memref_slice %arg4[%dma_wait3A, %dma_wait3A_14] : memref<100000x768xf32, #tpu.memory_space<hbm>> -> memref<100000x768xf32, #tpu.memory_space<hbm>>
      tpu.wait_indirect_dma semaphore(%arg17 : memref<!tpu.dma_semaphore, #tpu.memory_space<semaphore_mem>>) src(%dma_wait3A_15 : memref<100000x768xf32, #tpu.memory_space<hbm>>) dst(%arg12 : memref<64x768xf32, #tpu.memory_space<vmem>>)
      %rem3A = arith.constant 2048 : i32
      %rem3A_16 = arith.remsi %add3A_11, %rem3A : i32
      "tpu.region"() ({
        %run_scoped3A = tpu.sem_alloc : memref<!tpu.dma_semaphore, #tpu.memory_space<semaphore_mem>>
        %dma_start3A_23 = arith.constant 0 : i32
        %dma_start3A_24 = tpu.memref_slice %arg5[%rem3A_16, %dma_start3A_23] : memref<8192x768xf32, #tpu.memory_space<hbm>> -> memref<64x768xf32, #tpu.memory_space<hbm>>
        %dma_start3A_25 = arith.constant 0 : i32
        %dma_start3A_26 = tpu.memref_slice %arg5[%rem3A_16, %dma_start3A_25] : memref<8192x768xf32, #tpu.memory_space<hbm>> -> memref<64x768xf32, #tpu.memory_space<hbm>>
        tpu.enqueue_dma source(%dma_start3A_26 : memref<64x768xf32, #tpu.memory_space<hbm>>) target(%arg13 : memref<64x768xf32, #tpu.memory_space<vmem>>) target_semaphore(%run_scoped3A : memref<!tpu.dma_semaphore, #tpu.memory_space<semaphore_mem>>)
        %dma_wait3A_27 = arith.constant 0 : i32
        %dma_wait3A_28 = tpu.memref_slice %arg5[%rem3A_16, %dma_wait3A_27] : memref<8192x768xf32, #tpu.memory_space<hbm>> -> memref<64x768xf32, #tpu.memory_space<hbm>>
        %dma_wait3A_29 = arith.constant 0 : i32
        %dma_wait3A_30 = tpu.memref_slice %arg5[%rem3A_16, %dma_wait3A_29] : memref<8192x768xf32, #tpu.memory_space<hbm>> -> memref<64x768xf32, #tpu.memory_space<hbm>>
        tpu.wait_dma2 semaphore(%run_scoped3A : memref<!tpu.dma_semaphore, #tpu.memory_space<semaphore_mem>>) src(%dma_wait3A_30 : memref<64x768xf32, #tpu.memory_space<hbm>>) dst(%arg13 : memref<64x768xf32, #tpu.memory_space<vmem>>)
        tpu.yield
      }) : () -> ()
      %scan3A_17 = arith.constant 0 : i32
      %scan3A_18 = arith.constant 0 : i32
      %scan3A_19 = arith.constant 64 : i32
      %scan3A_20 = arith.addi %scan3A_18, %scan3A_19 : i32
      %scan3A_21 = arith.constant 1 : i32
      scf.for %scan3A_23 = %scan3A_18 to %scan3A_20 step %scan3A_21  : i32 {
        %rem3A_24 = arith.constant 16 : i32
        %rem3A_25 = arith.remsi %scan3A_23, %rem3A_24 : i32
        %sub3A = arith.subi %scan3A_23, %rem3A_25 : i32
        %get3A = arith.index_cast %sub3A : i32 to index
        %get3A_26 = tpu.vector_load %arg11[%get3A] {strides = array<i32>} : memref<64xi32, #tpu.memory_space<vmem>>, vector<16xi32>,
        %convert_element_type3A = arith.sitofp %get3A_26 : vector<16xi32> to vector<16xf32>
        %iota3A = tpu.iota {dimensions = array<i32: 0>} : vector<16xi32>
        %eq3A = vector.broadcast %rem3A_25 : i32 to vector<16xi32>
        %eq3A_27 = arith.cmpi eq, %iota3A, %eq3A : vector<16xi32>
        %jit3A = arith.constant 0.000000e+00 : f32
        %broadcast_in_dim3A = vector.broadcast %jit3A : f32 to vector<16xf32>
        %select_n3A = arith.select %eq3A_27, %convert_element_type3A, %broadcast_in_dim3A : vector<16xi1>, vector<16xf32>
        %reduce_sum3A = arith.constant true
        %reduce_sum3A_28 = vector.broadcast %reduce_sum3A : i1 to vector<16xi1>
        %reduce_sum3A_29 = tpu.scan <sum>, %select_n3A masked %reduce_sum3A_28 : vector<16xf32>, vector<16xi1> -> vector<16xf32>
        %reduce_sum3A_30 = vector.extract %reduce_sum3A_29[15] : f32 from vector<16xf32>
        %broadcast_in_dim3A_31 = vector.broadcast %reduce_sum3A_30 : f32 to vector<16xf32>
        %broadcast_in_dim3A_32 = arith.constant 0.000000e+00 : f32
        %broadcast_in_dim3A_33 = vector.broadcast %broadcast_in_dim3A_32 : f32 to vector<16xf32>
        %broadcast_in_dim3A_34 = arith.constant 0.000000e+00 : f32
        %broadcast_in_dim3A_35 = vector.broadcast %broadcast_in_dim3A_34 : f32 to vector<16xf32>
        %get3A_36 = arith.constant 0 : i32
        %get3A_37 = arith.index_cast %get3A_36 : i32 to index
        %get3A_38 = arith.constant 0 : index
        %get3A_39 = tpu.vector_load %arg14[%get3A_37, %get3A_38] {strides = array<i32>} : memref<2x768xf32, #tpu.memory_space<vmem>>, vector<16xf32>,
        %get3A_40 = arith.constant 1 : i32
        %get3A_41 = arith.index_cast %get3A_40 : i32 to index
        %get3A_42 = arith.constant 0 : index
        %get3A_43 = tpu.vector_load %arg14[%get3A_41, %get3A_42] {strides = array<i32>} : memref<2x768xf32, #tpu.memory_space<vmem>>, vector<16xf32>,
        %get3A_44 = arith.index_cast %scan3A_23 : i32 to index
        %get3A_45 = arith.constant 0 : index
        %get3A_46 = tpu.vector_load %arg12[%get3A_44, %get3A_45] {strides = array<i32>} : memref<64x768xf32, #tpu.memory_space<vmem>>, vector<16xf32>,
        %get3A_47 = arith.index_cast %scan3A_23 : i32 to index
        %get3A_48 = arith.constant 0 : index
        %get3A_49 = tpu.vector_load %arg13[%get3A_47, %get3A_48] {strides = array<i32>} : memref<64x768xf32, #tpu.memory_space<vmem>>, vector<16xf32>,
        %add3A_50 = arith.addf %get3A_46, %get3A_49 : vector<16xf32>
        %sub3A_51 = arith.subf %get3A_43, %get3A_39 : vector<16xf32>
        %mul3A_52 = arith.mulf %broadcast_in_dim3A_31, %sub3A_51 : vector<16xf32>
        %add3A_53 = arith.addf %get3A_39, %mul3A_52 : vector<16xf32>
        %add3A_54 = arith.addf %add3A_50, %add3A_53 : vector<16xf32>
        %swap3A = arith.index_cast %scan3A_23 : i32 to index
        %swap3A_55 = arith.constant 0 : index
        %swap3A_56 = tpu.vector_load %arg12[%swap3A, %swap3A_55] {strides = array<i32>} : memref<64x768xf32, #tpu.memory_space<vmem>>, vector<16xf32>,
        tpu.vector_store %arg12[%swap3A, %swap3A_55], %add3A_54 {strides = array<i32>} : memref<64x768xf32, #tpu.memory_space<vmem>>, vector<16xf32>,
        %add3A_57 = arith.addf %broadcast_in_dim3A_33, %add3A_54 : vector<16xf32>
        %mul3A_58 = arith.mulf %add3A_54, %add3A_54 : vector<16xf32>
        %add3A_59 = arith.addf %broadcast_in_dim3A_35, %mul3A_58 : vector<16xf32>
        %get3A_60 = arith.constant 0 : i32
        %get3A_61 = arith.index_cast %get3A_60 : i32 to index
        %get3A_62 = arith.constant 16 : index
        %get3A_63 = tpu.vector_load %arg14[%get3A_61, %get3A_62] {strides = array<i32>} : memref<2x768xf32, #tpu.memory_space<vmem>>, vector<16xf32>,
        %get3A_64 = arith.constant 1 : i32
        %get3A_65 = arith.index_cast %get3A_64 : i32 to index
        %get3A_66 = arith.constant 16 : index
        %get3A_67 = tpu.vector_load %arg14[%get3A_65, %get3A_66] {strides = array<i32>} : memref<2x768xf32, #tpu.memory_space<vmem>>, vector<16xf32>,
        %get3A_68 = arith.index_cast %scan3A_23 : i32 to index
        %get3A_69 = arith.constant 16 : index
        %get3A_70 = tpu.vector_load %arg12[%get3A_68, %get3A_69] {strides = array<i32>} : memref<64x768xf32, #tpu.memory_space<vmem>>, vector<16xf32>,
        %get3A_71 = arith.index_cast %scan3A_23 : i32 to index
        %get3A_72 = arith.constant 16 : index
        %get3A_73 = tpu.vector_load %arg13[%get3A_71, %get3A_72] {strides = array<i32>} : memref<64x768xf32, #tpu.memory_space<vmem>>, vector<16xf32>,
        %add3A_74 = arith.addf %get3A_70, %get3A_73 : vector<16xf32>
        %sub3A_75 = arith.subf %get3A_67, %get3A_63 : vector<16xf32>
        %mul3A_76 = arith.mulf %broadcast_in_dim3A_31, %sub3A_75 : vector<16xf32>
        %add3A_77 = arith.addf %get3A_63, %mul3A_76 : vector<16xf32>
        %add3A_78 = arith.addf %add3A_74, %add3A_77 : vector<16xf32>
        %swap3A_79 = arith.index_cast %scan3A_23 : i32 to index
        %swap3A_80 = arith.constant 16 : index
        %swap3A_81 = tpu.vector_load %arg12[%swap3A_79, %swap3A_80] {strides = array<i32>} : memref<64x768xf32, #tpu.memory_space<vmem>>, vector<16xf32>,
        tpu.vector_store %arg12[%swap3A_79, %swap3A_80], %add3A_78 {strides = array<i32>} : memref<64x768xf32, #tpu.memory_space<vmem>>, vector<16xf32>,
        %add3A_82 = arith.addf %add3A_57, %add3A_78 : vector<16xf32>
        %mul3A_83 = arith.mulf %add3A_78, %add3A_78 : vector<16xf32>
        %add3A_84 = arith.addf %add3A_59, %mul3A_83 : vector<16xf32>
        %get3A_85 = arith.constant 0 : i32
        %get3A_86 = arith.index_cast %get3A_85 : i32 to index
        %get3A_87 = arith.constant 32 : index
        %get3A_88 = tpu.vector_load %arg14[%get3A_86, %get3A_87] {strides = array<i32>} : memref<2x768xf32, #tpu.memory_space<vmem>>, vector<16xf32>,
        %get3A_89 = arith.constant 1 : i32
        %get3A_90 = arith.index_cast %get3A_89 : i32 to index
        %get3A_91 = arith.constant 32 : index
        %get3A_92 = tpu.vector_load %arg14[%get3A_90, %get3A_91] {strides = array<i32>} : memref<2x768xf32, #tpu.memory_space<vmem>>, vector<16xf32>,
        %get3A_93 = arith.index_cast %scan3A_23 : i32 to index
        %get3A_94 = arith.constant 32 : index
        %get3A_95 = tpu.vector_load %arg12[%get3A_93, %get3A_94] {strides = array<i32>} : memref<64x768xf32, #tpu.memory_space<vmem>>, vector<16xf32>,
        %get3A_96 = arith.index_cast %scan3A_23 : i32 to index
        %get3A_97 = arith.constant 32 : index
        %get3A_98 = tpu.vector_load %arg13[%get3A_96, %get3A_97] {strides = array<i32>} : memref<64x768xf32, #tpu.memory_space<vmem>>, vector<16xf32>,
        %add3A_99 = arith.addf %get3A_95, %get3A_98 : vector<16xf32>
        %sub3A_100 = arith.subf %get3A_92, %get3A_88 : vector<16xf32>
        %mul3A_101 = arith.mulf %broadcast_in_dim3A_31, %sub3A_100 : vector<16xf32>
        %add3A_102 = arith.addf %get3A_88, %mul3A_101 : vector<16xf32>
        %add3A_103 = arith.addf %add3A_99, %add3A_102 : vector<16xf32>
        %swap3A_104 = arith.index_cast %scan3A_23 : i32 to index
        %swap3A_105 = arith.constant 32 : index
        %swap3A_106 = tpu.vector_load %arg12[%swap3A_104, %swap3A_105] {strides = array<i32>} : memref<64x768xf32, #tpu.memory_space<vmem>>, vector<16xf32>,
        tpu.vector_store %arg12[%swap3A_104, %swap3A_105], %add3A_103 {strides = array<i32>} : memref<64x768xf32, #tpu.memory_space<vmem>>, vector<16xf32>,
        %add3A_107 = arith.addf %add3A_82, %add3A_103 : vector<16xf32>
        %mul3A_108 = arith.mulf %add3A_103, %add3A_103 : vector<16xf32>
        %add3A_109 = arith.addf %add3A_84, %mul3A_108 : vector<16xf32>
        %get3A_110 = arith.constant 0 : i32
        %get3A_111 = arith.index_cast %get3A_110 : i32 to index
        %get3A_112 = arith.constant 48 : index
        %get3A_113 = tpu.vector_load %arg14[%get3A_111, %get3A_112] {strides = array<i32>} : memref<2x768xf32, #tpu.memory_space<vmem>>, vector<16xf32>,
        %get3A_114 = arith.constant 1 : i32
        %get3A_115 = arith.index_cast %get3A_114 : i32 to index
        %get3A_116 = arith.constant 48 : index
        %get3A_117 = tpu.vector_load %arg14[%get3A_115, %get3A_116] {strides = array<i32>} : memref<2x768xf32, #tpu.memory_space<vmem>>, vector<16xf32>,
        %get3A_118 = arith.index_cast %scan3A_23 : i32 to index
        %get3A_119 = arith.constant 48 : index
        %get3A_120 = tpu.vector_load %arg12[%get3A_118, %get3A_119] {strides = array<i32>} : memref<64x768xf32, #tpu.memory_space<vmem>>, vector<16xf32>,
        %get3A_121 = arith.index_cast %scan3A_23 : i32 to index
        %get3A_122 = arith.constant 48 : index
        %get3A_123 = tpu.vector_load %arg13[%get3A_121, %get3A_122] {strides = array<i32>} : memref<64x768xf32, #tpu.memory_space<vmem>>, vector<16xf32>,
        %add3A_124 = arith.addf %get3A_120, %get3A_123 : vector<16xf32>
        %sub3A_125 = arith.subf %get3A_117, %get3A_113 : vector<16xf32>
        %mul3A_126 = arith.mulf %broadcast_in_dim3A_31, %sub3A_125 : vector<16xf32>
        %add3A_127 = arith.addf %get3A_113, %mul3A_126 : vector<16xf32>
        %add3A_128 = arith.addf %add3A_124, %add3A_127 : vector<16xf32>
        %swap3A_129 = arith.index_cast %scan3A_23 : i32 to index
        %swap3A_130 = arith.constant 48 : index
        %swap3A_131 = tpu.vector_load %arg12[%swap3A_129, %swap3A_130] {strides = array<i32>} : memref<64x768xf32, #tpu.memory_space<vmem>>, vector<16xf32>,
        tpu.vector_store %arg12[%swap3A_129, %swap3A_130], %add3A_128 {strides = array<i32>} : memref<64x768xf32, #tpu.memory_space<vmem>>, vector<16xf32>,
        %add3A_132 = arith.addf %add3A_107, %add3A_128 : vector<16xf32>
        %mul3A_133 = arith.mulf %add3A_128, %add3A_128 : vector<16xf32>
        %add3A_134 = arith.addf %add3A_109, %mul3A_133 : vector<16xf32>
        %get3A_135 = arith.constant 0 : i32
        %get3A_136 = arith.index_cast %get3A_135 : i32 to index
        %get3A_137 = arith.constant 64 : index
        %get3A_138 = tpu.vector_load %arg14[%get3A_136, %get3A_137] {strides = array<i32>} : memref<2x768xf32, #tpu.memory_space<vmem>>, vector<16xf32>,
        %get3A_139 = arith.constant 1 : i32
        %get3A_140 = arith.index_cast %get3A_139 : i32 to index
        %get3A_141 = arith.constant 64 : index
        %get3A_142 = tpu.vector_load %arg14[%get3A_140, %get3A_141] {strides = array<i32>} : memref<2x768xf32, #tpu.memory_space<vmem>>, vector<16xf32>,
        %get3A_143 = arith.index_cast %scan3A_23 : i32 to index
        %get3A_144 = arith.constant 64 : index
        %get3A_145 = tpu.vector_load %arg12[%get3A_143, %get3A_144] {strides = array<i32>} : memref<64x768xf32, #tpu.memory_space<vmem>>, vector<16xf32>,
        %get3A_146 = arith.index_cast %scan3A_23 : i32 to index
        %get3A_147 = arith.constant 64 : index
        %get3A_148 = tpu.vector_load %arg13[%get3A_146, %get3A_147] {strides = array<i32>} : memref<64x768xf32, #tpu.memory_space<vmem>>, vector<16xf32>,
        %add3A_149 = arith.addf %get3A_145, %get3A_148 : vector<16xf32>
        %sub3A_150 = arith.subf %get3A_142, %get3A_138 : vector<16xf32>
        %mul3A_151 = arith.mulf %broadcast_in_dim3A_31, %sub3A_150 : vector<16xf32>
        %add3A_152 = arith.addf %get3A_138, %mul3A_151 : vector<16xf32>
        %add3A_153 = arith.addf %add3A_149, %add3A_152 : vector<16xf32>
        %swap3A_154 = arith.index_cast %scan3A_23 : i32 to index
        %swap3A_155 = arith.constant 64 : index
        %swap3A_156 = tpu.vector_load %arg12[%swap3A_154, %swap3A_155] {strides = array<i32>} : memref<64x768xf32, #tpu.memory_space<vmem>>, vector<16xf32>,
        tpu.vector_store %arg12[%swap3A_154, %swap3A_155], %add3A_153 {strides = array<i32>} : memref<64x768xf32, #tpu.memory_space<vmem>>, vector<16xf32>,
        %add3A_157 = arith.addf %add3A_132, %add3A_153 : vector<16xf32>
        %mul3A_158 = arith.mulf %add3A_153, %add3A_153 : vector<16xf32>
        %add3A_159 = arith.addf %add3A_134, %mul3A_158 : vector<16xf32>
        %get3A_160 = arith.constant 0 : i32
        %get3A_161 = arith.index_cast %get3A_160 : i32 to index
        %get3A_162 = arith.constant 80 : index
        %get3A_163 = tpu.vector_load %arg14[%get3A_161, %get3A_162] {strides = array<i32>} : memref<2x768xf32, #tpu.memory_space<vmem>>, vector<16xf32>,
        %get3A_164 = arith.constant 1 : i32
        %get3A_165 = arith.index_cast %get3A_164 : i32 to index
        %get3A_166 = arith.constant 80 : index
        %get3A_167 = tpu.vector_load %arg14[%get3A_165, %get3A_166] {strides = array<i32>} : memref<2x768xf32, #tpu.memory_space<vmem>>, vector<16xf32>,
        %get3A_168 = arith.index_cast %scan3A_23 : i32 to index
        %get3A_169 = arith.constant 80 : index
        %get3A_170 = tpu.vector_load %arg12[%get3A_168, %get3A_169] {strides = array<i32>} : memref<64x768xf32, #tpu.memory_space<vmem>>, vector<16xf32>,
        %get3A_171 = arith.index_cast %scan3A_23 : i32 to index
        %get3A_172 = arith.constant 80 : index
        %get3A_173 = tpu.vector_load %arg13[%get3A_171, %get3A_172] {strides = array<i32>} : memref<64x768xf32, #tpu.memory_space<vmem>>, vector<16xf32>,
        %add3A_174 = arith.addf %get3A_170, %get3A_173 : vector<16xf32>
        %sub3A_175 = arith.subf %get3A_167, %get3A_163 : vector<16xf32>
        %mul3A_176 = arith.mulf %broadcast_in_dim3A_31, %sub3A_175 : vector<16xf32>
        %add3A_177 = arith.addf %get3A_163, %mul3A_176 : vector<16xf32>
        %add3A_178 = arith.addf %add3A_174, %add3A_177 : vector<16xf32>
        %swap3A_179 = arith.index_cast %scan3A_23 : i32 to index
        %swap3A_180 = arith.constant 80 : index
        %swap3A_181 = tpu.vector_load %arg12[%swap3A_179, %swap3A_180] {strides = array<i32>} : memref<64x768xf32, #tpu.memory_space<vmem>>, vector<16xf32>,
        tpu.vector_store %arg12[%swap3A_179, %swap3A_180], %add3A_178 {strides = array<i32>} : memref<64x768xf32, #tpu.memory_space<vmem>>, vector<16xf32>,
        %add3A_182 = arith.addf %add3A_157, %add3A_178 : vector<16xf32>
        %mul3A_183 = arith.mulf %add3A_178, %add3A_178 : vector<16xf32>
        %add3A_184 = arith.addf %add3A_159, %mul3A_183 : vector<16xf32>
        %get3A_185 = arith.constant 0 : i32
        %get3A_186 = arith.index_cast %get3A_185 : i32 to index
        %get3A_187 = arith.constant 96 : index
        %get3A_188 = tpu.vector_load %arg14[%get3A_186, %get3A_187] {strides = array<i32>} : memref<2x768xf32, #tpu.memory_space<vmem>>, vector<16xf32>,
        %get3A_189 = arith.constant 1 : i32
        %get3A_190 = arith.index_cast %get3A_189 : i32 to index
        %get3A_191 = arith.constant 96 : index
        %get3A_192 = tpu.vector_load %arg14[%get3A_190, %get3A_191] {strides = array<i32>} : memref<2x768xf32, #tpu.memory_space<vmem>>, vector<16xf32>,
        %get3A_193 = arith.index_cast %scan3A_23 : i32 to index
        %get3A_194 = arith.constant 96 : index
        %get3A_195 = tpu.vector_load %arg12[%get3A_193, %get3A_194] {strides = array<i32>} : memref<64x768xf32, #tpu.memory_space<vmem>>, vector<16xf32>,
        %get3A_196 = arith.index_cast %scan3A_23 : i32 to index
        %get3A_197 = arith.constant 96 : index
        %get3A_198 = tpu.vector_load %arg13[%get3A_196, %get3A_197] {strides = array<i32>} : memref<64x768xf32, #tpu.memory_space<vmem>>, vector<16xf32>,
        %add3A_199 = arith.addf %get3A_195, %get3A_198 : vector<16xf32>
        %sub3A_200 = arith.subf %get3A_192, %get3A_188 : vector<16xf32>
        %mul3A_201 = arith.mulf %broadcast_in_dim3A_31, %sub3A_200 : vector<16xf32>
        %add3A_202 = arith.addf %get3A_188, %mul3A_201 : vector<16xf32>
        %add3A_203 = arith.addf %add3A_199, %add3A_202 : vector<16xf32>
        %swap3A_204 = arith.index_cast %scan3A_23 : i32 to index
        %swap3A_205 = arith.constant 96 : index
        %swap3A_206 = tpu.vector_load %arg12[%swap3A_204, %swap3A_205] {strides = array<i32>} : memref<64x768xf32, #tpu.memory_space<vmem>>, vector<16xf32>,
        tpu.vector_store %arg12[%swap3A_204, %swap3A_205], %add3A_203 {strides = array<i32>} : memref<64x768xf32, #tpu.memory_space<vmem>>, vector<16xf32>,
        %add3A_207 = arith.addf %add3A_182, %add3A_203 : vector<16xf32>
        %mul3A_208 = arith.mulf %add3A_203, %add3A_203 : vector<16xf32>
        %add3A_209 = arith.addf %add3A_184, %mul3A_208 : vector<16xf32>
        %get3A_210 = arith.constant 0 : i32
        %get3A_211 = arith.index_cast %get3A_210 : i32 to index
        %get3A_212 = arith.constant 112 : index
        %get3A_213 = tpu.vector_load %arg14[%get3A_211, %get3A_212] {strides = array<i32>} : memref<2x768xf32, #tpu.memory_space<vmem>>, vector<16xf32>,
        %get3A_214 = arith.constant 1 : i32
        %get3A_215 = arith.index_cast %get3A_214 : i32 to index
        %get3A_216 = arith.constant 112 : index
        %get3A_217 = tpu.vector_load %arg14[%get3A_215, %get3A_216] {strides = array<i32>} : memref<2x768xf32, #tpu.memory_space<vmem>>, vector<16xf32>,
        %get3A_218 = arith.index_cast %scan3A_23 : i32 to index
        %get3A_219 = arith.constant 112 : index
        %get3A_220 = tpu.vector_load %arg12[%get3A_218, %get3A_219] {strides = array<i32>} : memref<64x768xf32, #tpu.memory_space<vmem>>, vector<16xf32>,
        %get3A_221 = arith.index_cast %scan3A_23 : i32 to index
        %get3A_222 = arith.constant 112 : index
        %get3A_223 = tpu.vector_load %arg13[%get3A_221, %get3A_222] {strides = array<i32>} : memref<64x768xf32, #tpu.memory_space<vmem>>, vector<16xf32>,
        %add3A_224 = arith.addf %get3A_220, %get3A_223 : vector<16xf32>
        %sub3A_225 = arith.subf %get3A_217, %get3A_213 : vector<16xf32>
        %mul3A_226 = arith.mulf %broadcast_in_dim3A_31, %sub3A_225 : vector<16xf32>
        %add3A_227 = arith.addf %get3A_213, %mul3A_226 : vector<16xf32>
        %add3A_228 = arith.addf %add3A_224, %add3A_227 : vector<16xf32>
        %swap3A_229 = arith.index_cast %scan3A_23 : i32 to index
        %swap3A_230 = arith.constant 112 : index
        %swap3A_231 = tpu.vector_load %arg12[%swap3A_229, %swap3A_230] {strides = array<i32>} : memref<64x768xf32, #tpu.memory_space<vmem>>, vector<16xf32>,
        tpu.vector_store %arg12[%swap3A_229, %swap3A_230], %add3A_228 {strides = array<i32>} : memref<64x768xf32, #tpu.memory_space<vmem>>, vector<16xf32>,
        %add3A_232 = arith.addf %add3A_207, %add3A_228 : vector<16xf32>
        %mul3A_233 = arith.mulf %add3A_228, %add3A_228 : vector<16xf32>
        %add3A_234 = arith.addf %add3A_209, %mul3A_233 : vector<16xf32>
        %get3A_235 = arith.constant 0 : i32
        %get3A_236 = arith.index_cast %get3A_235 : i32 to index
        %get3A_237 = arith.constant 128 : index
        %get3A_238 = tpu.vector_load %arg14[%get3A_236, %get3A_237] {strides = array<i32>} : memref<2x768xf32, #tpu.memory_space<vmem>>, vector<16xf32>,
        %get3A_239 = arith.constant 1 : i32
        %get3A_240 = arith.index_cast %get3A_239 : i32 to index
        %get3A_241 = arith.constant 128 : index
        %get3A_242 = tpu.vector_load %arg14[%get3A_240, %get3A_241] {strides = array<i32>} : memref<2x768xf32, #tpu.memory_space<vmem>>, vector<16xf32>,
        %get3A_243 = arith.index_cast %scan3A_23 : i32 to index
        %get3A_244 = arith.constant 128 : index
        %get3A_245 = tpu.vector_load %arg12[%get3A_243, %get3A_244] {strides = array<i32>} : memref<64x768xf32, #tpu.memory_space<vmem>>, vector<16xf32>,
        %get3A_246 = arith.index_cast %scan3A_23 : i32 to index
        %get3A_247 = arith.constant 128 : index
        %get3A_248 = tpu.vector_load %arg13[%get3A_246, %get3A_247] {strides = array<i32>} : memref<64x768xf32, #tpu.memory_space<vmem>>, vector<16xf32>,
        %add3A_249 = arith.addf %get3A_245, %get3A_248 : vector<16xf32>
        %sub3A_250 = arith.subf %get3A_242, %get3A_238 : vector<16xf32>
        %mul3A_251 = arith.mulf %broadcast_in_dim3A_31, %sub3A_250 : vector<16xf32>
        %add3A_252 = arith.addf %get3A_238, %mul3A_251 : vector<16xf32>
        %add3A_253 = arith.addf %add3A_249, %add3A_252 : vector<16xf32>
        %swap3A_254 = arith.index_cast %scan3A_23 : i32 to index
        %swap3A_255 = arith.constant 128 : index
        %swap3A_256 = tpu.vector_load %arg12[%swap3A_254, %swap3A_255] {strides = array<i32>} : memref<64x768xf32, #tpu.memory_space<vmem>>, vector<16xf32>,
        tpu.vector_store %arg12[%swap3A_254, %swap3A_255], %add3A_253 {strides = array<i32>} : memref<64x768xf32, #tpu.memory_space<vmem>>, vector<16xf32>,
        %add3A_257 = arith.addf %add3A_232, %add3A_253 : vector<16xf32>
        %mul3A_258 = arith.mulf %add3A_253, %add3A_253 : vector<16xf32>
        %add3A_259 = arith.addf %add3A_234, %mul3A_258 : vector<16xf32>
        %get3A_260 = arith.constant 0 : i32
        %get3A_261 = arith.index_cast %get3A_260 : i32 to index
        %get3A_262 = arith.constant 144 : index
        %get3A_263 = tpu.vector_load %arg14[%get3A_261, %get3A_262] {strides = array<i32>} : memref<2x768xf32, #tpu.memory_space<vmem>>, vector<16xf32>,
        %get3A_264 = arith.constant 1 : i32
        %get3A_265 = arith.index_cast %get3A_264 : i32 to index
        %get3A_266 = arith.constant 144 : index
        %get3A_267 = tpu.vector_load %arg14[%get3A_265, %get3A_266] {strides = array<i32>} : memref<2x768xf32, #tpu.memory_space<vmem>>, vector<16xf32>,
        %get3A_268 = arith.index_cast %scan3A_23 : i32 to index
        %get3A_269 = arith.constant 144 : index
        %get3A_270 = tpu.vector_load %arg12[%get3A_268, %get3A_269] {strides = array<i32>} : memref<64x768xf32, #tpu.memory_space<vmem>>, vector<16xf32>,
        %get3A_271 = arith.index_cast %scan3A_23 : i32 to index
        %get3A_272 = arith.constant 144 : index
        %get3A_273 = tpu.vector_load %arg13[%get3A_271, %get3A_272] {strides = array<i32>} : memref<64x768xf32, #tpu.memory_space<vmem>>, vector<16xf32>,
        %add3A_274 = arith.addf %get3A_270, %get3A_273 : vector<16xf32>
        %sub3A_275 = arith.subf %get3A_267, %get3A_263 : vector<16xf32>
        %mul3A_276 = arith.mulf %broadcast_in_dim3A_31, %sub3A_275 : vector<16xf32>
        %add3A_277 = arith.addf %get3A_263, %mul3A_276 : vector<16xf32>
        %add3A_278 = arith.addf %add3A_274, %add3A_277 : vector<16xf32>
        %swap3A_279 = arith.index_cast %scan3A_23 : i32 to index
        %swap3A_280 = arith.constant 144 : index
        %swap3A_281 = tpu.vector_load %arg12[%swap3A_279, %swap3A_280] {strides = array<i32>} : memref<64x768xf32, #tpu.memory_space<vmem>>, vector<16xf32>,
        tpu.vector_store %arg12[%swap3A_279, %swap3A_280], %add3A_278 {strides = array<i32>} : memref<64x768xf32, #tpu.memory_space<vmem>>, vector<16xf32>,
        %add3A_282 = arith.addf %add3A_257, %add3A_278 : vector<16xf32>
        %mul3A_283 = arith.mulf %add3A_278, %add3A_278 : vector<16xf32>
        %add3A_284 = arith.addf %add3A_259, %mul3A_283 : vector<16xf32>
        %get3A_285 = arith.constant 0 : i32
        %get3A_286 = arith.index_cast %get3A_285 : i32 to index
        %get3A_287 = arith.constant 160 : index
        %get3A_288 = tpu.vector_load %arg14[%get3A_286, %get3A_287] {strides = array<i32>} : memref<2x768xf32, #tpu.memory_space<vmem>>, vector<16xf32>,
        %get3A_289 = arith.constant 1 : i32
        %get3A_290 = arith.index_cast %get3A_289 : i32 to index
        %get3A_291 = arith.constant 160 : index
        %get3A_292 = tpu.vector_load %arg14[%get3A_290, %get3A_291] {strides = array<i32>} : memref<2x768xf32, #tpu.memory_space<vmem>>, vector<16xf32>,
        %get3A_293 = arith.index_cast %scan3A_23 : i32 to index
        %get3A_294 = arith.constant 160 : index
        %get3A_295 = tpu.vector_load %arg12[%get3A_293, %get3A_294] {strides = array<i32>} : memref<64x768xf32, #tpu.memory_space<vmem>>, vector<16xf32>,
        %get3A_296 = arith.index_cast %scan3A_23 : i32 to index
        %get3A_297 = arith.constant 160 : index
        %get3A_298 = tpu.vector_load %arg13[%get3A_296, %get3A_297] {strides = array<i32>} : memref<64x768xf32, #tpu.memory_space<vmem>>, vector<16xf32>,
        %add3A_299 = arith.addf %get3A_295, %get3A_298 : vector<16xf32>
        %sub3A_300 = arith.subf %get3A_292, %get3A_288 : vector<16xf32>
        %mul3A_301 = arith.mulf %broadcast_in_dim3A_31, %sub3A_300 : vector<16xf32>
        %add3A_302 = arith.addf %get3A_288, %mul3A_301 : vector<16xf32>
        %add3A_303 = arith.addf %add3A_299, %add3A_302 : vector<16xf32>
        %swap3A_304 = arith.index_cast %scan3A_23 : i32 to index
        %swap3A_305 = arith.constant 160 : index
        %swap3A_306 = tpu.vector_load %arg12[%swap3A_304, %swap3A_305] {strides = array<i32>} : memref<64x768xf32, #tpu.memory_space<vmem>>, vector<16xf32>,
        tpu.vector_store %arg12[%swap3A_304, %swap3A_305], %add3A_303 {strides = array<i32>} : memref<64x768xf32, #tpu.memory_space<vmem>>, vector<16xf32>,
        %add3A_307 = arith.addf %add3A_282, %add3A_303 : vector<16xf32>
        %mul3A_308 = arith.mulf %add3A_303, %add3A_303 : vector<16xf32>
        %add3A_309 = arith.addf %add3A_284, %mul3A_308 : vector<16xf32>
        %get3A_310 = arith.constant 0 : i32
        %get3A_311 = arith.index_cast %get3A_310 : i32 to index
        %get3A_312 = arith.constant 176 : index
        %get3A_313 = tpu.vector_load %arg14[%get3A_311, %get3A_312] {strides = array<i32>} : memref<2x768xf32, #tpu.memory_space<vmem>>, vector<16xf32>,
        %get3A_314 = arith.constant 1 : i32
        %get3A_315 = arith.index_cast %get3A_314 : i32 to index
        %get3A_316 = arith.constant 176 : index
        %get3A_317 = tpu.vector_load %arg14[%get3A_315, %get3A_316] {strides = array<i32>} : memref<2x768xf32, #tpu.memory_space<vmem>>, vector<16xf32>,
        %get3A_318 = arith.index_cast %scan3A_23 : i32 to index
        %get3A_319 = arith.constant 176 : index
        %get3A_320 = tpu.vector_load %arg12[%get3A_318, %get3A_319] {strides = array<i32>} : memref<64x768xf32, #tpu.memory_space<vmem>>, vector<16xf32>,
        %get3A_321 = arith.index_cast %scan3A_23 : i32 to index
        %get3A_322 = arith.constant 176 : index
        %get3A_323 = tpu.vector_load %arg13[%get3A_321, %get3A_322] {strides = array<i32>} : memref<64x768xf32, #tpu.memory_space<vmem>>, vector<16xf32>,
        %add3A_324 = arith.addf %get3A_320, %get3A_323 : vector<16xf32>
        %sub3A_325 = arith.subf %get3A_317, %get3A_313 : vector<16xf32>
        %mul3A_326 = arith.mulf %broadcast_in_dim3A_31, %sub3A_325 : vector<16xf32>
        %add3A_327 = arith.addf %get3A_313, %mul3A_326 : vector<16xf32>
        %add3A_328 = arith.addf %add3A_324, %add3A_327 : vector<16xf32>
        %swap3A_329 = arith.index_cast %scan3A_23 : i32 to index
        %swap3A_330 = arith.constant 176 : index
        %swap3A_331 = tpu.vector_load %arg12[%swap3A_329, %swap3A_330] {strides = array<i32>} : memref<64x768xf32, #tpu.memory_space<vmem>>, vector<16xf32>,
        tpu.vector_store %arg12[%swap3A_329, %swap3A_330], %add3A_328 {strides = array<i32>} : memref<64x768xf32, #tpu.memory_space<vmem>>, vector<16xf32>,
        %add3A_332 = arith.addf %add3A_307, %add3A_328 : vector<16xf32>
        %mul3A_333 = arith.mulf %add3A_328, %add3A_328 : vector<16xf32>
        %add3A_334 = arith.addf %add3A_309, %mul3A_333 : vector<16xf32>
        %get3A_335 = arith.constant 0 : i32
        %get3A_336 = arith.index_cast %get3A_335 : i32 to index
        %get3A_337 = arith.constant 192 : index
        %get3A_338 = tpu.vector_load %arg14[%get3A_336, %get3A_337] {strides = array<i32>} : memref<2x768xf32, #tpu.memory_space<vmem>>, vector<16xf32>,
        %get3A_339 = arith.constant 1 : i32
        %get3A_340 = arith.index_cast %get3A_339 : i32 to index
        %get3A_341 = arith.constant 192 : index
        %get3A_342 = tpu.vector_load %arg14[%get3A_340, %get3A_341] {strides = array<i32>} : memref<2x768xf32, #tpu.memory_space<vmem>>, vector<16xf32>,
        %get3A_343 = arith.index_cast %scan3A_23 : i32 to index
        %get3A_344 = arith.constant 192 : index
        %get3A_345 = tpu.vector_load %arg12[%get3A_343, %get3A_344] {strides = array<i32>} : memref<64x768xf32, #tpu.memory_space<vmem>>, vector<16xf32>,
        %get3A_346 = arith.index_cast %scan3A_23 : i32 to index
        %get3A_347 = arith.constant 192 : index
        %get3A_348 = tpu.vector_load %arg13[%get3A_346, %get3A_347] {strides = array<i32>} : memref<64x768xf32, #tpu.memory_space<vmem>>, vector<16xf32>,
        %add3A_349 = arith.addf %get3A_345, %get3A_348 : vector<16xf32>
        %sub3A_350 = arith.subf %get3A_342, %get3A_338 : vector<16xf32>
        %mul3A_351 = arith.mulf %broadcast_in_dim3A_31, %sub3A_350 : vector<16xf32>
        %add3A_352 = arith.addf %get3A_338, %mul3A_351 : vector<16xf32>
        %add3A_353 = arith.addf %add3A_349, %add3A_352 : vector<16xf32>
        %swap3A_354 = arith.index_cast %scan3A_23 : i32 to index
        %swap3A_355 = arith.constant 192 : index
        %swap3A_356 = tpu.vector_load %arg12[%swap3A_354, %swap3A_355] {strides = array<i32>} : memref<64x768xf32, #tpu.memory_space<vmem>>, vector<16xf32>,
        tpu.vector_store %arg12[%swap3A_354, %swap3A_355], %add3A_353 {strides = array<i32>} : memref<64x768xf32, #tpu.memory_space<vmem>>, vector<16xf32>,
        %add3A_357 = arith.addf %add3A_332, %add3A_353 : vector<16xf32>
        %mul3A_358 = arith.mulf %add3A_353, %add3A_353 : vector<16xf32>
        %add3A_359 = arith.addf %add3A_334, %mul3A_358 : vector<16xf32>
        %get3A_360 = arith.constant 0 : i32
        %get3A_361 = arith.index_cast %get3A_360 : i32 to index
        %get3A_362 = arith.constant 208 : index
        %get3A_363 = tpu.vector_load %arg14[%get3A_361, %get3A_362] {strides = array<i32>} : memref<2x768xf32, #tpu.memory_space<vmem>>, vector<16xf32>,
        %get3A_364 = arith.constant 1 : i32
        %get3A_365 = arith.index_cast %get3A_364 : i32 to index
        %get3A_366 = arith.constant 208 : index
        %get3A_367 = tpu.vector_load %arg14[%get3A_365, %get3A_366] {strides = array<i32>} : memref<2x768xf32, #tpu.memory_space<vmem>>, vector<16xf32>,
        %get3A_368 = arith.index_cast %scan3A_23 : i32 to index
        %get3A_369 = arith.constant 208 : index
        %get3A_370 = tpu.vector_load %arg12[%get3A_368, %get3A_369] {strides = array<i32>} : memref<64x768xf32, #tpu.memory_space<vmem>>, vector<16xf32>,
        %get3A_371 = arith.index_cast %scan3A_23 : i32 to index
        %get3A_372 = arith.constant 208 : index
        %get3A_373 = tpu.vector_load %arg13[%get3A_371, %get3A_372] {strides = array<i32>} : memref<64x768xf32, #tpu.memory_space<vmem>>, vector<16xf32>,
        %add3A_374 = arith.addf %get3A_370, %get3A_373 : vector<16xf32>
        %sub3A_375 = arith.subf %get3A_367, %get3A_363 : vector<16xf32>
        %mul3A_376 = arith.mulf %broadcast_in_dim3A_31, %sub3A_375 : vector<16xf32>
        %add3A_377 = arith.addf %get3A_363, %mul3A_376 : vector<16xf32>
        %add3A_378 = arith.addf %add3A_374, %add3A_377 : vector<16xf32>
        %swap3A_379 = arith.index_cast %scan3A_23 : i32 to index
        %swap3A_380 = arith.constant 208 : index
        %swap3A_381 = tpu.vector_load %arg12[%swap3A_379, %swap3A_380] {strides = array<i32>} : memref<64x768xf32, #tpu.memory_space<vmem>>, vector<16xf32>,
        tpu.vector_store %arg12[%swap3A_379, %swap3A_380], %add3A_378 {strides = array<i32>} : memref<64x768xf32, #tpu.memory_space<vmem>>, vector<16xf32>,
        %add3A_382 = arith.addf %add3A_357, %add3A_378 : vector<16xf32>
        %mul3A_383 = arith.mulf %add3A_378, %add3A_378 : vector<16xf32>
        %add3A_384 = arith.addf %add3A_359, %mul3A_383 : vector<16xf32>
        %get3A_385 = arith.constant 0 : i32
        %get3A_386 = arith.index_cast %get3A_385 : i32 to index
        %get3A_387 = arith.constant 224 : index
        %get3A_388 = tpu.vector_load %arg14[%get3A_386, %get3A_387] {strides = array<i32>} : memref<2x768xf32, #tpu.memory_space<vmem>>, vector<16xf32>,
        %get3A_389 = arith.constant 1 : i32
        %get3A_390 = arith.index_cast %get3A_389 : i32 to index
        %get3A_391 = arith.constant 224 : index
        %get3A_392 = tpu.vector_load %arg14[%get3A_390, %get3A_391] {strides = array<i32>} : memref<2x768xf32, #tpu.memory_space<vmem>>, vector<16xf32>,
        %get3A_393 = arith.index_cast %scan3A_23 : i32 to index
        %get3A_394 = arith.constant 224 : index
        %get3A_395 = tpu.vector_load %arg12[%get3A_393, %get3A_394] {strides = array<i32>} : memref<64x768xf32, #tpu.memory_space<vmem>>, vector<16xf32>,
        %get3A_396 = arith.index_cast %scan3A_23 : i32 to index
        %get3A_397 = arith.constant 224 : index
        %get3A_398 = tpu.vector_load %arg13[%get3A_396, %get3A_397] {strides = array<i32>} : memref<64x768xf32, #tpu.memory_space<vmem>>, vector<16xf32>,
        %add3A_399 = arith.addf %get3A_395, %get3A_398 : vector<16xf32>
        %sub3A_400 = arith.subf %get3A_392, %get3A_388 : vector<16xf32>
        %mul3A_401 = arith.mulf %broadcast_in_dim3A_31, %sub3A_400 : vector<16xf32>
        %add3A_402 = arith.addf %get3A_388, %mul3A_401 : vector<16xf32>
        %add3A_403 = arith.addf %add3A_399, %add3A_402 : vector<16xf32>
        %swap3A_404 = arith.index_cast %scan3A_23 : i32 to index
        %swap3A_405 = arith.constant 224 : index
        %swap3A_406 = tpu.vector_load %arg12[%swap3A_404, %swap3A_405] {strides = array<i32>} : memref<64x768xf32, #tpu.memory_space<vmem>>, vector<16xf32>,
        tpu.vector_store %arg12[%swap3A_404, %swap3A_405], %add3A_403 {strides = array<i32>} : memref<64x768xf32, #tpu.memory_space<vmem>>, vector<16xf32>,
        %add3A_407 = arith.addf %add3A_382, %add3A_403 : vector<16xf32>
        %mul3A_408 = arith.mulf %add3A_403, %add3A_403 : vector<16xf32>
        %add3A_409 = arith.addf %add3A_384, %mul3A_408 : vector<16xf32>
        %get3A_410 = arith.constant 0 : i32
        %get3A_411 = arith.index_cast %get3A_410 : i32 to index
        %get3A_412 = arith.constant 240 : index
        %get3A_413 = tpu.vector_load %arg14[%get3A_411, %get3A_412] {strides = array<i32>} : memref<2x768xf32, #tpu.memory_space<vmem>>, vector<16xf32>,
        %get3A_414 = arith.constant 1 : i32
        %get3A_415 = arith.index_cast %get3A_414 : i32 to index
        %get3A_416 = arith.constant 240 : index
        %get3A_417 = tpu.vector_load %arg14[%get3A_415, %get3A_416] {strides = array<i32>} : memref<2x768xf32, #tpu.memory_space<vmem>>, vector<16xf32>,
        %get3A_418 = arith.index_cast %scan3A_23 : i32 to index
        %get3A_419 = arith.constant 240 : index
        %get3A_420 = tpu.vector_load %arg12[%get3A_418, %get3A_419] {strides = array<i32>} : memref<64x768xf32, #tpu.memory_space<vmem>>, vector<16xf32>,
        %get3A_421 = arith.index_cast %scan3A_23 : i32 to index
        %get3A_422 = arith.constant 240 : index
        %get3A_423 = tpu.vector_load %arg13[%get3A_421, %get3A_422] {strides = array<i32>} : memref<64x768xf32, #tpu.memory_space<vmem>>, vector<16xf32>,
        %add3A_424 = arith.addf %get3A_420, %get3A_423 : vector<16xf32>
        %sub3A_425 = arith.subf %get3A_417, %get3A_413 : vector<16xf32>
        %mul3A_426 = arith.mulf %broadcast_in_dim3A_31, %sub3A_425 : vector<16xf32>
        %add3A_427 = arith.addf %get3A_413, %mul3A_426 : vector<16xf32>
        %add3A_428 = arith.addf %add3A_424, %add3A_427 : vector<16xf32>
        %swap3A_429 = arith.index_cast %scan3A_23 : i32 to index
        %swap3A_430 = arith.constant 240 : index
        %swap3A_431 = tpu.vector_load %arg12[%swap3A_429, %swap3A_430] {strides = array<i32>} : memref<64x768xf32, #tpu.memory_space<vmem>>, vector<16xf32>,
        tpu.vector_store %arg12[%swap3A_429, %swap3A_430], %add3A_428 {strides = array<i32>} : memref<64x768xf32, #tpu.memory_space<vmem>>, vector<16xf32>,
        %add3A_432 = arith.addf %add3A_407, %add3A_428 : vector<16xf32>
        %mul3A_433 = arith.mulf %add3A_428, %add3A_428 : vector<16xf32>
        %add3A_434 = arith.addf %add3A_409, %mul3A_433 : vector<16xf32>
        %get3A_435 = arith.constant 0 : i32
        %get3A_436 = arith.index_cast %get3A_435 : i32 to index
        %get3A_437 = arith.constant 256 : index
        %get3A_438 = tpu.vector_load %arg14[%get3A_436, %get3A_437] {strides = array<i32>} : memref<2x768xf32, #tpu.memory_space<vmem>>, vector<16xf32>,
        %get3A_439 = arith.constant 1 : i32
        %get3A_440 = arith.index_cast %get3A_439 : i32 to index
        %get3A_441 = arith.constant 256 : index
        %get3A_442 = tpu.vector_load %arg14[%get3A_440, %get3A_441] {strides = array<i32>} : memref<2x768xf32, #tpu.memory_space<vmem>>, vector<16xf32>,
        %get3A_443 = arith.index_cast %scan3A_23 : i32 to index
        %get3A_444 = arith.constant 256 : index
        %get3A_445 = tpu.vector_load %arg12[%get3A_443, %get3A_444] {strides = array<i32>} : memref<64x768xf32, #tpu.memory_space<vmem>>, vector<16xf32>,
        %get3A_446 = arith.index_cast %scan3A_23 : i32 to index
        %get3A_447 = arith.constant 256 : index
        %get3A_448 = tpu.vector_load %arg13[%get3A_446, %get3A_447] {strides = array<i32>} : memref<64x768xf32, #tpu.memory_space<vmem>>, vector<16xf32>,
        %add3A_449 = arith.addf %get3A_445, %get3A_448 : vector<16xf32>
        %sub3A_450 = arith.subf %get3A_442, %get3A_438 : vector<16xf32>
        %mul3A_451 = arith.mulf %broadcast_in_dim3A_31, %sub3A_450 : vector<16xf32>
        %add3A_452 = arith.addf %get3A_438, %mul3A_451 : vector<16xf32>
        %add3A_453 = arith.addf %add3A_449, %add3A_452 : vector<16xf32>
        %swap3A_454 = arith.index_cast %scan3A_23 : i32 to index
        %swap3A_455 = arith.constant 256 : index
        %swap3A_456 = tpu.vector_load %arg12[%swap3A_454, %swap3A_455] {strides = array<i32>} : memref<64x768xf32, #tpu.memory_space<vmem>>, vector<16xf32>,
        tpu.vector_store %arg12[%swap3A_454, %swap3A_455], %add3A_453 {strides = array<i32>} : memref<64x768xf32, #tpu.memory_space<vmem>>, vector<16xf32>,
        %add3A_457 = arith.addf %add3A_432, %add3A_453 : vector<16xf32>
        %mul3A_458 = arith.mulf %add3A_453, %add3A_453 : vector<16xf32>
        %add3A_459 = arith.addf %add3A_434, %mul3A_458 : vector<16xf32>
        %get3A_460 = arith.constant 0 : i32
        %get3A_461 = arith.index_cast %get3A_460 : i32 to index
        %get3A_462 = arith.constant 272 : index
        %get3A_463 = tpu.vector_load %arg14[%get3A_461, %get3A_462] {strides = array<i32>} : memref<2x768xf32, #tpu.memory_space<vmem>>, vector<16xf32>,
        %get3A_464 = arith.constant 1 : i32
        %get3A_465 = arith.index_cast %get3A_464 : i32 to index
        %get3A_466 = arith.constant 272 : index
        %get3A_467 = tpu.vector_load %arg14[%get3A_465, %get3A_466] {strides = array<i32>} : memref<2x768xf32, #tpu.memory_space<vmem>>, vector<16xf32>,
        %get3A_468 = arith.index_cast %scan3A_23 : i32 to index
        %get3A_469 = arith.constant 272 : index
        %get3A_470 = tpu.vector_load %arg12[%get3A_468, %get3A_469] {strides = array<i32>} : memref<64x768xf32, #tpu.memory_space<vmem>>, vector<16xf32>,
        %get3A_471 = arith.index_cast %scan3A_23 : i32 to index
        %get3A_472 = arith.constant 272 : index
        %get3A_473 = tpu.vector_load %arg13[%get3A_471, %get3A_472] {strides = array<i32>} : memref<64x768xf32, #tpu.memory_space<vmem>>, vector<16xf32>,
        %add3A_474 = arith.addf %get3A_470, %get3A_473 : vector<16xf32>
        %sub3A_475 = arith.subf %get3A_467, %get3A_463 : vector<16xf32>
        %mul3A_476 = arith.mulf %broadcast_in_dim3A_31, %sub3A_475 : vector<16xf32>
        %add3A_477 = arith.addf %get3A_463, %mul3A_476 : vector<16xf32>
        %add3A_478 = arith.addf %add3A_474, %add3A_477 : vector<16xf32>
        %swap3A_479 = arith.index_cast %scan3A_23 : i32 to index
        %swap3A_480 = arith.constant 272 : index
        %swap3A_481 = tpu.vector_load %arg12[%swap3A_479, %swap3A_480] {strides = array<i32>} : memref<64x768xf32, #tpu.memory_space<vmem>>, vector<16xf32>,
        tpu.vector_store %arg12[%swap3A_479, %swap3A_480], %add3A_478 {strides = array<i32>} : memref<64x768xf32, #tpu.memory_space<vmem>>, vector<16xf32>,
        %add3A_482 = arith.addf %add3A_457, %add3A_478 : vector<16xf32>
        %mul3A_483 = arith.mulf %add3A_478, %add3A_478 : vector<16xf32>
        %add3A_484 = arith.addf %add3A_459, %mul3A_483 : vector<16xf32>
        %get3A_485 = arith.constant 0 : i32
        %get3A_486 = arith.index_cast %get3A_485 : i32 to index
        %get3A_487 = arith.constant 288 : index
        %get3A_488 = tpu.vector_load %arg14[%get3A_486, %get3A_487] {strides = array<i32>} : memref<2x768xf32, #tpu.memory_space<vmem>>, vector<16xf32>,
        %get3A_489 = arith.constant 1 : i32
        %get3A_490 = arith.index_cast %get3A_489 : i32 to index
        %get3A_491 = arith.constant 288 : index
        %get3A_492 = tpu.vector_load %arg14[%get3A_490, %get3A_491] {strides = array<i32>} : memref<2x768xf32, #tpu.memory_space<vmem>>, vector<16xf32>,
        %get3A_493 = arith.index_cast %scan3A_23 : i32 to index
        %get3A_494 = arith.constant 288 : index
        %get3A_495 = tpu.vector_load %arg12[%get3A_493, %get3A_494] {strides = array<i32>} : memref<64x768xf32, #tpu.memory_space<vmem>>, vector<16xf32>,
        %get3A_496 = arith.index_cast %scan3A_23 : i32 to index
        %get3A_497 = arith.constant 288 : index
        %get3A_498 = tpu.vector_load %arg13[%get3A_496, %get3A_497] {strides = array<i32>} : memref<64x768xf32, #tpu.memory_space<vmem>>, vector<16xf32>,
        %add3A_499 = arith.addf %get3A_495, %get3A_498 : vector<16xf32>
        %sub3A_500 = arith.subf %get3A_492, %get3A_488 : vector<16xf32>
        %mul3A_501 = arith.mulf %broadcast_in_dim3A_31, %sub3A_500 : vector<16xf32>
        %add3A_502 = arith.addf %get3A_488, %mul3A_501 : vector<16xf32>
        %add3A_503 = arith.addf %add3A_499, %add3A_502 : vector<16xf32>
        %swap3A_504 = arith.index_cast %scan3A_23 : i32 to index
        %swap3A_505 = arith.constant 288 : index
        %swap3A_506 = tpu.vector_load %arg12[%swap3A_504, %swap3A_505] {strides = array<i32>} : memref<64x768xf32, #tpu.memory_space<vmem>>, vector<16xf32>,
        tpu.vector_store %arg12[%swap3A_504, %swap3A_505], %add3A_503 {strides = array<i32>} : memref<64x768xf32, #tpu.memory_space<vmem>>, vector<16xf32>,
        %add3A_507 = arith.addf %add3A_482, %add3A_503 : vector<16xf32>
        %mul3A_508 = arith.mulf %add3A_503, %add3A_503 : vector<16xf32>
        %add3A_509 = arith.addf %add3A_484, %mul3A_508 : vector<16xf32>
        %get3A_510 = arith.constant 0 : i32
        %get3A_511 = arith.index_cast %get3A_510 : i32 to index
        %get3A_512 = arith.constant 304 : index
        %get3A_513 = tpu.vector_load %arg14[%get3A_511, %get3A_512] {strides = array<i32>} : memref<2x768xf32, #tpu.memory_space<vmem>>, vector<16xf32>,
        %get3A_514 = arith.constant 1 : i32
        %get3A_515 = arith.index_cast %get3A_514 : i32 to index
        %get3A_516 = arith.constant 304 : index
        %get3A_517 = tpu.vector_load %arg14[%get3A_515, %get3A_516] {strides = array<i32>} : memref<2x768xf32, #tpu.memory_space<vmem>>, vector<16xf32>,
        %get3A_518 = arith.index_cast %scan3A_23 : i32 to index
        %get3A_519 = arith.constant 304 : index
        %get3A_520 = tpu.vector_load %arg12[%get3A_518, %get3A_519] {strides = array<i32>} : memref<64x768xf32, #tpu.memory_space<vmem>>, vector<16xf32>,
        %get3A_521 = arith.index_cast %scan3A_23 : i32 to index
        %get3A_522 = arith.constant 304 : index
        %get3A_523 = tpu.vector_load %arg13[%get3A_521, %get3A_522] {strides = array<i32>} : memref<64x768xf32, #tpu.memory_space<vmem>>, vector<16xf32>,
        %add3A_524 = arith.addf %get3A_520, %get3A_523 : vector<16xf32>
        %sub3A_525 = arith.subf %get3A_517, %get3A_513 : vector<16xf32>
        %mul3A_526 = arith.mulf %broadcast_in_dim3A_31, %sub3A_525 : vector<16xf32>
        %add3A_527 = arith.addf %get3A_513, %mul3A_526 : vector<16xf32>
        %add3A_528 = arith.addf %add3A_524, %add3A_527 : vector<16xf32>
        %swap3A_529 = arith.index_cast %scan3A_23 : i32 to index
        %swap3A_530 = arith.constant 304 : index
        %swap3A_531 = tpu.vector_load %arg12[%swap3A_529, %swap3A_530] {strides = array<i32>} : memref<64x768xf32, #tpu.memory_space<vmem>>, vector<16xf32>,
        tpu.vector_store %arg12[%swap3A_529, %swap3A_530], %add3A_528 {strides = array<i32>} : memref<64x768xf32, #tpu.memory_space<vmem>>, vector<16xf32>,
        %add3A_532 = arith.addf %add3A_507, %add3A_528 : vector<16xf32>
        %mul3A_533 = arith.mulf %add3A_528, %add3A_528 : vector<16xf32>
        %add3A_534 = arith.addf %add3A_509, %mul3A_533 : vector<16xf32>
        %get3A_535 = arith.constant 0 : i32
        %get3A_536 = arith.index_cast %get3A_535 : i32 to index
        %get3A_537 = arith.constant 320 : index
        %get3A_538 = tpu.vector_load %arg14[%get3A_536, %get3A_537] {strides = array<i32>} : memref<2x768xf32, #tpu.memory_space<vmem>>, vector<16xf32>,
        %get3A_539 = arith.constant 1 : i32
        %get3A_540 = arith.index_cast %get3A_539 : i32 to index
        %get3A_541 = arith.constant 320 : index
        %get3A_542 = tpu.vector_load %arg14[%get3A_540, %get3A_541] {strides = array<i32>} : memref<2x768xf32, #tpu.memory_space<vmem>>, vector<16xf32>,
        %get3A_543 = arith.index_cast %scan3A_23 : i32 to index
        %get3A_544 = arith.constant 320 : index
        %get3A_545 = tpu.vector_load %arg12[%get3A_543, %get3A_544] {strides = array<i32>} : memref<64x768xf32, #tpu.memory_space<vmem>>, vector<16xf32>,
        %get3A_546 = arith.index_cast %scan3A_23 : i32 to index
        %get3A_547 = arith.constant 320 : index
        %get3A_548 = tpu.vector_load %arg13[%get3A_546, %get3A_547] {strides = array<i32>} : memref<64x768xf32, #tpu.memory_space<vmem>>, vector<16xf32>,
        %add3A_549 = arith.addf %get3A_545, %get3A_548 : vector<16xf32>
        %sub3A_550 = arith.subf %get3A_542, %get3A_538 : vector<16xf32>
        %mul3A_551 = arith.mulf %broadcast_in_dim3A_31, %sub3A_550 : vector<16xf32>
        %add3A_552 = arith.addf %get3A_538, %mul3A_551 : vector<16xf32>
        %add3A_553 = arith.addf %add3A_549, %add3A_552 : vector<16xf32>
        %swap3A_554 = arith.index_cast %scan3A_23 : i32 to index
        %swap3A_555 = arith.constant 320 : index
        %swap3A_556 = tpu.vector_load %arg12[%swap3A_554, %swap3A_555] {strides = array<i32>} : memref<64x768xf32, #tpu.memory_space<vmem>>, vector<16xf32>,
        tpu.vector_store %arg12[%swap3A_554, %swap3A_555], %add3A_553 {strides = array<i32>} : memref<64x768xf32, #tpu.memory_space<vmem>>, vector<16xf32>,
        %add3A_557 = arith.addf %add3A_532, %add3A_553 : vector<16xf32>
        %mul3A_558 = arith.mulf %add3A_553, %add3A_553 : vector<16xf32>
        %add3A_559 = arith.addf %add3A_534, %mul3A_558 : vector<16xf32>
        %get3A_560 = arith.constant 0 : i32
        %get3A_561 = arith.index_cast %get3A_560 : i32 to index
        %get3A_562 = arith.constant 336 : index
        %get3A_563 = tpu.vector_load %arg14[%get3A_561, %get3A_562] {strides = array<i32>} : memref<2x768xf32, #tpu.memory_space<vmem>>, vector<16xf32>,
        %get3A_564 = arith.constant 1 : i32
        %get3A_565 = arith.index_cast %get3A_564 : i32 to index
        %get3A_566 = arith.constant 336 : index
        %get3A_567 = tpu.vector_load %arg14[%get3A_565, %get3A_566] {strides = array<i32>} : memref<2x768xf32, #tpu.memory_space<vmem>>, vector<16xf32>,
        %get3A_568 = arith.index_cast %scan3A_23 : i32 to index
        %get3A_569 = arith.constant 336 : index
        %get3A_570 = tpu.vector_load %arg12[%get3A_568, %get3A_569] {strides = array<i32>} : memref<64x768xf32, #tpu.memory_space<vmem>>, vector<16xf32>,
        %get3A_571 = arith.index_cast %scan3A_23 : i32 to index
        %get3A_572 = arith.constant 336 : index
        %get3A_573 = tpu.vector_load %arg13[%get3A_571, %get3A_572] {strides = array<i32>} : memref<64x768xf32, #tpu.memory_space<vmem>>, vector<16xf32>,
        %add3A_574 = arith.addf %get3A_570, %get3A_573 : vector<16xf32>
        %sub3A_575 = arith.subf %get3A_567, %get3A_563 : vector<16xf32>
        %mul3A_576 = arith.mulf %broadcast_in_dim3A_31, %sub3A_575 : vector<16xf32>
        %add3A_577 = arith.addf %get3A_563, %mul3A_576 : vector<16xf32>
        %add3A_578 = arith.addf %add3A_574, %add3A_577 : vector<16xf32>
        %swap3A_579 = arith.index_cast %scan3A_23 : i32 to index
        %swap3A_580 = arith.constant 336 : index
        %swap3A_581 = tpu.vector_load %arg12[%swap3A_579, %swap3A_580] {strides = array<i32>} : memref<64x768xf32, #tpu.memory_space<vmem>>, vector<16xf32>,
        tpu.vector_store %arg12[%swap3A_579, %swap3A_580], %add3A_578 {strides = array<i32>} : memref<64x768xf32, #tpu.memory_space<vmem>>, vector<16xf32>,
        %add3A_582 = arith.addf %add3A_557, %add3A_578 : vector<16xf32>
        %mul3A_583 = arith.mulf %add3A_578, %add3A_578 : vector<16xf32>
        %add3A_584 = arith.addf %add3A_559, %mul3A_583 : vector<16xf32>
        %get3A_585 = arith.constant 0 : i32
        %get3A_586 = arith.index_cast %get3A_585 : i32 to index
        %get3A_587 = arith.constant 352 : index
        %get3A_588 = tpu.vector_load %arg14[%get3A_586, %get3A_587] {strides = array<i32>} : memref<2x768xf32, #tpu.memory_space<vmem>>, vector<16xf32>,
        %get3A_589 = arith.constant 1 : i32
        %get3A_590 = arith.index_cast %get3A_589 : i32 to index
        %get3A_591 = arith.constant 352 : index
        %get3A_592 = tpu.vector_load %arg14[%get3A_590, %get3A_591] {strides = array<i32>} : memref<2x768xf32, #tpu.memory_space<vmem>>, vector<16xf32>,
        %get3A_593 = arith.index_cast %scan3A_23 : i32 to index
        %get3A_594 = arith.constant 352 : index
        %get3A_595 = tpu.vector_load %arg12[%get3A_593, %get3A_594] {strides = array<i32>} : memref<64x768xf32, #tpu.memory_space<vmem>>, vector<16xf32>,
        %get3A_596 = arith.index_cast %scan3A_23 : i32 to index
        %get3A_597 = arith.constant 352 : index
        %get3A_598 = tpu.vector_load %arg13[%get3A_596, %get3A_597] {strides = array<i32>} : memref<64x768xf32, #tpu.memory_space<vmem>>, vector<16xf32>,
        %add3A_599 = arith.addf %get3A_595, %get3A_598 : vector<16xf32>
        %sub3A_600 = arith.subf %get3A_592, %get3A_588 : vector<16xf32>
        %mul3A_601 = arith.mulf %broadcast_in_dim3A_31, %sub3A_600 : vector<16xf32>
        %add3A_602 = arith.addf %get3A_588, %mul3A_601 : vector<16xf32>
        %add3A_603 = arith.addf %add3A_599, %add3A_602 : vector<16xf32>
        %swap3A_604 = arith.index_cast %scan3A_23 : i32 to index
        %swap3A_605 = arith.constant 352 : index
        %swap3A_606 = tpu.vector_load %arg12[%swap3A_604, %swap3A_605] {strides = array<i32>} : memref<64x768xf32, #tpu.memory_space<vmem>>, vector<16xf32>,
        tpu.vector_store %arg12[%swap3A_604, %swap3A_605], %add3A_603 {strides = array<i32>} : memref<64x768xf32, #tpu.memory_space<vmem>>, vector<16xf32>,
        %add3A_607 = arith.addf %add3A_582, %add3A_603 : vector<16xf32>
        %mul3A_608 = arith.mulf %add3A_603, %add3A_603 : vector<16xf32>
        %add3A_609 = arith.addf %add3A_584, %mul3A_608 : vector<16xf32>
        %get3A_610 = arith.constant 0 : i32
        %get3A_611 = arith.index_cast %get3A_610 : i32 to index
        %get3A_612 = arith.constant 368 : index
        %get3A_613 = tpu.vector_load %arg14[%get3A_611, %get3A_612] {strides = array<i32>} : memref<2x768xf32, #tpu.memory_space<vmem>>, vector<16xf32>,
        %get3A_614 = arith.constant 1 : i32
        %get3A_615 = arith.index_cast %get3A_614 : i32 to index
        %get3A_616 = arith.constant 368 : index
        %get3A_617 = tpu.vector_load %arg14[%get3A_615, %get3A_616] {strides = array<i32>} : memref<2x768xf32, #tpu.memory_space<vmem>>, vector<16xf32>,
        %get3A_618 = arith.index_cast %scan3A_23 : i32 to index
        %get3A_619 = arith.constant 368 : index
        %get3A_620 = tpu.vector_load %arg12[%get3A_618, %get3A_619] {strides = array<i32>} : memref<64x768xf32, #tpu.memory_space<vmem>>, vector<16xf32>,
        %get3A_621 = arith.index_cast %scan3A_23 : i32 to index
        %get3A_622 = arith.constant 368 : index
        %get3A_623 = tpu.vector_load %arg13[%get3A_621, %get3A_622] {strides = array<i32>} : memref<64x768xf32, #tpu.memory_space<vmem>>, vector<16xf32>,
        %add3A_624 = arith.addf %get3A_620, %get3A_623 : vector<16xf32>
        %sub3A_625 = arith.subf %get3A_617, %get3A_613 : vector<16xf32>
        %mul3A_626 = arith.mulf %broadcast_in_dim3A_31, %sub3A_625 : vector<16xf32>
        %add3A_627 = arith.addf %get3A_613, %mul3A_626 : vector<16xf32>
        %add3A_628 = arith.addf %add3A_624, %add3A_627 : vector<16xf32>
        %swap3A_629 = arith.index_cast %scan3A_23 : i32 to index
        %swap3A_630 = arith.constant 368 : index
        %swap3A_631 = tpu.vector_load %arg12[%swap3A_629, %swap3A_630] {strides = array<i32>} : memref<64x768xf32, #tpu.memory_space<vmem>>, vector<16xf32>,
        tpu.vector_store %arg12[%swap3A_629, %swap3A_630], %add3A_628 {strides = array<i32>} : memref<64x768xf32, #tpu.memory_space<vmem>>, vector<16xf32>,
        %add3A_632 = arith.addf %add3A_607, %add3A_628 : vector<16xf32>
        %mul3A_633 = arith.mulf %add3A_628, %add3A_628 : vector<16xf32>
        %add3A_634 = arith.addf %add3A_609, %mul3A_633 : vector<16xf32>
        %get3A_635 = arith.constant 0 : i32
        %get3A_636 = arith.index_cast %get3A_635 : i32 to index
        %get3A_637 = arith.constant 384 : index
        %get3A_638 = tpu.vector_load %arg14[%get3A_636, %get3A_637] {strides = array<i32>} : memref<2x768xf32, #tpu.memory_space<vmem>>, vector<16xf32>,
        %get3A_639 = arith.constant 1 : i32
        %get3A_640 = arith.index_cast %get3A_639 : i32 to index
        %get3A_641 = arith.constant 384 : index
        %get3A_642 = tpu.vector_load %arg14[%get3A_640, %get3A_641] {strides = array<i32>} : memref<2x768xf32, #tpu.memory_space<vmem>>, vector<16xf32>,
        %get3A_643 = arith.index_cast %scan3A_23 : i32 to index
        %get3A_644 = arith.constant 384 : index
        %get3A_645 = tpu.vector_load %arg12[%get3A_643, %get3A_644] {strides = array<i32>} : memref<64x768xf32, #tpu.memory_space<vmem>>, vector<16xf32>,
        %get3A_646 = arith.index_cast %scan3A_23 : i32 to index
        %get3A_647 = arith.constant 384 : index
        %get3A_648 = tpu.vector_load %arg13[%get3A_646, %get3A_647] {strides = array<i32>} : memref<64x768xf32, #tpu.memory_space<vmem>>, vector<16xf32>,
        %add3A_649 = arith.addf %get3A_645, %get3A_648 : vector<16xf32>
        %sub3A_650 = arith.subf %get3A_642, %get3A_638 : vector<16xf32>
        %mul3A_651 = arith.mulf %broadcast_in_dim3A_31, %sub3A_650 : vector<16xf32>
        %add3A_652 = arith.addf %get3A_638, %mul3A_651 : vector<16xf32>
        %add3A_653 = arith.addf %add3A_649, %add3A_652 : vector<16xf32>
        %swap3A_654 = arith.index_cast %scan3A_23 : i32 to index
        %swap3A_655 = arith.constant 384 : index
        %swap3A_656 = tpu.vector_load %arg12[%swap3A_654, %swap3A_655] {strides = array<i32>} : memref<64x768xf32, #tpu.memory_space<vmem>>, vector<16xf32>,
        tpu.vector_store %arg12[%swap3A_654, %swap3A_655], %add3A_653 {strides = array<i32>} : memref<64x768xf32, #tpu.memory_space<vmem>>, vector<16xf32>,
        %add3A_657 = arith.addf %add3A_632, %add3A_653 : vector<16xf32>
        %mul3A_658 = arith.mulf %add3A_653, %add3A_653 : vector<16xf32>
        %add3A_659 = arith.addf %add3A_634, %mul3A_658 : vector<16xf32>
        %get3A_660 = arith.constant 0 : i32
        %get3A_661 = arith.index_cast %get3A_660 : i32 to index
        %get3A_662 = arith.constant 400 : index
        %get3A_663 = tpu.vector_load %arg14[%get3A_661, %get3A_662] {strides = array<i32>} : memref<2x768xf32, #tpu.memory_space<vmem>>, vector<16xf32>,
        %get3A_664 = arith.constant 1 : i32
        %get3A_665 = arith.index_cast %get3A_664 : i32 to index
        %get3A_666 = arith.constant 400 : index
        %get3A_667 = tpu.vector_load %arg14[%get3A_665, %get3A_666] {strides = array<i32>} : memref<2x768xf32, #tpu.memory_space<vmem>>, vector<16xf32>,
        %get3A_668 = arith.index_cast %scan3A_23 : i32 to index
        %get3A_669 = arith.constant 400 : index
        %get3A_670 = tpu.vector_load %arg12[%get3A_668, %get3A_669] {strides = array<i32>} : memref<64x768xf32, #tpu.memory_space<vmem>>, vector<16xf32>,
        %get3A_671 = arith.index_cast %scan3A_23 : i32 to index
        %get3A_672 = arith.constant 400 : index
        %get3A_673 = tpu.vector_load %arg13[%get3A_671, %get3A_672] {strides = array<i32>} : memref<64x768xf32, #tpu.memory_space<vmem>>, vector<16xf32>,
        %add3A_674 = arith.addf %get3A_670, %get3A_673 : vector<16xf32>
        %sub3A_675 = arith.subf %get3A_667, %get3A_663 : vector<16xf32>
        %mul3A_676 = arith.mulf %broadcast_in_dim3A_31, %sub3A_675 : vector<16xf32>
        %add3A_677 = arith.addf %get3A_663, %mul3A_676 : vector<16xf32>
        %add3A_678 = arith.addf %add3A_674, %add3A_677 : vector<16xf32>
        %swap3A_679 = arith.index_cast %scan3A_23 : i32 to index
        %swap3A_680 = arith.constant 400 : index
        %swap3A_681 = tpu.vector_load %arg12[%swap3A_679, %swap3A_680] {strides = array<i32>} : memref<64x768xf32, #tpu.memory_space<vmem>>, vector<16xf32>,
        tpu.vector_store %arg12[%swap3A_679, %swap3A_680], %add3A_678 {strides = array<i32>} : memref<64x768xf32, #tpu.memory_space<vmem>>, vector<16xf32>,
        %add3A_682 = arith.addf %add3A_657, %add3A_678 : vector<16xf32>
        %mul3A_683 = arith.mulf %add3A_678, %add3A_678 : vector<16xf32>
        %add3A_684 = arith.addf %add3A_659, %mul3A_683 : vector<16xf32>
        %get3A_685 = arith.constant 0 : i32
        %get3A_686 = arith.index_cast %get3A_685 : i32 to index
        %get3A_687 = arith.constant 416 : index
        %get3A_688 = tpu.vector_load %arg14[%get3A_686, %get3A_687] {strides = array<i32>} : memref<2x768xf32, #tpu.memory_space<vmem>>, vector<16xf32>,
        %get3A_689 = arith.constant 1 : i32
        %get3A_690 = arith.index_cast %get3A_689 : i32 to index
        %get3A_691 = arith.constant 416 : index
        %get3A_692 = tpu.vector_load %arg14[%get3A_690, %get3A_691] {strides = array<i32>} : memref<2x768xf32, #tpu.memory_space<vmem>>, vector<16xf32>,
        %get3A_693 = arith.index_cast %scan3A_23 : i32 to index
        %get3A_694 = arith.constant 416 : index
        %get3A_695 = tpu.vector_load %arg12[%get3A_693, %get3A_694] {strides = array<i32>} : memref<64x768xf32, #tpu.memory_space<vmem>>, vector<16xf32>,
        %get3A_696 = arith.index_cast %scan3A_23 : i32 to index
        %get3A_697 = arith.constant 416 : index
        %get3A_698 = tpu.vector_load %arg13[%get3A_696, %get3A_697] {strides = array<i32>} : memref<64x768xf32, #tpu.memory_space<vmem>>, vector<16xf32>,
        %add3A_699 = arith.addf %get3A_695, %get3A_698 : vector<16xf32>
        %sub3A_700 = arith.subf %get3A_692, %get3A_688 : vector<16xf32>
        %mul3A_701 = arith.mulf %broadcast_in_dim3A_31, %sub3A_700 : vector<16xf32>
        %add3A_702 = arith.addf %get3A_688, %mul3A_701 : vector<16xf32>
        %add3A_703 = arith.addf %add3A_699, %add3A_702 : vector<16xf32>
        %swap3A_704 = arith.index_cast %scan3A_23 : i32 to index
        %swap3A_705 = arith.constant 416 : index
        %swap3A_706 = tpu.vector_load %arg12[%swap3A_704, %swap3A_705] {strides = array<i32>} : memref<64x768xf32, #tpu.memory_space<vmem>>, vector<16xf32>,
        tpu.vector_store %arg12[%swap3A_704, %swap3A_705], %add3A_703 {strides = array<i32>} : memref<64x768xf32, #tpu.memory_space<vmem>>, vector<16xf32>,
        %add3A_707 = arith.addf %add3A_682, %add3A_703 : vector<16xf32>
        %mul3A_708 = arith.mulf %add3A_703, %add3A_703 : vector<16xf32>
        %add3A_709 = arith.addf %add3A_684, %mul3A_708 : vector<16xf32>
        %get3A_710 = arith.constant 0 : i32
        %get3A_711 = arith.index_cast %get3A_710 : i32 to index
        %get3A_712 = arith.constant 432 : index
        %get3A_713 = tpu.vector_load %arg14[%get3A_711, %get3A_712] {strides = array<i32>} : memref<2x768xf32, #tpu.memory_space<vmem>>, vector<16xf32>,
        %get3A_714 = arith.constant 1 : i32
        %get3A_715 = arith.index_cast %get3A_714 : i32 to index
        %get3A_716 = arith.constant 432 : index
        %get3A_717 = tpu.vector_load %arg14[%get3A_715, %get3A_716] {strides = array<i32>} : memref<2x768xf32, #tpu.memory_space<vmem>>, vector<16xf32>,
        %get3A_718 = arith.index_cast %scan3A_23 : i32 to index
        %get3A_719 = arith.constant 432 : index
        %get3A_720 = tpu.vector_load %arg12[%get3A_718, %get3A_719] {strides = array<i32>} : memref<64x768xf32, #tpu.memory_space<vmem>>, vector<16xf32>,
        %get3A_721 = arith.index_cast %scan3A_23 : i32 to index
        %get3A_722 = arith.constant 432 : index
        %get3A_723 = tpu.vector_load %arg13[%get3A_721, %get3A_722] {strides = array<i32>} : memref<64x768xf32, #tpu.memory_space<vmem>>, vector<16xf32>,
        %add3A_724 = arith.addf %get3A_720, %get3A_723 : vector<16xf32>
        %sub3A_725 = arith.subf %get3A_717, %get3A_713 : vector<16xf32>
        %mul3A_726 = arith.mulf %broadcast_in_dim3A_31, %sub3A_725 : vector<16xf32>
        %add3A_727 = arith.addf %get3A_713, %mul3A_726 : vector<16xf32>
        %add3A_728 = arith.addf %add3A_724, %add3A_727 : vector<16xf32>
        %swap3A_729 = arith.index_cast %scan3A_23 : i32 to index
        %swap3A_730 = arith.constant 432 : index
        %swap3A_731 = tpu.vector_load %arg12[%swap3A_729, %swap3A_730] {strides = array<i32>} : memref<64x768xf32, #tpu.memory_space<vmem>>, vector<16xf32>,
        tpu.vector_store %arg12[%swap3A_729, %swap3A_730], %add3A_728 {strides = array<i32>} : memref<64x768xf32, #tpu.memory_space<vmem>>, vector<16xf32>,
        %add3A_732 = arith.addf %add3A_707, %add3A_728 : vector<16xf32>
        %mul3A_733 = arith.mulf %add3A_728, %add3A_728 : vector<16xf32>
        %add3A_734 = arith.addf %add3A_709, %mul3A_733 : vector<16xf32>
        %get3A_735 = arith.constant 0 : i32
        %get3A_736 = arith.index_cast %get3A_735 : i32 to index
        %get3A_737 = arith.constant 448 : index
        %get3A_738 = tpu.vector_load %arg14[%get3A_736, %get3A_737] {strides = array<i32>} : memref<2x768xf32, #tpu.memory_space<vmem>>, vector<16xf32>,
        %get3A_739 = arith.constant 1 : i32
        %get3A_740 = arith.index_cast %get3A_739 : i32 to index
        %get3A_741 = arith.constant 448 : index
        %get3A_742 = tpu.vector_load %arg14[%get3A_740, %get3A_741] {strides = array<i32>} : memref<2x768xf32, #tpu.memory_space<vmem>>, vector<16xf32>,
        %get3A_743 = arith.index_cast %scan3A_23 : i32 to index
        %get3A_744 = arith.constant 448 : index
        %get3A_745 = tpu.vector_load %arg12[%get3A_743, %get3A_744] {strides = array<i32>} : memref<64x768xf32, #tpu.memory_space<vmem>>, vector<16xf32>,
        %get3A_746 = arith.index_cast %scan3A_23 : i32 to index
        %get3A_747 = arith.constant 448 : index
        %get3A_748 = tpu.vector_load %arg13[%get3A_746, %get3A_747] {strides = array<i32>} : memref<64x768xf32, #tpu.memory_space<vmem>>, vector<16xf32>,
        %add3A_749 = arith.addf %get3A_745, %get3A_748 : vector<16xf32>
        %sub3A_750 = arith.subf %get3A_742, %get3A_738 : vector<16xf32>
        %mul3A_751 = arith.mulf %broadcast_in_dim3A_31, %sub3A_750 : vector<16xf32>
        %add3A_752 = arith.addf %get3A_738, %mul3A_751 : vector<16xf32>
        %add3A_753 = arith.addf %add3A_749, %add3A_752 : vector<16xf32>
        %swap3A_754 = arith.index_cast %scan3A_23 : i32 to index
        %swap3A_755 = arith.constant 448 : index
        %swap3A_756 = tpu.vector_load %arg12[%swap3A_754, %swap3A_755] {strides = array<i32>} : memref<64x768xf32, #tpu.memory_space<vmem>>, vector<16xf32>,
        tpu.vector_store %arg12[%swap3A_754, %swap3A_755], %add3A_753 {strides = array<i32>} : memref<64x768xf32, #tpu.memory_space<vmem>>, vector<16xf32>,
        %add3A_757 = arith.addf %add3A_732, %add3A_753 : vector<16xf32>
        %mul3A_758 = arith.mulf %add3A_753, %add3A_753 : vector<16xf32>
        %add3A_759 = arith.addf %add3A_734, %mul3A_758 : vector<16xf32>
        %get3A_760 = arith.constant 0 : i32
        %get3A_761 = arith.index_cast %get3A_760 : i32 to index
        %get3A_762 = arith.constant 464 : index
        %get3A_763 = tpu.vector_load %arg14[%get3A_761, %get3A_762] {strides = array<i32>} : memref<2x768xf32, #tpu.memory_space<vmem>>, vector<16xf32>,
        %get3A_764 = arith.constant 1 : i32
        %get3A_765 = arith.index_cast %get3A_764 : i32 to index
        %get3A_766 = arith.constant 464 : index
        %get3A_767 = tpu.vector_load %arg14[%get3A_765, %get3A_766] {strides = array<i32>} : memref<2x768xf32, #tpu.memory_space<vmem>>, vector<16xf32>,
        %get3A_768 = arith.index_cast %scan3A_23 : i32 to index
        %get3A_769 = arith.constant 464 : index
        %get3A_770 = tpu.vector_load %arg12[%get3A_768, %get3A_769] {strides = array<i32>} : memref<64x768xf32, #tpu.memory_space<vmem>>, vector<16xf32>,
        %get3A_771 = arith.index_cast %scan3A_23 : i32 to index
        %get3A_772 = arith.constant 464 : index
        %get3A_773 = tpu.vector_load %arg13[%get3A_771, %get3A_772] {strides = array<i32>} : memref<64x768xf32, #tpu.memory_space<vmem>>, vector<16xf32>,
        %add3A_774 = arith.addf %get3A_770, %get3A_773 : vector<16xf32>
        %sub3A_775 = arith.subf %get3A_767, %get3A_763 : vector<16xf32>
        %mul3A_776 = arith.mulf %broadcast_in_dim3A_31, %sub3A_775 : vector<16xf32>
        %add3A_777 = arith.addf %get3A_763, %mul3A_776 : vector<16xf32>
        %add3A_778 = arith.addf %add3A_774, %add3A_777 : vector<16xf32>
        %swap3A_779 = arith.index_cast %scan3A_23 : i32 to index
        %swap3A_780 = arith.constant 464 : index
        %swap3A_781 = tpu.vector_load %arg12[%swap3A_779, %swap3A_780] {strides = array<i32>} : memref<64x768xf32, #tpu.memory_space<vmem>>, vector<16xf32>,
        tpu.vector_store %arg12[%swap3A_779, %swap3A_780], %add3A_778 {strides = array<i32>} : memref<64x768xf32, #tpu.memory_space<vmem>>, vector<16xf32>,
        %add3A_782 = arith.addf %add3A_757, %add3A_778 : vector<16xf32>
        %mul3A_783 = arith.mulf %add3A_778, %add3A_778 : vector<16xf32>
        %add3A_784 = arith.addf %add3A_759, %mul3A_783 : vector<16xf32>
        %get3A_785 = arith.constant 0 : i32
        %get3A_786 = arith.index_cast %get3A_785 : i32 to index
        %get3A_787 = arith.constant 480 : index
        %get3A_788 = tpu.vector_load %arg14[%get3A_786, %get3A_787] {strides = array<i32>} : memref<2x768xf32, #tpu.memory_space<vmem>>, vector<16xf32>,
        %get3A_789 = arith.constant 1 : i32
        %get3A_790 = arith.index_cast %get3A_789 : i32 to index
        %get3A_791 = arith.constant 480 : index
        %get3A_792 = tpu.vector_load %arg14[%get3A_790, %get3A_791] {strides = array<i32>} : memref<2x768xf32, #tpu.memory_space<vmem>>, vector<16xf32>,
        %get3A_793 = arith.index_cast %scan3A_23 : i32 to index
        %get3A_794 = arith.constant 480 : index
        %get3A_795 = tpu.vector_load %arg12[%get3A_793, %get3A_794] {strides = array<i32>} : memref<64x768xf32, #tpu.memory_space<vmem>>, vector<16xf32>,
        %get3A_796 = arith.index_cast %scan3A_23 : i32 to index
        %get3A_797 = arith.constant 480 : index
        %get3A_798 = tpu.vector_load %arg13[%get3A_796, %get3A_797] {strides = array<i32>} : memref<64x768xf32, #tpu.memory_space<vmem>>, vector<16xf32>,
        %add3A_799 = arith.addf %get3A_795, %get3A_798 : vector<16xf32>
        %sub3A_800 = arith.subf %get3A_792, %get3A_788 : vector<16xf32>
        %mul3A_801 = arith.mulf %broadcast_in_dim3A_31, %sub3A_800 : vector<16xf32>
        %add3A_802 = arith.addf %get3A_788, %mul3A_801 : vector<16xf32>
        %add3A_803 = arith.addf %add3A_799, %add3A_802 : vector<16xf32>
        %swap3A_804 = arith.index_cast %scan3A_23 : i32 to index
        %swap3A_805 = arith.constant 480 : index
        %swap3A_806 = tpu.vector_load %arg12[%swap3A_804, %swap3A_805] {strides = array<i32>} : memref<64x768xf32, #tpu.memory_space<vmem>>, vector<16xf32>,
        tpu.vector_store %arg12[%swap3A_804, %swap3A_805], %add3A_803 {strides = array<i32>} : memref<64x768xf32, #tpu.memory_space<vmem>>, vector<16xf32>,
        %add3A_807 = arith.addf %add3A_782, %add3A_803 : vector<16xf32>
        %mul3A_808 = arith.mulf %add3A_803, %add3A_803 : vector<16xf32>
        %add3A_809 = arith.addf %add3A_784, %mul3A_808 : vector<16xf32>
        %get3A_810 = arith.constant 0 : i32
        %get3A_811 = arith.index_cast %get3A_810 : i32 to index
        %get3A_812 = arith.constant 496 : index
        %get3A_813 = tpu.vector_load %arg14[%get3A_811, %get3A_812] {strides = array<i32>} : memref<2x768xf32, #tpu.memory_space<vmem>>, vector<16xf32>,
        %get3A_814 = arith.constant 1 : i32
        %get3A_815 = arith.index_cast %get3A_814 : i32 to index
        %get3A_816 = arith.constant 496 : index
        %get3A_817 = tpu.vector_load %arg14[%get3A_815, %get3A_816] {strides = array<i32>} : memref<2x768xf32, #tpu.memory_space<vmem>>, vector<16xf32>,
        %get3A_818 = arith.index_cast %scan3A_23 : i32 to index
        %get3A_819 = arith.constant 496 : index
        %get3A_820 = tpu.vector_load %arg12[%get3A_818, %get3A_819] {strides = array<i32>} : memref<64x768xf32, #tpu.memory_space<vmem>>, vector<16xf32>,
        %get3A_821 = arith.index_cast %scan3A_23 : i32 to index
        %get3A_822 = arith.constant 496 : index
        %get3A_823 = tpu.vector_load %arg13[%get3A_821, %get3A_822] {strides = array<i32>} : memref<64x768xf32, #tpu.memory_space<vmem>>, vector<16xf32>,
        %add3A_824 = arith.addf %get3A_820, %get3A_823 : vector<16xf32>
        %sub3A_825 = arith.subf %get3A_817, %get3A_813 : vector<16xf32>
        %mul3A_826 = arith.mulf %broadcast_in_dim3A_31, %sub3A_825 : vector<16xf32>
        %add3A_827 = arith.addf %get3A_813, %mul3A_826 : vector<16xf32>
        %add3A_828 = arith.addf %add3A_824, %add3A_827 : vector<16xf32>
        %swap3A_829 = arith.index_cast %scan3A_23 : i32 to index
        %swap3A_830 = arith.constant 496 : index
        %swap3A_831 = tpu.vector_load %arg12[%swap3A_829, %swap3A_830] {strides = array<i32>} : memref<64x768xf32, #tpu.memory_space<vmem>>, vector<16xf32>,
        tpu.vector_store %arg12[%swap3A_829, %swap3A_830], %add3A_828 {strides = array<i32>} : memref<64x768xf32, #tpu.memory_space<vmem>>, vector<16xf32>,
        %add3A_832 = arith.addf %add3A_807, %add3A_828 : vector<16xf32>
        %mul3A_833 = arith.mulf %add3A_828, %add3A_828 : vector<16xf32>
        %add3A_834 = arith.addf %add3A_809, %mul3A_833 : vector<16xf32>
        %get3A_835 = arith.constant 0 : i32
        %get3A_836 = arith.index_cast %get3A_835 : i32 to index
        %get3A_837 = arith.constant 512 : index
        %get3A_838 = tpu.vector_load %arg14[%get3A_836, %get3A_837] {strides = array<i32>} : memref<2x768xf32, #tpu.memory_space<vmem>>, vector<16xf32>,
        %get3A_839 = arith.constant 1 : i32
        %get3A_840 = arith.index_cast %get3A_839 : i32 to index
        %get3A_841 = arith.constant 512 : index
        %get3A_842 = tpu.vector_load %arg14[%get3A_840, %get3A_841] {strides = array<i32>} : memref<2x768xf32, #tpu.memory_space<vmem>>, vector<16xf32>,
        %get3A_843 = arith.index_cast %scan3A_23 : i32 to index
        %get3A_844 = arith.constant 512 : index
        %get3A_845 = tpu.vector_load %arg12[%get3A_843, %get3A_844] {strides = array<i32>} : memref<64x768xf32, #tpu.memory_space<vmem>>, vector<16xf32>,
        %get3A_846 = arith.index_cast %scan3A_23 : i32 to index
        %get3A_847 = arith.constant 512 : index
        %get3A_848 = tpu.vector_load %arg13[%get3A_846, %get3A_847] {strides = array<i32>} : memref<64x768xf32, #tpu.memory_space<vmem>>, vector<16xf32>,
        %add3A_849 = arith.addf %get3A_845, %get3A_848 : vector<16xf32>
        %sub3A_850 = arith.subf %get3A_842, %get3A_838 : vector<16xf32>
        %mul3A_851 = arith.mulf %broadcast_in_dim3A_31, %sub3A_850 : vector<16xf32>
        %add3A_852 = arith.addf %get3A_838, %mul3A_851 : vector<16xf32>
        %add3A_853 = arith.addf %add3A_849, %add3A_852 : vector<16xf32>
        %swap3A_854 = arith.index_cast %scan3A_23 : i32 to index
        %swap3A_855 = arith.constant 512 : index
        %swap3A_856 = tpu.vector_load %arg12[%swap3A_854, %swap3A_855] {strides = array<i32>} : memref<64x768xf32, #tpu.memory_space<vmem>>, vector<16xf32>,
        tpu.vector_store %arg12[%swap3A_854, %swap3A_855], %add3A_853 {strides = array<i32>} : memref<64x768xf32, #tpu.memory_space<vmem>>, vector<16xf32>,
        %add3A_857 = arith.addf %add3A_832, %add3A_853 : vector<16xf32>
        %mul3A_858 = arith.mulf %add3A_853, %add3A_853 : vector<16xf32>
        %add3A_859 = arith.addf %add3A_834, %mul3A_858 : vector<16xf32>
        %get3A_860 = arith.constant 0 : i32
        %get3A_861 = arith.index_cast %get3A_860 : i32 to index
        %get3A_862 = arith.constant 528 : index
        %get3A_863 = tpu.vector_load %arg14[%get3A_861, %get3A_862] {strides = array<i32>} : memref<2x768xf32, #tpu.memory_space<vmem>>, vector<16xf32>,
        %get3A_864 = arith.constant 1 : i32
        %get3A_865 = arith.index_cast %get3A_864 : i32 to index
        %get3A_866 = arith.constant 528 : index
        %get3A_867 = tpu.vector_load %arg14[%get3A_865, %get3A_866] {strides = array<i32>} : memref<2x768xf32, #tpu.memory_space<vmem>>, vector<16xf32>,
        %get3A_868 = arith.index_cast %scan3A_23 : i32 to index
        %get3A_869 = arith.constant 528 : index
        %get3A_870 = tpu.vector_load %arg12[%get3A_868, %get3A_869] {strides = array<i32>} : memref<64x768xf32, #tpu.memory_space<vmem>>, vector<16xf32>,
        %get3A_871 = arith.index_cast %scan3A_23 : i32 to index
        %get3A_872 = arith.constant 528 : index
        %get3A_873 = tpu.vector_load %arg13[%get3A_871, %get3A_872] {strides = array<i32>} : memref<64x768xf32, #tpu.memory_space<vmem>>, vector<16xf32>,
        %add3A_874 = arith.addf %get3A_870, %get3A_873 : vector<16xf32>
        %sub3A_875 = arith.subf %get3A_867, %get3A_863 : vector<16xf32>
        %mul3A_876 = arith.mulf %broadcast_in_dim3A_31, %sub3A_875 : vector<16xf32>
        %add3A_877 = arith.addf %get3A_863, %mul3A_876 : vector<16xf32>
        %add3A_878 = arith.addf %add3A_874, %add3A_877 : vector<16xf32>
        %swap3A_879 = arith.index_cast %scan3A_23 : i32 to index
        %swap3A_880 = arith.constant 528 : index
        %swap3A_881 = tpu.vector_load %arg12[%swap3A_879, %swap3A_880] {strides = array<i32>} : memref<64x768xf32, #tpu.memory_space<vmem>>, vector<16xf32>,
        tpu.vector_store %arg12[%swap3A_879, %swap3A_880], %add3A_878 {strides = array<i32>} : memref<64x768xf32, #tpu.memory_space<vmem>>, vector<16xf32>,
        %add3A_882 = arith.addf %add3A_857, %add3A_878 : vector<16xf32>
        %mul3A_883 = arith.mulf %add3A_878, %add3A_878 : vector<16xf32>
        %add3A_884 = arith.addf %add3A_859, %mul3A_883 : vector<16xf32>
        %get3A_885 = arith.constant 0 : i32
        %get3A_886 = arith.index_cast %get3A_885 : i32 to index
        %get3A_887 = arith.constant 544 : index
        %get3A_888 = tpu.vector_load %arg14[%get3A_886, %get3A_887] {strides = array<i32>} : memref<2x768xf32, #tpu.memory_space<vmem>>, vector<16xf32>,
        %get3A_889 = arith.constant 1 : i32
        %get3A_890 = arith.index_cast %get3A_889 : i32 to index
        %get3A_891 = arith.constant 544 : index
        %get3A_892 = tpu.vector_load %arg14[%get3A_890, %get3A_891] {strides = array<i32>} : memref<2x768xf32, #tpu.memory_space<vmem>>, vector<16xf32>,
        %get3A_893 = arith.index_cast %scan3A_23 : i32 to index
        %get3A_894 = arith.constant 544 : index
        %get3A_895 = tpu.vector_load %arg12[%get3A_893, %get3A_894] {strides = array<i32>} : memref<64x768xf32, #tpu.memory_space<vmem>>, vector<16xf32>,
        %get3A_896 = arith.index_cast %scan3A_23 : i32 to index
        %get3A_897 = arith.constant 544 : index
        %get3A_898 = tpu.vector_load %arg13[%get3A_896, %get3A_897] {strides = array<i32>} : memref<64x768xf32, #tpu.memory_space<vmem>>, vector<16xf32>,
        %add3A_899 = arith.addf %get3A_895, %get3A_898 : vector<16xf32>
        %sub3A_900 = arith.subf %get3A_892, %get3A_888 : vector<16xf32>
        %mul3A_901 = arith.mulf %broadcast_in_dim3A_31, %sub3A_900 : vector<16xf32>
        %add3A_902 = arith.addf %get3A_888, %mul3A_901 : vector<16xf32>
        %add3A_903 = arith.addf %add3A_899, %add3A_902 : vector<16xf32>
        %swap3A_904 = arith.index_cast %scan3A_23 : i32 to index
        %swap3A_905 = arith.constant 544 : index
        %swap3A_906 = tpu.vector_load %arg12[%swap3A_904, %swap3A_905] {strides = array<i32>} : memref<64x768xf32, #tpu.memory_space<vmem>>, vector<16xf32>,
        tpu.vector_store %arg12[%swap3A_904, %swap3A_905], %add3A_903 {strides = array<i32>} : memref<64x768xf32, #tpu.memory_space<vmem>>, vector<16xf32>,
        %add3A_907 = arith.addf %add3A_882, %add3A_903 : vector<16xf32>
        %mul3A_908 = arith.mulf %add3A_903, %add3A_903 : vector<16xf32>
        %add3A_909 = arith.addf %add3A_884, %mul3A_908 : vector<16xf32>
        %get3A_910 = arith.constant 0 : i32
        %get3A_911 = arith.index_cast %get3A_910 : i32 to index
        %get3A_912 = arith.constant 560 : index
        %get3A_913 = tpu.vector_load %arg14[%get3A_911, %get3A_912] {strides = array<i32>} : memref<2x768xf32, #tpu.memory_space<vmem>>, vector<16xf32>,
        %get3A_914 = arith.constant 1 : i32
        %get3A_915 = arith.index_cast %get3A_914 : i32 to index
        %get3A_916 = arith.constant 560 : index
        %get3A_917 = tpu.vector_load %arg14[%get3A_915, %get3A_916] {strides = array<i32>} : memref<2x768xf32, #tpu.memory_space<vmem>>, vector<16xf32>,
        %get3A_918 = arith.index_cast %scan3A_23 : i32 to index
        %get3A_919 = arith.constant 560 : index
        %get3A_920 = tpu.vector_load %arg12[%get3A_918, %get3A_919] {strides = array<i32>} : memref<64x768xf32, #tpu.memory_space<vmem>>, vector<16xf32>,
        %get3A_921 = arith.index_cast %scan3A_23 : i32 to index
        %get3A_922 = arith.constant 560 : index
        %get3A_923 = tpu.vector_load %arg13[%get3A_921, %get3A_922] {strides = array<i32>} : memref<64x768xf32, #tpu.memory_space<vmem>>, vector<16xf32>,
        %add3A_924 = arith.addf %get3A_920, %get3A_923 : vector<16xf32>
        %sub3A_925 = arith.subf %get3A_917, %get3A_913 : vector<16xf32>
        %mul3A_926 = arith.mulf %broadcast_in_dim3A_31, %sub3A_925 : vector<16xf32>
        %add3A_927 = arith.addf %get3A_913, %mul3A_926 : vector<16xf32>
        %add3A_928 = arith.addf %add3A_924, %add3A_927 : vector<16xf32>
        %swap3A_929 = arith.index_cast %scan3A_23 : i32 to index
        %swap3A_930 = arith.constant 560 : index
        %swap3A_931 = tpu.vector_load %arg12[%swap3A_929, %swap3A_930] {strides = array<i32>} : memref<64x768xf32, #tpu.memory_space<vmem>>, vector<16xf32>,
        tpu.vector_store %arg12[%swap3A_929, %swap3A_930], %add3A_928 {strides = array<i32>} : memref<64x768xf32, #tpu.memory_space<vmem>>, vector<16xf32>,
        %add3A_932 = arith.addf %add3A_907, %add3A_928 : vector<16xf32>
        %mul3A_933 = arith.mulf %add3A_928, %add3A_928 : vector<16xf32>
        %add3A_934 = arith.addf %add3A_909, %mul3A_933 : vector<16xf32>
        %get3A_935 = arith.constant 0 : i32
        %get3A_936 = arith.index_cast %get3A_935 : i32 to index
        %get3A_937 = arith.constant 576 : index
        %get3A_938 = tpu.vector_load %arg14[%get3A_936, %get3A_937] {strides = array<i32>} : memref<2x768xf32, #tpu.memory_space<vmem>>, vector<16xf32>,
        %get3A_939 = arith.constant 1 : i32
        %get3A_940 = arith.index_cast %get3A_939 : i32 to index
        %get3A_941 = arith.constant 576 : index
        %get3A_942 = tpu.vector_load %arg14[%get3A_940, %get3A_941] {strides = array<i32>} : memref<2x768xf32, #tpu.memory_space<vmem>>, vector<16xf32>,
        %get3A_943 = arith.index_cast %scan3A_23 : i32 to index
        %get3A_944 = arith.constant 576 : index
        %get3A_945 = tpu.vector_load %arg12[%get3A_943, %get3A_944] {strides = array<i32>} : memref<64x768xf32, #tpu.memory_space<vmem>>, vector<16xf32>,
        %get3A_946 = arith.index_cast %scan3A_23 : i32 to index
        %get3A_947 = arith.constant 576 : index
        %get3A_948 = tpu.vector_load %arg13[%get3A_946, %get3A_947] {strides = array<i32>} : memref<64x768xf32, #tpu.memory_space<vmem>>, vector<16xf32>,
        %add3A_949 = arith.addf %get3A_945, %get3A_948 : vector<16xf32>
        %sub3A_950 = arith.subf %get3A_942, %get3A_938 : vector<16xf32>
        %mul3A_951 = arith.mulf %broadcast_in_dim3A_31, %sub3A_950 : vector<16xf32>
        %add3A_952 = arith.addf %get3A_938, %mul3A_951 : vector<16xf32>
        %add3A_953 = arith.addf %add3A_949, %add3A_952 : vector<16xf32>
        %swap3A_954 = arith.index_cast %scan3A_23 : i32 to index
        %swap3A_955 = arith.constant 576 : index
        %swap3A_956 = tpu.vector_load %arg12[%swap3A_954, %swap3A_955] {strides = array<i32>} : memref<64x768xf32, #tpu.memory_space<vmem>>, vector<16xf32>,
        tpu.vector_store %arg12[%swap3A_954, %swap3A_955], %add3A_953 {strides = array<i32>} : memref<64x768xf32, #tpu.memory_space<vmem>>, vector<16xf32>,
        %add3A_957 = arith.addf %add3A_932, %add3A_953 : vector<16xf32>
        %mul3A_958 = arith.mulf %add3A_953, %add3A_953 : vector<16xf32>
        %add3A_959 = arith.addf %add3A_934, %mul3A_958 : vector<16xf32>
        %get3A_960 = arith.constant 0 : i32
        %get3A_961 = arith.index_cast %get3A_960 : i32 to index
        %get3A_962 = arith.constant 592 : index
        %get3A_963 = tpu.vector_load %arg14[%get3A_961, %get3A_962] {strides = array<i32>} : memref<2x768xf32, #tpu.memory_space<vmem>>, vector<16xf32>,
        %get3A_964 = arith.constant 1 : i32
        %get3A_965 = arith.index_cast %get3A_964 : i32 to index
        %get3A_966 = arith.constant 592 : index
        %get3A_967 = tpu.vector_load %arg14[%get3A_965, %get3A_966] {strides = array<i32>} : memref<2x768xf32, #tpu.memory_space<vmem>>, vector<16xf32>,
        %get3A_968 = arith.index_cast %scan3A_23 : i32 to index
        %get3A_969 = arith.constant 592 : index
        %get3A_970 = tpu.vector_load %arg12[%get3A_968, %get3A_969] {strides = array<i32>} : memref<64x768xf32, #tpu.memory_space<vmem>>, vector<16xf32>,
        %get3A_971 = arith.index_cast %scan3A_23 : i32 to index
        %get3A_972 = arith.constant 592 : index
        %get3A_973 = tpu.vector_load %arg13[%get3A_971, %get3A_972] {strides = array<i32>} : memref<64x768xf32, #tpu.memory_space<vmem>>, vector<16xf32>,
        %add3A_974 = arith.addf %get3A_970, %get3A_973 : vector<16xf32>
        %sub3A_975 = arith.subf %get3A_967, %get3A_963 : vector<16xf32>
        %mul3A_976 = arith.mulf %broadcast_in_dim3A_31, %sub3A_975 : vector<16xf32>
        %add3A_977 = arith.addf %get3A_963, %mul3A_976 : vector<16xf32>
        %add3A_978 = arith.addf %add3A_974, %add3A_977 : vector<16xf32>
        %swap3A_979 = arith.index_cast %scan3A_23 : i32 to index
        %swap3A_980 = arith.constant 592 : index
        %swap3A_981 = tpu.vector_load %arg12[%swap3A_979, %swap3A_980] {strides = array<i32>} : memref<64x768xf32, #tpu.memory_space<vmem>>, vector<16xf32>,
        tpu.vector_store %arg12[%swap3A_979, %swap3A_980], %add3A_978 {strides = array<i32>} : memref<64x768xf32, #tpu.memory_space<vmem>>, vector<16xf32>,
        %add3A_982 = arith.addf %add3A_957, %add3A_978 : vector<16xf32>
        %mul3A_983 = arith.mulf %add3A_978, %add3A_978 : vector<16xf32>
        %add3A_984 = arith.addf %add3A_959, %mul3A_983 : vector<16xf32>
        %get3A_985 = arith.constant 0 : i32
        %get3A_986 = arith.index_cast %get3A_985 : i32 to index
        %get3A_987 = arith.constant 608 : index
        %get3A_988 = tpu.vector_load %arg14[%get3A_986, %get3A_987] {strides = array<i32>} : memref<2x768xf32, #tpu.memory_space<vmem>>, vector<16xf32>,
        %get3A_989 = arith.constant 1 : i32
        %get3A_990 = arith.index_cast %get3A_989 : i32 to index
        %get3A_991 = arith.constant 608 : index
        %get3A_992 = tpu.vector_load %arg14[%get3A_990, %get3A_991] {strides = array<i32>} : memref<2x768xf32, #tpu.memory_space<vmem>>, vector<16xf32>,
        %get3A_993 = arith.index_cast %scan3A_23 : i32 to index
        %get3A_994 = arith.constant 608 : index
        %get3A_995 = tpu.vector_load %arg12[%get3A_993, %get3A_994] {strides = array<i32>} : memref<64x768xf32, #tpu.memory_space<vmem>>, vector<16xf32>,
        %get3A_996 = arith.index_cast %scan3A_23 : i32 to index
        %get3A_997 = arith.constant 608 : index
        %get3A_998 = tpu.vector_load %arg13[%get3A_996, %get3A_997] {strides = array<i32>} : memref<64x768xf32, #tpu.memory_space<vmem>>, vector<16xf32>,
        %add3A_999 = arith.addf %get3A_995, %get3A_998 : vector<16xf32>
        %sub3A_1000 = arith.subf %get3A_992, %get3A_988 : vector<16xf32>
        %mul3A_1001 = arith.mulf %broadcast_in_dim3A_31, %sub3A_1000 : vector<16xf32>
        %add3A_1002 = arith.addf %get3A_988, %mul3A_1001 : vector<16xf32>
        %add3A_1003 = arith.addf %add3A_999, %add3A_1002 : vector<16xf32>
        %swap3A_1004 = arith.index_cast %scan3A_23 : i32 to index
        %swap3A_1005 = arith.constant 608 : index
        %swap3A_1006 = tpu.vector_load %arg12[%swap3A_1004, %swap3A_1005] {strides = array<i32>} : memref<64x768xf32, #tpu.memory_space<vmem>>, vector<16xf32>,
        tpu.vector_store %arg12[%swap3A_1004, %swap3A_1005], %add3A_1003 {strides = array<i32>} : memref<64x768xf32, #tpu.memory_space<vmem>>, vector<16xf32>,
        %add3A_1007 = arith.addf %add3A_982, %add3A_1003 : vector<16xf32>
        %mul3A_1008 = arith.mulf %add3A_1003, %add3A_1003 : vector<16xf32>
        %add3A_1009 = arith.addf %add3A_984, %mul3A_1008 : vector<16xf32>
        %get3A_1010 = arith.constant 0 : i32
        %get3A_1011 = arith.index_cast %get3A_1010 : i32 to index
        %get3A_1012 = arith.constant 624 : index
        %get3A_1013 = tpu.vector_load %arg14[%get3A_1011, %get3A_1012] {strides = array<i32>} : memref<2x768xf32, #tpu.memory_space<vmem>>, vector<16xf32>,
        %get3A_1014 = arith.constant 1 : i32
        %get3A_1015 = arith.index_cast %get3A_1014 : i32 to index
        %get3A_1016 = arith.constant 624 : index
        %get3A_1017 = tpu.vector_load %arg14[%get3A_1015, %get3A_1016] {strides = array<i32>} : memref<2x768xf32, #tpu.memory_space<vmem>>, vector<16xf32>,
        %get3A_1018 = arith.index_cast %scan3A_23 : i32 to index
        %get3A_1019 = arith.constant 624 : index
        %get3A_1020 = tpu.vector_load %arg12[%get3A_1018, %get3A_1019] {strides = array<i32>} : memref<64x768xf32, #tpu.memory_space<vmem>>, vector<16xf32>,
        %get3A_1021 = arith.index_cast %scan3A_23 : i32 to index
        %get3A_1022 = arith.constant 624 : index
        %get3A_1023 = tpu.vector_load %arg13[%get3A_1021, %get3A_1022] {strides = array<i32>} : memref<64x768xf32, #tpu.memory_space<vmem>>, vector<16xf32>,
        %add3A_1024 = arith.addf %get3A_1020, %get3A_1023 : vector<16xf32>
        %sub3A_1025 = arith.subf %get3A_1017, %get3A_1013 : vector<16xf32>
        %mul3A_1026 = arith.mulf %broadcast_in_dim3A_31, %sub3A_1025 : vector<16xf32>
        %add3A_1027 = arith.addf %get3A_1013, %mul3A_1026 : vector<16xf32>
        %add3A_1028 = arith.addf %add3A_1024, %add3A_1027 : vector<16xf32>
        %swap3A_1029 = arith.index_cast %scan3A_23 : i32 to index
        %swap3A_1030 = arith.constant 624 : index
        %swap3A_1031 = tpu.vector_load %arg12[%swap3A_1029, %swap3A_1030] {strides = array<i32>} : memref<64x768xf32, #tpu.memory_space<vmem>>, vector<16xf32>,
        tpu.vector_store %arg12[%swap3A_1029, %swap3A_1030], %add3A_1028 {strides = array<i32>} : memref<64x768xf32, #tpu.memory_space<vmem>>, vector<16xf32>,
        %add3A_1032 = arith.addf %add3A_1007, %add3A_1028 : vector<16xf32>
        %mul3A_1033 = arith.mulf %add3A_1028, %add3A_1028 : vector<16xf32>
        %add3A_1034 = arith.addf %add3A_1009, %mul3A_1033 : vector<16xf32>
        %get3A_1035 = arith.constant 0 : i32
        %get3A_1036 = arith.index_cast %get3A_1035 : i32 to index
        %get3A_1037 = arith.constant 640 : index
        %get3A_1038 = tpu.vector_load %arg14[%get3A_1036, %get3A_1037] {strides = array<i32>} : memref<2x768xf32, #tpu.memory_space<vmem>>, vector<16xf32>,
        %get3A_1039 = arith.constant 1 : i32
        %get3A_1040 = arith.index_cast %get3A_1039 : i32 to index
        %get3A_1041 = arith.constant 640 : index
        %get3A_1042 = tpu.vector_load %arg14[%get3A_1040, %get3A_1041] {strides = array<i32>} : memref<2x768xf32, #tpu.memory_space<vmem>>, vector<16xf32>,
        %get3A_1043 = arith.index_cast %scan3A_23 : i32 to index
        %get3A_1044 = arith.constant 640 : index
        %get3A_1045 = tpu.vector_load %arg12[%get3A_1043, %get3A_1044] {strides = array<i32>} : memref<64x768xf32, #tpu.memory_space<vmem>>, vector<16xf32>,
        %get3A_1046 = arith.index_cast %scan3A_23 : i32 to index
        %get3A_1047 = arith.constant 640 : index
        %get3A_1048 = tpu.vector_load %arg13[%get3A_1046, %get3A_1047] {strides = array<i32>} : memref<64x768xf32, #tpu.memory_space<vmem>>, vector<16xf32>,
        %add3A_1049 = arith.addf %get3A_1045, %get3A_1048 : vector<16xf32>
        %sub3A_1050 = arith.subf %get3A_1042, %get3A_1038 : vector<16xf32>
        %mul3A_1051 = arith.mulf %broadcast_in_dim3A_31, %sub3A_1050 : vector<16xf32>
        %add3A_1052 = arith.addf %get3A_1038, %mul3A_1051 : vector<16xf32>
        %add3A_1053 = arith.addf %add3A_1049, %add3A_1052 : vector<16xf32>
        %swap3A_1054 = arith.index_cast %scan3A_23 : i32 to index
        %swap3A_1055 = arith.constant 640 : index
        %swap3A_1056 = tpu.vector_load %arg12[%swap3A_1054, %swap3A_1055] {strides = array<i32>} : memref<64x768xf32, #tpu.memory_space<vmem>>, vector<16xf32>,
        tpu.vector_store %arg12[%swap3A_1054, %swap3A_1055], %add3A_1053 {strides = array<i32>} : memref<64x768xf32, #tpu.memory_space<vmem>>, vector<16xf32>,
        %add3A_1057 = arith.addf %add3A_1032, %add3A_1053 : vector<16xf32>
        %mul3A_1058 = arith.mulf %add3A_1053, %add3A_1053 : vector<16xf32>
        %add3A_1059 = arith.addf %add3A_1034, %mul3A_1058 : vector<16xf32>
        %get3A_1060 = arith.constant 0 : i32
        %get3A_1061 = arith.index_cast %get3A_1060 : i32 to index
        %get3A_1062 = arith.constant 656 : index
        %get3A_1063 = tpu.vector_load %arg14[%get3A_1061, %get3A_1062] {strides = array<i32>} : memref<2x768xf32, #tpu.memory_space<vmem>>, vector<16xf32>,
        %get3A_1064 = arith.constant 1 : i32
        %get3A_1065 = arith.index_cast %get3A_1064 : i32 to index
        %get3A_1066 = arith.constant 656 : index
        %get3A_1067 = tpu.vector_load %arg14[%get3A_1065, %get3A_1066] {strides = array<i32>} : memref<2x768xf32, #tpu.memory_space<vmem>>, vector<16xf32>,
        %get3A_1068 = arith.index_cast %scan3A_23 : i32 to index
        %get3A_1069 = arith.constant 656 : index
        %get3A_1070 = tpu.vector_load %arg12[%get3A_1068, %get3A_1069] {strides = array<i32>} : memref<64x768xf32, #tpu.memory_space<vmem>>, vector<16xf32>,
        %get3A_1071 = arith.index_cast %scan3A_23 : i32 to index
        %get3A_1072 = arith.constant 656 : index
        %get3A_1073 = tpu.vector_load %arg13[%get3A_1071, %get3A_1072] {strides = array<i32>} : memref<64x768xf32, #tpu.memory_space<vmem>>, vector<16xf32>,
        %add3A_1074 = arith.addf %get3A_1070, %get3A_1073 : vector<16xf32>
        %sub3A_1075 = arith.subf %get3A_1067, %get3A_1063 : vector<16xf32>
        %mul3A_1076 = arith.mulf %broadcast_in_dim3A_31, %sub3A_1075 : vector<16xf32>
        %add3A_1077 = arith.addf %get3A_1063, %mul3A_1076 : vector<16xf32>
        %add3A_1078 = arith.addf %add3A_1074, %add3A_1077 : vector<16xf32>
        %swap3A_1079 = arith.index_cast %scan3A_23 : i32 to index
        %swap3A_1080 = arith.constant 656 : index
        %swap3A_1081 = tpu.vector_load %arg12[%swap3A_1079, %swap3A_1080] {strides = array<i32>} : memref<64x768xf32, #tpu.memory_space<vmem>>, vector<16xf32>,
        tpu.vector_store %arg12[%swap3A_1079, %swap3A_1080], %add3A_1078 {strides = array<i32>} : memref<64x768xf32, #tpu.memory_space<vmem>>, vector<16xf32>,
        %add3A_1082 = arith.addf %add3A_1057, %add3A_1078 : vector<16xf32>
        %mul3A_1083 = arith.mulf %add3A_1078, %add3A_1078 : vector<16xf32>
        %add3A_1084 = arith.addf %add3A_1059, %mul3A_1083 : vector<16xf32>
        %get3A_1085 = arith.constant 0 : i32
        %get3A_1086 = arith.index_cast %get3A_1085 : i32 to index
        %get3A_1087 = arith.constant 672 : index
        %get3A_1088 = tpu.vector_load %arg14[%get3A_1086, %get3A_1087] {strides = array<i32>} : memref<2x768xf32, #tpu.memory_space<vmem>>, vector<16xf32>,
        %get3A_1089 = arith.constant 1 : i32
        %get3A_1090 = arith.index_cast %get3A_1089 : i32 to index
        %get3A_1091 = arith.constant 672 : index
        %get3A_1092 = tpu.vector_load %arg14[%get3A_1090, %get3A_1091] {strides = array<i32>} : memref<2x768xf32, #tpu.memory_space<vmem>>, vector<16xf32>,
        %get3A_1093 = arith.index_cast %scan3A_23 : i32 to index
        %get3A_1094 = arith.constant 672 : index
        %get3A_1095 = tpu.vector_load %arg12[%get3A_1093, %get3A_1094] {strides = array<i32>} : memref<64x768xf32, #tpu.memory_space<vmem>>, vector<16xf32>,
        %get3A_1096 = arith.index_cast %scan3A_23 : i32 to index
        %get3A_1097 = arith.constant 672 : index
        %get3A_1098 = tpu.vector_load %arg13[%get3A_1096, %get3A_1097] {strides = array<i32>} : memref<64x768xf32, #tpu.memory_space<vmem>>, vector<16xf32>,
        %add3A_1099 = arith.addf %get3A_1095, %get3A_1098 : vector<16xf32>
        %sub3A_1100 = arith.subf %get3A_1092, %get3A_1088 : vector<16xf32>
        %mul3A_1101 = arith.mulf %broadcast_in_dim3A_31, %sub3A_1100 : vector<16xf32>
        %add3A_1102 = arith.addf %get3A_1088, %mul3A_1101 : vector<16xf32>
        %add3A_1103 = arith.addf %add3A_1099, %add3A_1102 : vector<16xf32>
        %swap3A_1104 = arith.index_cast %scan3A_23 : i32 to index
        %swap3A_1105 = arith.constant 672 : index
        %swap3A_1106 = tpu.vector_load %arg12[%swap3A_1104, %swap3A_1105] {strides = array<i32>} : memref<64x768xf32, #tpu.memory_space<vmem>>, vector<16xf32>,
        tpu.vector_store %arg12[%swap3A_1104, %swap3A_1105], %add3A_1103 {strides = array<i32>} : memref<64x768xf32, #tpu.memory_space<vmem>>, vector<16xf32>,
        %add3A_1107 = arith.addf %add3A_1082, %add3A_1103 : vector<16xf32>
        %mul3A_1108 = arith.mulf %add3A_1103, %add3A_1103 : vector<16xf32>
        %add3A_1109 = arith.addf %add3A_1084, %mul3A_1108 : vector<16xf32>
        %get3A_1110 = arith.constant 0 : i32
        %get3A_1111 = arith.index_cast %get3A_1110 : i32 to index
        %get3A_1112 = arith.constant 688 : index
        %get3A_1113 = tpu.vector_load %arg14[%get3A_1111, %get3A_1112] {strides = array<i32>} : memref<2x768xf32, #tpu.memory_space<vmem>>, vector<16xf32>,
        %get3A_1114 = arith.constant 1 : i32
        %get3A_1115 = arith.index_cast %get3A_1114 : i32 to index
        %get3A_1116 = arith.constant 688 : index
        %get3A_1117 = tpu.vector_load %arg14[%get3A_1115, %get3A_1116] {strides = array<i32>} : memref<2x768xf32, #tpu.memory_space<vmem>>, vector<16xf32>,
        %get3A_1118 = arith.index_cast %scan3A_23 : i32 to index
        %get3A_1119 = arith.constant 688 : index
        %get3A_1120 = tpu.vector_load %arg12[%get3A_1118, %get3A_1119] {strides = array<i32>} : memref<64x768xf32, #tpu.memory_space<vmem>>, vector<16xf32>,
        %get3A_1121 = arith.index_cast %scan3A_23 : i32 to index
        %get3A_1122 = arith.constant 688 : index
        %get3A_1123 = tpu.vector_load %arg13[%get3A_1121, %get3A_1122] {strides = array<i32>} : memref<64x768xf32, #tpu.memory_space<vmem>>, vector<16xf32>,
        %add3A_1124 = arith.addf %get3A_1120, %get3A_1123 : vector<16xf32>
        %sub3A_1125 = arith.subf %get3A_1117, %get3A_1113 : vector<16xf32>
        %mul3A_1126 = arith.mulf %broadcast_in_dim3A_31, %sub3A_1125 : vector<16xf32>
        %add3A_1127 = arith.addf %get3A_1113, %mul3A_1126 : vector<16xf32>
        %add3A_1128 = arith.addf %add3A_1124, %add3A_1127 : vector<16xf32>
        %swap3A_1129 = arith.index_cast %scan3A_23 : i32 to index
        %swap3A_1130 = arith.constant 688 : index
        %swap3A_1131 = tpu.vector_load %arg12[%swap3A_1129, %swap3A_1130] {strides = array<i32>} : memref<64x768xf32, #tpu.memory_space<vmem>>, vector<16xf32>,
        tpu.vector_store %arg12[%swap3A_1129, %swap3A_1130], %add3A_1128 {strides = array<i32>} : memref<64x768xf32, #tpu.memory_space<vmem>>, vector<16xf32>,
        %add3A_1132 = arith.addf %add3A_1107, %add3A_1128 : vector<16xf32>
        %mul3A_1133 = arith.mulf %add3A_1128, %add3A_1128 : vector<16xf32>
        %add3A_1134 = arith.addf %add3A_1109, %mul3A_1133 : vector<16xf32>
        %get3A_1135 = arith.constant 0 : i32
        %get3A_1136 = arith.index_cast %get3A_1135 : i32 to index
        %get3A_1137 = arith.constant 704 : index
        %get3A_1138 = tpu.vector_load %arg14[%get3A_1136, %get3A_1137] {strides = array<i32>} : memref<2x768xf32, #tpu.memory_space<vmem>>, vector<16xf32>,
        %get3A_1139 = arith.constant 1 : i32
        %get3A_1140 = arith.index_cast %get3A_1139 : i32 to index
        %get3A_1141 = arith.constant 704 : index
        %get3A_1142 = tpu.vector_load %arg14[%get3A_1140, %get3A_1141] {strides = array<i32>} : memref<2x768xf32, #tpu.memory_space<vmem>>, vector<16xf32>,
        %get3A_1143 = arith.index_cast %scan3A_23 : i32 to index
        %get3A_1144 = arith.constant 704 : index
        %get3A_1145 = tpu.vector_load %arg12[%get3A_1143, %get3A_1144] {strides = array<i32>} : memref<64x768xf32, #tpu.memory_space<vmem>>, vector<16xf32>,
        %get3A_1146 = arith.index_cast %scan3A_23 : i32 to index
        %get3A_1147 = arith.constant 704 : index
        %get3A_1148 = tpu.vector_load %arg13[%get3A_1146, %get3A_1147] {strides = array<i32>} : memref<64x768xf32, #tpu.memory_space<vmem>>, vector<16xf32>,
        %add3A_1149 = arith.addf %get3A_1145, %get3A_1148 : vector<16xf32>
        %sub3A_1150 = arith.subf %get3A_1142, %get3A_1138 : vector<16xf32>
        %mul3A_1151 = arith.mulf %broadcast_in_dim3A_31, %sub3A_1150 : vector<16xf32>
        %add3A_1152 = arith.addf %get3A_1138, %mul3A_1151 : vector<16xf32>
        %add3A_1153 = arith.addf %add3A_1149, %add3A_1152 : vector<16xf32>
        %swap3A_1154 = arith.index_cast %scan3A_23 : i32 to index
        %swap3A_1155 = arith.constant 704 : index
        %swap3A_1156 = tpu.vector_load %arg12[%swap3A_1154, %swap3A_1155] {strides = array<i32>} : memref<64x768xf32, #tpu.memory_space<vmem>>, vector<16xf32>,
        tpu.vector_store %arg12[%swap3A_1154, %swap3A_1155], %add3A_1153 {strides = array<i32>} : memref<64x768xf32, #tpu.memory_space<vmem>>, vector<16xf32>,
        %add3A_1157 = arith.addf %add3A_1132, %add3A_1153 : vector<16xf32>
        %mul3A_1158 = arith.mulf %add3A_1153, %add3A_1153 : vector<16xf32>
        %add3A_1159 = arith.addf %add3A_1134, %mul3A_1158 : vector<16xf32>
        %get3A_1160 = arith.constant 0 : i32
        %get3A_1161 = arith.index_cast %get3A_1160 : i32 to index
        %get3A_1162 = arith.constant 720 : index
        %get3A_1163 = tpu.vector_load %arg14[%get3A_1161, %get3A_1162] {strides = array<i32>} : memref<2x768xf32, #tpu.memory_space<vmem>>, vector<16xf32>,
        %get3A_1164 = arith.constant 1 : i32
        %get3A_1165 = arith.index_cast %get3A_1164 : i32 to index
        %get3A_1166 = arith.constant 720 : index
        %get3A_1167 = tpu.vector_load %arg14[%get3A_1165, %get3A_1166] {strides = array<i32>} : memref<2x768xf32, #tpu.memory_space<vmem>>, vector<16xf32>,
        %get3A_1168 = arith.index_cast %scan3A_23 : i32 to index
        %get3A_1169 = arith.constant 720 : index
        %get3A_1170 = tpu.vector_load %arg12[%get3A_1168, %get3A_1169] {strides = array<i32>} : memref<64x768xf32, #tpu.memory_space<vmem>>, vector<16xf32>,
        %get3A_1171 = arith.index_cast %scan3A_23 : i32 to index
        %get3A_1172 = arith.constant 720 : index
        %get3A_1173 = tpu.vector_load %arg13[%get3A_1171, %get3A_1172] {strides = array<i32>} : memref<64x768xf32, #tpu.memory_space<vmem>>, vector<16xf32>,
        %add3A_1174 = arith.addf %get3A_1170, %get3A_1173 : vector<16xf32>
        %sub3A_1175 = arith.subf %get3A_1167, %get3A_1163 : vector<16xf32>
        %mul3A_1176 = arith.mulf %broadcast_in_dim3A_31, %sub3A_1175 : vector<16xf32>
        %add3A_1177 = arith.addf %get3A_1163, %mul3A_1176 : vector<16xf32>
        %add3A_1178 = arith.addf %add3A_1174, %add3A_1177 : vector<16xf32>
        %swap3A_1179 = arith.index_cast %scan3A_23 : i32 to index
        %swap3A_1180 = arith.constant 720 : index
        %swap3A_1181 = tpu.vector_load %arg12[%swap3A_1179, %swap3A_1180] {strides = array<i32>} : memref<64x768xf32, #tpu.memory_space<vmem>>, vector<16xf32>,
        tpu.vector_store %arg12[%swap3A_1179, %swap3A_1180], %add3A_1178 {strides = array<i32>} : memref<64x768xf32, #tpu.memory_space<vmem>>, vector<16xf32>,
        %add3A_1182 = arith.addf %add3A_1157, %add3A_1178 : vector<16xf32>
        %mul3A_1183 = arith.mulf %add3A_1178, %add3A_1178 : vector<16xf32>
        %add3A_1184 = arith.addf %add3A_1159, %mul3A_1183 : vector<16xf32>
        %get3A_1185 = arith.constant 0 : i32
        %get3A_1186 = arith.index_cast %get3A_1185 : i32 to index
        %get3A_1187 = arith.constant 736 : index
        %get3A_1188 = tpu.vector_load %arg14[%get3A_1186, %get3A_1187] {strides = array<i32>} : memref<2x768xf32, #tpu.memory_space<vmem>>, vector<16xf32>,
        %get3A_1189 = arith.constant 1 : i32
        %get3A_1190 = arith.index_cast %get3A_1189 : i32 to index
        %get3A_1191 = arith.constant 736 : index
        %get3A_1192 = tpu.vector_load %arg14[%get3A_1190, %get3A_1191] {strides = array<i32>} : memref<2x768xf32, #tpu.memory_space<vmem>>, vector<16xf32>,
        %get3A_1193 = arith.index_cast %scan3A_23 : i32 to index
        %get3A_1194 = arith.constant 736 : index
        %get3A_1195 = tpu.vector_load %arg12[%get3A_1193, %get3A_1194] {strides = array<i32>} : memref<64x768xf32, #tpu.memory_space<vmem>>, vector<16xf32>,
        %get3A_1196 = arith.index_cast %scan3A_23 : i32 to index
        %get3A_1197 = arith.constant 736 : index
        %get3A_1198 = tpu.vector_load %arg13[%get3A_1196, %get3A_1197] {strides = array<i32>} : memref<64x768xf32, #tpu.memory_space<vmem>>, vector<16xf32>,
        %add3A_1199 = arith.addf %get3A_1195, %get3A_1198 : vector<16xf32>
        %sub3A_1200 = arith.subf %get3A_1192, %get3A_1188 : vector<16xf32>
        %mul3A_1201 = arith.mulf %broadcast_in_dim3A_31, %sub3A_1200 : vector<16xf32>
        %add3A_1202 = arith.addf %get3A_1188, %mul3A_1201 : vector<16xf32>
        %add3A_1203 = arith.addf %add3A_1199, %add3A_1202 : vector<16xf32>
        %swap3A_1204 = arith.index_cast %scan3A_23 : i32 to index
        %swap3A_1205 = arith.constant 736 : index
        %swap3A_1206 = tpu.vector_load %arg12[%swap3A_1204, %swap3A_1205] {strides = array<i32>} : memref<64x768xf32, #tpu.memory_space<vmem>>, vector<16xf32>,
        tpu.vector_store %arg12[%swap3A_1204, %swap3A_1205], %add3A_1203 {strides = array<i32>} : memref<64x768xf32, #tpu.memory_space<vmem>>, vector<16xf32>,
        %add3A_1207 = arith.addf %add3A_1182, %add3A_1203 : vector<16xf32>
        %mul3A_1208 = arith.mulf %add3A_1203, %add3A_1203 : vector<16xf32>
        %add3A_1209 = arith.addf %add3A_1184, %mul3A_1208 : vector<16xf32>
        %get3A_1210 = arith.constant 0 : i32
        %get3A_1211 = arith.index_cast %get3A_1210 : i32 to index
        %get3A_1212 = arith.constant 752 : index
        %get3A_1213 = tpu.vector_load %arg14[%get3A_1211, %get3A_1212] {strides = array<i32>} : memref<2x768xf32, #tpu.memory_space<vmem>>, vector<16xf32>,
        %get3A_1214 = arith.constant 1 : i32
        %get3A_1215 = arith.index_cast %get3A_1214 : i32 to index
        %get3A_1216 = arith.constant 752 : index
        %get3A_1217 = tpu.vector_load %arg14[%get3A_1215, %get3A_1216] {strides = array<i32>} : memref<2x768xf32, #tpu.memory_space<vmem>>, vector<16xf32>,
        %get3A_1218 = arith.index_cast %scan3A_23 : i32 to index
        %get3A_1219 = arith.constant 752 : index
        %get3A_1220 = tpu.vector_load %arg12[%get3A_1218, %get3A_1219] {strides = array<i32>} : memref<64x768xf32, #tpu.memory_space<vmem>>, vector<16xf32>,
        %get3A_1221 = arith.index_cast %scan3A_23 : i32 to index
        %get3A_1222 = arith.constant 752 : index
        %get3A_1223 = tpu.vector_load %arg13[%get3A_1221, %get3A_1222] {strides = array<i32>} : memref<64x768xf32, #tpu.memory_space<vmem>>, vector<16xf32>,
        %add3A_1224 = arith.addf %get3A_1220, %get3A_1223 : vector<16xf32>
        %sub3A_1225 = arith.subf %get3A_1217, %get3A_1213 : vector<16xf32>
        %mul3A_1226 = arith.mulf %broadcast_in_dim3A_31, %sub3A_1225 : vector<16xf32>
        %add3A_1227 = arith.addf %get3A_1213, %mul3A_1226 : vector<16xf32>
        %add3A_1228 = arith.addf %add3A_1224, %add3A_1227 : vector<16xf32>
        %swap3A_1229 = arith.index_cast %scan3A_23 : i32 to index
        %swap3A_1230 = arith.constant 752 : index
        %swap3A_1231 = tpu.vector_load %arg12[%swap3A_1229, %swap3A_1230] {strides = array<i32>} : memref<64x768xf32, #tpu.memory_space<vmem>>, vector<16xf32>,
        tpu.vector_store %arg12[%swap3A_1229, %swap3A_1230], %add3A_1228 {strides = array<i32>} : memref<64x768xf32, #tpu.memory_space<vmem>>, vector<16xf32>,
        %add3A_1232 = arith.addf %add3A_1207, %add3A_1228 : vector<16xf32>
        %mul3A_1233 = arith.mulf %add3A_1228, %add3A_1228 : vector<16xf32>
        %add3A_1234 = arith.addf %add3A_1209, %mul3A_1233 : vector<16xf32>
        %reduce_sum3A_1235 = arith.constant true
        %reduce_sum3A_1236 = vector.broadcast %reduce_sum3A_1235 : i1 to vector<16xi1>
        %reduce_sum3A_1237 = tpu.scan <sum>, %add3A_1232 masked %reduce_sum3A_1236 : vector<16xf32>, vector<16xi1> -> vector<16xf32>
        %reduce_sum3A_1238 = vector.extract %reduce_sum3A_1237[15] : f32 from vector<16xf32>
        %reduce_sum3A_1239 = arith.constant true
        %reduce_sum3A_1240 = vector.broadcast %reduce_sum3A_1239 : i1 to vector<16xi1>
        %reduce_sum3A_1241 = tpu.scan <sum>, %add3A_1234 masked %reduce_sum3A_1240 : vector<16xf32>, vector<16xi1> -> vector<16xf32>
        %reduce_sum3A_1242 = vector.extract %reduce_sum3A_1241[15] : f32 from vector<16xf32>
        %mul3A_1243 = arith.constant 0.00130208337 : f32
        %mul3A_1244 = arith.mulf %reduce_sum3A_1238, %mul3A_1243 : f32
        %mul3A_1245 = arith.constant 0.00130208337 : f32
        %mul3A_1246 = arith.mulf %reduce_sum3A_1242, %mul3A_1245 : f32
        %mul3A_1247 = arith.mulf %mul3A_1244, %mul3A_1244 : f32
        %sub3A_1248 = arith.subf %mul3A_1246, %mul3A_1247 : f32
        %broadcast_in_dim3A_1249 = vector.broadcast %mul3A_1244 : f32 to vector<16xf32>
        %add3A_1250 = arith.constant 9.99999974E-6 : f32
        %add3A_1251 = arith.addf %sub3A_1248, %add3A_1250 : f32
        %broadcast_in_dim3A_1252 = vector.broadcast %add3A_1251 : f32 to vector<16xf32>
        %bitcast_convert_type3A = tpu.bitcast %broadcast_in_dim3A_1252 : vector<16xf32> -> vector<16xi32>
        %broadcast_in_dim3A_1253 = arith.constant 1597463007 : i32
        %broadcast_in_dim3A_1254 = vector.broadcast %broadcast_in_dim3A_1253 : i32 to vector<16xi32>
        %shift_right_arithmetic3A = arith.constant 1 : i32
        %shift_right_arithmetic3A_1255 = vector.broadcast %shift_right_arithmetic3A : i32 to vector<16xi32>
        %shift_right_arithmetic3A_1256 = arith.shrsi %bitcast_convert_type3A, %shift_right_arithmetic3A_1255 : vector<16xi32>
        %sub3A_1257 = arith.subi %broadcast_in_dim3A_1254, %shift_right_arithmetic3A_1256 : vector<16xi32>
        %bitcast_convert_type3A_1258 = tpu.bitcast %sub3A_1257 : vector<16xi32> -> vector<16xf32>
        %mul3A_1259 = arith.constant 5.000000e-01 : f32
        %mul3A_1260 = vector.broadcast %mul3A_1259 : f32 to vector<16xf32>
        %mul3A_1261 = arith.mulf %mul3A_1260, %broadcast_in_dim3A_1252 : vector<16xf32>
        %mul3A_1262 = arith.mulf %mul3A_1261, %bitcast_convert_type3A_1258 : vector<16xf32>
        %mul3A_1263 = arith.mulf %mul3A_1262, %bitcast_convert_type3A_1258 : vector<16xf32>
        %sub3A_1264 = arith.constant 1.500000e+00 : f32
        %sub3A_1265 = vector.broadcast %sub3A_1264 : f32 to vector<16xf32>
        %sub3A_1266 = arith.subf %sub3A_1265, %mul3A_1263 : vector<16xf32>
        %mul3A_1267 = arith.mulf %bitcast_convert_type3A_1258, %sub3A_1266 : vector<16xf32>
        %mul3A_1268 = arith.mulf %mul3A_1261, %mul3A_1267 : vector<16xf32>
        %mul3A_1269 = arith.mulf %mul3A_1268, %mul3A_1267 : vector<16xf32>
        %sub3A_1270 = arith.constant 1.500000e+00 : f32
        %sub3A_1271 = vector.broadcast %sub3A_1270 : f32 to vector<16xf32>
        %sub3A_1272 = arith.subf %sub3A_1271, %mul3A_1269 : vector<16xf32>
        %mul3A_1273 = arith.mulf %mul3A_1267, %sub3A_1272 : vector<16xf32>
        %mul3A_1274 = arith.mulf %mul3A_1261, %mul3A_1273 : vector<16xf32>
        %mul3A_1275 = arith.mulf %mul3A_1274, %mul3A_1273 : vector<16xf32>
        %sub3A_1276 = arith.constant 1.500000e+00 : f32
        %sub3A_1277 = vector.broadcast %sub3A_1276 : f32 to vector<16xf32>
        %sub3A_1278 = arith.subf %sub3A_1277, %mul3A_1275 : vector<16xf32>
        %mul3A_1279 = arith.mulf %mul3A_1273, %sub3A_1278 : vector<16xf32>
        %mul3A_1280 = arith.mulf %mul3A_1261, %mul3A_1279 : vector<16xf32>
        %mul3A_1281 = arith.mulf %mul3A_1280, %mul3A_1279 : vector<16xf32>
        %sub3A_1282 = arith.constant 1.500000e+00 : f32
        %sub3A_1283 = vector.broadcast %sub3A_1282 : f32 to vector<16xf32>
        %sub3A_1284 = arith.subf %sub3A_1283, %mul3A_1281 : vector<16xf32>
        %mul3A_1285 = arith.mulf %mul3A_1279, %sub3A_1284 : vector<16xf32>
        %get3A_1286 = arith.index_cast %scan3A_23 : i32 to index
        %get3A_1287 = arith.constant 0 : index
        %get3A_1288 = tpu.vector_load %arg12[%get3A_1286, %get3A_1287] {strides = array<i32>} : memref<64x768xf32, #tpu.memory_space<vmem>>, vector<16xf32>,
        %sub3A_1289 = arith.subf %get3A_1288, %broadcast_in_dim3A_1249 : vector<16xf32>
        %mul3A_1290 = arith.mulf %sub3A_1289, %mul3A_1285 : vector<16xf32>
        %get3A_1291 = arith.constant 0 : index
        %get3A_1292 = tpu.vector_load %arg15[%get3A_1291] {strides = array<i32>} : memref<768xf32, #tpu.memory_space<vmem>>, vector<16xf32>,
        %mul3A_1293 = arith.mulf %mul3A_1290, %get3A_1292 : vector<16xf32>
        %get3A_1294 = arith.constant 0 : index
        %get3A_1295 = tpu.vector_load %arg16[%get3A_1294] {strides = array<i32>} : memref<768xf32, #tpu.memory_space<vmem>>, vector<16xf32>,
        %add3A_1296 = arith.addf %mul3A_1293, %get3A_1295 : vector<16xf32>
        %swap3A_1297 = arith.index_cast %scan3A_23 : i32 to index
        %swap3A_1298 = arith.constant 0 : index
        %swap3A_1299 = tpu.vector_load %arg12[%swap3A_1297, %swap3A_1298] {strides = array<i32>} : memref<64x768xf32, #tpu.memory_space<vmem>>, vector<16xf32>,
        tpu.vector_store %arg12[%swap3A_1297, %swap3A_1298], %add3A_1296 {strides = array<i32>} : memref<64x768xf32, #tpu.memory_space<vmem>>, vector<16xf32>,
        %get3A_1300 = arith.index_cast %scan3A_23 : i32 to index
        %get3A_1301 = arith.constant 16 : index
        %get3A_1302 = tpu.vector_load %arg12[%get3A_1300, %get3A_1301] {strides = array<i32>} : memref<64x768xf32, #tpu.memory_space<vmem>>, vector<16xf32>,
        %sub3A_1303 = arith.subf %get3A_1302, %broadcast_in_dim3A_1249 : vector<16xf32>
        %mul3A_1304 = arith.mulf %sub3A_1303, %mul3A_1285 : vector<16xf32>
        %get3A_1305 = arith.constant 16 : index
        %get3A_1306 = tpu.vector_load %arg15[%get3A_1305] {strides = array<i32>} : memref<768xf32, #tpu.memory_space<vmem>>, vector<16xf32>,
        %mul3A_1307 = arith.mulf %mul3A_1304, %get3A_1306 : vector<16xf32>
        %get3A_1308 = arith.constant 16 : index
        %get3A_1309 = tpu.vector_load %arg16[%get3A_1308] {strides = array<i32>} : memref<768xf32, #tpu.memory_space<vmem>>, vector<16xf32>,
        %add3A_1310 = arith.addf %mul3A_1307, %get3A_1309 : vector<16xf32>
        %swap3A_1311 = arith.index_cast %scan3A_23 : i32 to index
        %swap3A_1312 = arith.constant 16 : index
        %swap3A_1313 = tpu.vector_load %arg12[%swap3A_1311, %swap3A_1312] {strides = array<i32>} : memref<64x768xf32, #tpu.memory_space<vmem>>, vector<16xf32>,
        tpu.vector_store %arg12[%swap3A_1311, %swap3A_1312], %add3A_1310 {strides = array<i32>} : memref<64x768xf32, #tpu.memory_space<vmem>>, vector<16xf32>,
        %get3A_1314 = arith.index_cast %scan3A_23 : i32 to index
        %get3A_1315 = arith.constant 32 : index
        %get3A_1316 = tpu.vector_load %arg12[%get3A_1314, %get3A_1315] {strides = array<i32>} : memref<64x768xf32, #tpu.memory_space<vmem>>, vector<16xf32>,
        %sub3A_1317 = arith.subf %get3A_1316, %broadcast_in_dim3A_1249 : vector<16xf32>
        %mul3A_1318 = arith.mulf %sub3A_1317, %mul3A_1285 : vector<16xf32>
        %get3A_1319 = arith.constant 32 : index
        %get3A_1320 = tpu.vector_load %arg15[%get3A_1319] {strides = array<i32>} : memref<768xf32, #tpu.memory_space<vmem>>, vector<16xf32>,
        %mul3A_1321 = arith.mulf %mul3A_1318, %get3A_1320 : vector<16xf32>
        %get3A_1322 = arith.constant 32 : index
        %get3A_1323 = tpu.vector_load %arg16[%get3A_1322] {strides = array<i32>} : memref<768xf32, #tpu.memory_space<vmem>>, vector<16xf32>,
        %add3A_1324 = arith.addf %mul3A_1321, %get3A_1323 : vector<16xf32>
        %swap3A_1325 = arith.index_cast %scan3A_23 : i32 to index
        %swap3A_1326 = arith.constant 32 : index
        %swap3A_1327 = tpu.vector_load %arg12[%swap3A_1325, %swap3A_1326] {strides = array<i32>} : memref<64x768xf32, #tpu.memory_space<vmem>>, vector<16xf32>,
        tpu.vector_store %arg12[%swap3A_1325, %swap3A_1326], %add3A_1324 {strides = array<i32>} : memref<64x768xf32, #tpu.memory_space<vmem>>, vector<16xf32>,
        %get3A_1328 = arith.index_cast %scan3A_23 : i32 to index
        %get3A_1329 = arith.constant 48 : index
        %get3A_1330 = tpu.vector_load %arg12[%get3A_1328, %get3A_1329] {strides = array<i32>} : memref<64x768xf32, #tpu.memory_space<vmem>>, vector<16xf32>,
        %sub3A_1331 = arith.subf %get3A_1330, %broadcast_in_dim3A_1249 : vector<16xf32>
        %mul3A_1332 = arith.mulf %sub3A_1331, %mul3A_1285 : vector<16xf32>
        %get3A_1333 = arith.constant 48 : index
        %get3A_1334 = tpu.vector_load %arg15[%get3A_1333] {strides = array<i32>} : memref<768xf32, #tpu.memory_space<vmem>>, vector<16xf32>,
        %mul3A_1335 = arith.mulf %mul3A_1332, %get3A_1334 : vector<16xf32>
        %get3A_1336 = arith.constant 48 : index
        %get3A_1337 = tpu.vector_load %arg16[%get3A_1336] {strides = array<i32>} : memref<768xf32, #tpu.memory_space<vmem>>, vector<16xf32>,
        %add3A_1338 = arith.addf %mul3A_1335, %get3A_1337 : vector<16xf32>
        %swap3A_1339 = arith.index_cast %scan3A_23 : i32 to index
        %swap3A_1340 = arith.constant 48 : index
        %swap3A_1341 = tpu.vector_load %arg12[%swap3A_1339, %swap3A_1340] {strides = array<i32>} : memref<64x768xf32, #tpu.memory_space<vmem>>, vector<16xf32>,
        tpu.vector_store %arg12[%swap3A_1339, %swap3A_1340], %add3A_1338 {strides = array<i32>} : memref<64x768xf32, #tpu.memory_space<vmem>>, vector<16xf32>,
        %get3A_1342 = arith.index_cast %scan3A_23 : i32 to index
        %get3A_1343 = arith.constant 64 : index
        %get3A_1344 = tpu.vector_load %arg12[%get3A_1342, %get3A_1343] {strides = array<i32>} : memref<64x768xf32, #tpu.memory_space<vmem>>, vector<16xf32>,
        %sub3A_1345 = arith.subf %get3A_1344, %broadcast_in_dim3A_1249 : vector<16xf32>
        %mul3A_1346 = arith.mulf %sub3A_1345, %mul3A_1285 : vector<16xf32>
        %get3A_1347 = arith.constant 64 : index
        %get3A_1348 = tpu.vector_load %arg15[%get3A_1347] {strides = array<i32>} : memref<768xf32, #tpu.memory_space<vmem>>, vector<16xf32>,
        %mul3A_1349 = arith.mulf %mul3A_1346, %get3A_1348 : vector<16xf32>
        %get3A_1350 = arith.constant 64 : index
        %get3A_1351 = tpu.vector_load %arg16[%get3A_1350] {strides = array<i32>} : memref<768xf32, #tpu.memory_space<vmem>>, vector<16xf32>,
        %add3A_1352 = arith.addf %mul3A_1349, %get3A_1351 : vector<16xf32>
        %swap3A_1353 = arith.index_cast %scan3A_23 : i32 to index
        %swap3A_1354 = arith.constant 64 : index
        %swap3A_1355 = tpu.vector_load %arg12[%swap3A_1353, %swap3A_1354] {strides = array<i32>} : memref<64x768xf32, #tpu.memory_space<vmem>>, vector<16xf32>,
        tpu.vector_store %arg12[%swap3A_1353, %swap3A_1354], %add3A_1352 {strides = array<i32>} : memref<64x768xf32, #tpu.memory_space<vmem>>, vector<16xf32>,
        %get3A_1356 = arith.index_cast %scan3A_23 : i32 to index
        %get3A_1357 = arith.constant 80 : index
        %get3A_1358 = tpu.vector_load %arg12[%get3A_1356, %get3A_1357] {strides = array<i32>} : memref<64x768xf32, #tpu.memory_space<vmem>>, vector<16xf32>,
        %sub3A_1359 = arith.subf %get3A_1358, %broadcast_in_dim3A_1249 : vector<16xf32>
        %mul3A_1360 = arith.mulf %sub3A_1359, %mul3A_1285 : vector<16xf32>
        %get3A_1361 = arith.constant 80 : index
        %get3A_1362 = tpu.vector_load %arg15[%get3A_1361] {strides = array<i32>} : memref<768xf32, #tpu.memory_space<vmem>>, vector<16xf32>,
        %mul3A_1363 = arith.mulf %mul3A_1360, %get3A_1362 : vector<16xf32>
        %get3A_1364 = arith.constant 80 : index
        %get3A_1365 = tpu.vector_load %arg16[%get3A_1364] {strides = array<i32>} : memref<768xf32, #tpu.memory_space<vmem>>, vector<16xf32>,
        %add3A_1366 = arith.addf %mul3A_1363, %get3A_1365 : vector<16xf32>
        %swap3A_1367 = arith.index_cast %scan3A_23 : i32 to index
        %swap3A_1368 = arith.constant 80 : index
        %swap3A_1369 = tpu.vector_load %arg12[%swap3A_1367, %swap3A_1368] {strides = array<i32>} : memref<64x768xf32, #tpu.memory_space<vmem>>, vector<16xf32>,
        tpu.vector_store %arg12[%swap3A_1367, %swap3A_1368], %add3A_1366 {strides = array<i32>} : memref<64x768xf32, #tpu.memory_space<vmem>>, vector<16xf32>,
        %get3A_1370 = arith.index_cast %scan3A_23 : i32 to index
        %get3A_1371 = arith.constant 96 : index
        %get3A_1372 = tpu.vector_load %arg12[%get3A_1370, %get3A_1371] {strides = array<i32>} : memref<64x768xf32, #tpu.memory_space<vmem>>, vector<16xf32>,
        %sub3A_1373 = arith.subf %get3A_1372, %broadcast_in_dim3A_1249 : vector<16xf32>
        %mul3A_1374 = arith.mulf %sub3A_1373, %mul3A_1285 : vector<16xf32>
        %get3A_1375 = arith.constant 96 : index
        %get3A_1376 = tpu.vector_load %arg15[%get3A_1375] {strides = array<i32>} : memref<768xf32, #tpu.memory_space<vmem>>, vector<16xf32>,
        %mul3A_1377 = arith.mulf %mul3A_1374, %get3A_1376 : vector<16xf32>
        %get3A_1378 = arith.constant 96 : index
        %get3A_1379 = tpu.vector_load %arg16[%get3A_1378] {strides = array<i32>} : memref<768xf32, #tpu.memory_space<vmem>>, vector<16xf32>,
        %add3A_1380 = arith.addf %mul3A_1377, %get3A_1379 : vector<16xf32>
        %swap3A_1381 = arith.index_cast %scan3A_23 : i32 to index
        %swap3A_1382 = arith.constant 96 : index
        %swap3A_1383 = tpu.vector_load %arg12[%swap3A_1381, %swap3A_1382] {strides = array<i32>} : memref<64x768xf32, #tpu.memory_space<vmem>>, vector<16xf32>,
        tpu.vector_store %arg12[%swap3A_1381, %swap3A_1382], %add3A_1380 {strides = array<i32>} : memref<64x768xf32, #tpu.memory_space<vmem>>, vector<16xf32>,
        %get3A_1384 = arith.index_cast %scan3A_23 : i32 to index
        %get3A_1385 = arith.constant 112 : index
        %get3A_1386 = tpu.vector_load %arg12[%get3A_1384, %get3A_1385] {strides = array<i32>} : memref<64x768xf32, #tpu.memory_space<vmem>>, vector<16xf32>,
        %sub3A_1387 = arith.subf %get3A_1386, %broadcast_in_dim3A_1249 : vector<16xf32>
        %mul3A_1388 = arith.mulf %sub3A_1387, %mul3A_1285 : vector<16xf32>
        %get3A_1389 = arith.constant 112 : index
        %get3A_1390 = tpu.vector_load %arg15[%get3A_1389] {strides = array<i32>} : memref<768xf32, #tpu.memory_space<vmem>>, vector<16xf32>,
        %mul3A_1391 = arith.mulf %mul3A_1388, %get3A_1390 : vector<16xf32>
        %get3A_1392 = arith.constant 112 : index
        %get3A_1393 = tpu.vector_load %arg16[%get3A_1392] {strides = array<i32>} : memref<768xf32, #tpu.memory_space<vmem>>, vector<16xf32>,
        %add3A_1394 = arith.addf %mul3A_1391, %get3A_1393 : vector<16xf32>
        %swap3A_1395 = arith.index_cast %scan3A_23 : i32 to index
        %swap3A_1396 = arith.constant 112 : index
        %swap3A_1397 = tpu.vector_load %arg12[%swap3A_1395, %swap3A_1396] {strides = array<i32>} : memref<64x768xf32, #tpu.memory_space<vmem>>, vector<16xf32>,
        tpu.vector_store %arg12[%swap3A_1395, %swap3A_1396], %add3A_1394 {strides = array<i32>} : memref<64x768xf32, #tpu.memory_space<vmem>>, vector<16xf32>,
        %get3A_1398 = arith.index_cast %scan3A_23 : i32 to index
        %get3A_1399 = arith.constant 128 : index
        %get3A_1400 = tpu.vector_load %arg12[%get3A_1398, %get3A_1399] {strides = array<i32>} : memref<64x768xf32, #tpu.memory_space<vmem>>, vector<16xf32>,
        %sub3A_1401 = arith.subf %get3A_1400, %broadcast_in_dim3A_1249 : vector<16xf32>
        %mul3A_1402 = arith.mulf %sub3A_1401, %mul3A_1285 : vector<16xf32>
        %get3A_1403 = arith.constant 128 : index
        %get3A_1404 = tpu.vector_load %arg15[%get3A_1403] {strides = array<i32>} : memref<768xf32, #tpu.memory_space<vmem>>, vector<16xf32>,
        %mul3A_1405 = arith.mulf %mul3A_1402, %get3A_1404 : vector<16xf32>
        %get3A_1406 = arith.constant 128 : index
        %get3A_1407 = tpu.vector_load %arg16[%get3A_1406] {strides = array<i32>} : memref<768xf32, #tpu.memory_space<vmem>>, vector<16xf32>,
        %add3A_1408 = arith.addf %mul3A_1405, %get3A_1407 : vector<16xf32>
        %swap3A_1409 = arith.index_cast %scan3A_23 : i32 to index
        %swap3A_1410 = arith.constant 128 : index
        %swap3A_1411 = tpu.vector_load %arg12[%swap3A_1409, %swap3A_1410] {strides = array<i32>} : memref<64x768xf32, #tpu.memory_space<vmem>>, vector<16xf32>,
        tpu.vector_store %arg12[%swap3A_1409, %swap3A_1410], %add3A_1408 {strides = array<i32>} : memref<64x768xf32, #tpu.memory_space<vmem>>, vector<16xf32>,
        %get3A_1412 = arith.index_cast %scan3A_23 : i32 to index
        %get3A_1413 = arith.constant 144 : index
        %get3A_1414 = tpu.vector_load %arg12[%get3A_1412, %get3A_1413] {strides = array<i32>} : memref<64x768xf32, #tpu.memory_space<vmem>>, vector<16xf32>,
        %sub3A_1415 = arith.subf %get3A_1414, %broadcast_in_dim3A_1249 : vector<16xf32>
        %mul3A_1416 = arith.mulf %sub3A_1415, %mul3A_1285 : vector<16xf32>
        %get3A_1417 = arith.constant 144 : index
        %get3A_1418 = tpu.vector_load %arg15[%get3A_1417] {strides = array<i32>} : memref<768xf32, #tpu.memory_space<vmem>>, vector<16xf32>,
        %mul3A_1419 = arith.mulf %mul3A_1416, %get3A_1418 : vector<16xf32>
        %get3A_1420 = arith.constant 144 : index
        %get3A_1421 = tpu.vector_load %arg16[%get3A_1420] {strides = array<i32>} : memref<768xf32, #tpu.memory_space<vmem>>, vector<16xf32>,
        %add3A_1422 = arith.addf %mul3A_1419, %get3A_1421 : vector<16xf32>
        %swap3A_1423 = arith.index_cast %scan3A_23 : i32 to index
        %swap3A_1424 = arith.constant 144 : index
        %swap3A_1425 = tpu.vector_load %arg12[%swap3A_1423, %swap3A_1424] {strides = array<i32>} : memref<64x768xf32, #tpu.memory_space<vmem>>, vector<16xf32>,
        tpu.vector_store %arg12[%swap3A_1423, %swap3A_1424], %add3A_1422 {strides = array<i32>} : memref<64x768xf32, #tpu.memory_space<vmem>>, vector<16xf32>,
        %get3A_1426 = arith.index_cast %scan3A_23 : i32 to index
        %get3A_1427 = arith.constant 160 : index
        %get3A_1428 = tpu.vector_load %arg12[%get3A_1426, %get3A_1427] {strides = array<i32>} : memref<64x768xf32, #tpu.memory_space<vmem>>, vector<16xf32>,
        %sub3A_1429 = arith.subf %get3A_1428, %broadcast_in_dim3A_1249 : vector<16xf32>
        %mul3A_1430 = arith.mulf %sub3A_1429, %mul3A_1285 : vector<16xf32>
        %get3A_1431 = arith.constant 160 : index
        %get3A_1432 = tpu.vector_load %arg15[%get3A_1431] {strides = array<i32>} : memref<768xf32, #tpu.memory_space<vmem>>, vector<16xf32>,
        %mul3A_1433 = arith.mulf %mul3A_1430, %get3A_1432 : vector<16xf32>
        %get3A_1434 = arith.constant 160 : index
        %get3A_1435 = tpu.vector_load %arg16[%get3A_1434] {strides = array<i32>} : memref<768xf32, #tpu.memory_space<vmem>>, vector<16xf32>,
        %add3A_1436 = arith.addf %mul3A_1433, %get3A_1435 : vector<16xf32>
        %swap3A_1437 = arith.index_cast %scan3A_23 : i32 to index
        %swap3A_1438 = arith.constant 160 : index
        %swap3A_1439 = tpu.vector_load %arg12[%swap3A_1437, %swap3A_1438] {strides = array<i32>} : memref<64x768xf32, #tpu.memory_space<vmem>>, vector<16xf32>,
        tpu.vector_store %arg12[%swap3A_1437, %swap3A_1438], %add3A_1436 {strides = array<i32>} : memref<64x768xf32, #tpu.memory_space<vmem>>, vector<16xf32>,
        %get3A_1440 = arith.index_cast %scan3A_23 : i32 to index
        %get3A_1441 = arith.constant 176 : index
        %get3A_1442 = tpu.vector_load %arg12[%get3A_1440, %get3A_1441] {strides = array<i32>} : memref<64x768xf32, #tpu.memory_space<vmem>>, vector<16xf32>,
        %sub3A_1443 = arith.subf %get3A_1442, %broadcast_in_dim3A_1249 : vector<16xf32>
        %mul3A_1444 = arith.mulf %sub3A_1443, %mul3A_1285 : vector<16xf32>
        %get3A_1445 = arith.constant 176 : index
        %get3A_1446 = tpu.vector_load %arg15[%get3A_1445] {strides = array<i32>} : memref<768xf32, #tpu.memory_space<vmem>>, vector<16xf32>,
        %mul3A_1447 = arith.mulf %mul3A_1444, %get3A_1446 : vector<16xf32>
        %get3A_1448 = arith.constant 176 : index
        %get3A_1449 = tpu.vector_load %arg16[%get3A_1448] {strides = array<i32>} : memref<768xf32, #tpu.memory_space<vmem>>, vector<16xf32>,
        %add3A_1450 = arith.addf %mul3A_1447, %get3A_1449 : vector<16xf32>
        %swap3A_1451 = arith.index_cast %scan3A_23 : i32 to index
        %swap3A_1452 = arith.constant 176 : index
        %swap3A_1453 = tpu.vector_load %arg12[%swap3A_1451, %swap3A_1452] {strides = array<i32>} : memref<64x768xf32, #tpu.memory_space<vmem>>, vector<16xf32>,
        tpu.vector_store %arg12[%swap3A_1451, %swap3A_1452], %add3A_1450 {strides = array<i32>} : memref<64x768xf32, #tpu.memory_space<vmem>>, vector<16xf32>,
        %get3A_1454 = arith.index_cast %scan3A_23 : i32 to index
        %get3A_1455 = arith.constant 192 : index
        %get3A_1456 = tpu.vector_load %arg12[%get3A_1454, %get3A_1455] {strides = array<i32>} : memref<64x768xf32, #tpu.memory_space<vmem>>, vector<16xf32>,
        %sub3A_1457 = arith.subf %get3A_1456, %broadcast_in_dim3A_1249 : vector<16xf32>
        %mul3A_1458 = arith.mulf %sub3A_1457, %mul3A_1285 : vector<16xf32>
        %get3A_1459 = arith.constant 192 : index
        %get3A_1460 = tpu.vector_load %arg15[%get3A_1459] {strides = array<i32>} : memref<768xf32, #tpu.memory_space<vmem>>, vector<16xf32>,
        %mul3A_1461 = arith.mulf %mul3A_1458, %get3A_1460 : vector<16xf32>
        %get3A_1462 = arith.constant 192 : index
        %get3A_1463 = tpu.vector_load %arg16[%get3A_1462] {strides = array<i32>} : memref<768xf32, #tpu.memory_space<vmem>>, vector<16xf32>,
        %add3A_1464 = arith.addf %mul3A_1461, %get3A_1463 : vector<16xf32>
        %swap3A_1465 = arith.index_cast %scan3A_23 : i32 to index
        %swap3A_1466 = arith.constant 192 : index
        %swap3A_1467 = tpu.vector_load %arg12[%swap3A_1465, %swap3A_1466] {strides = array<i32>} : memref<64x768xf32, #tpu.memory_space<vmem>>, vector<16xf32>,
        tpu.vector_store %arg12[%swap3A_1465, %swap3A_1466], %add3A_1464 {strides = array<i32>} : memref<64x768xf32, #tpu.memory_space<vmem>>, vector<16xf32>,
        %get3A_1468 = arith.index_cast %scan3A_23 : i32 to index
        %get3A_1469 = arith.constant 208 : index
        %get3A_1470 = tpu.vector_load %arg12[%get3A_1468, %get3A_1469] {strides = array<i32>} : memref<64x768xf32, #tpu.memory_space<vmem>>, vector<16xf32>,
        %sub3A_1471 = arith.subf %get3A_1470, %broadcast_in_dim3A_1249 : vector<16xf32>
        %mul3A_1472 = arith.mulf %sub3A_1471, %mul3A_1285 : vector<16xf32>
        %get3A_1473 = arith.constant 208 : index
        %get3A_1474 = tpu.vector_load %arg15[%get3A_1473] {strides = array<i32>} : memref<768xf32, #tpu.memory_space<vmem>>, vector<16xf32>,
        %mul3A_1475 = arith.mulf %mul3A_1472, %get3A_1474 : vector<16xf32>
        %get3A_1476 = arith.constant 208 : index
        %get3A_1477 = tpu.vector_load %arg16[%get3A_1476] {strides = array<i32>} : memref<768xf32, #tpu.memory_space<vmem>>, vector<16xf32>,
        %add3A_1478 = arith.addf %mul3A_1475, %get3A_1477 : vector<16xf32>
        %swap3A_1479 = arith.index_cast %scan3A_23 : i32 to index
        %swap3A_1480 = arith.constant 208 : index
        %swap3A_1481 = tpu.vector_load %arg12[%swap3A_1479, %swap3A_1480] {strides = array<i32>} : memref<64x768xf32, #tpu.memory_space<vmem>>, vector<16xf32>,
        tpu.vector_store %arg12[%swap3A_1479, %swap3A_1480], %add3A_1478 {strides = array<i32>} : memref<64x768xf32, #tpu.memory_space<vmem>>, vector<16xf32>,
        %get3A_1482 = arith.index_cast %scan3A_23 : i32 to index
        %get3A_1483 = arith.constant 224 : index
        %get3A_1484 = tpu.vector_load %arg12[%get3A_1482, %get3A_1483] {strides = array<i32>} : memref<64x768xf32, #tpu.memory_space<vmem>>, vector<16xf32>,
        %sub3A_1485 = arith.subf %get3A_1484, %broadcast_in_dim3A_1249 : vector<16xf32>
        %mul3A_1486 = arith.mulf %sub3A_1485, %mul3A_1285 : vector<16xf32>
        %get3A_1487 = arith.constant 224 : index
        %get3A_1488 = tpu.vector_load %arg15[%get3A_1487] {strides = array<i32>} : memref<768xf32, #tpu.memory_space<vmem>>, vector<16xf32>,
        %mul3A_1489 = arith.mulf %mul3A_1486, %get3A_1488 : vector<16xf32>
        %get3A_1490 = arith.constant 224 : index
        %get3A_1491 = tpu.vector_load %arg16[%get3A_1490] {strides = array<i32>} : memref<768xf32, #tpu.memory_space<vmem>>, vector<16xf32>,
        %add3A_1492 = arith.addf %mul3A_1489, %get3A_1491 : vector<16xf32>
        %swap3A_1493 = arith.index_cast %scan3A_23 : i32 to index
        %swap3A_1494 = arith.constant 224 : index
        %swap3A_1495 = tpu.vector_load %arg12[%swap3A_1493, %swap3A_1494] {strides = array<i32>} : memref<64x768xf32, #tpu.memory_space<vmem>>, vector<16xf32>,
        tpu.vector_store %arg12[%swap3A_1493, %swap3A_1494], %add3A_1492 {strides = array<i32>} : memref<64x768xf32, #tpu.memory_space<vmem>>, vector<16xf32>,
        %get3A_1496 = arith.index_cast %scan3A_23 : i32 to index
        %get3A_1497 = arith.constant 240 : index
        %get3A_1498 = tpu.vector_load %arg12[%get3A_1496, %get3A_1497] {strides = array<i32>} : memref<64x768xf32, #tpu.memory_space<vmem>>, vector<16xf32>,
        %sub3A_1499 = arith.subf %get3A_1498, %broadcast_in_dim3A_1249 : vector<16xf32>
        %mul3A_1500 = arith.mulf %sub3A_1499, %mul3A_1285 : vector<16xf32>
        %get3A_1501 = arith.constant 240 : index
        %get3A_1502 = tpu.vector_load %arg15[%get3A_1501] {strides = array<i32>} : memref<768xf32, #tpu.memory_space<vmem>>, vector<16xf32>,
        %mul3A_1503 = arith.mulf %mul3A_1500, %get3A_1502 : vector<16xf32>
        %get3A_1504 = arith.constant 240 : index
        %get3A_1505 = tpu.vector_load %arg16[%get3A_1504] {strides = array<i32>} : memref<768xf32, #tpu.memory_space<vmem>>, vector<16xf32>,
        %add3A_1506 = arith.addf %mul3A_1503, %get3A_1505 : vector<16xf32>
        %swap3A_1507 = arith.index_cast %scan3A_23 : i32 to index
        %swap3A_1508 = arith.constant 240 : index
        %swap3A_1509 = tpu.vector_load %arg12[%swap3A_1507, %swap3A_1508] {strides = array<i32>} : memref<64x768xf32, #tpu.memory_space<vmem>>, vector<16xf32>,
        tpu.vector_store %arg12[%swap3A_1507, %swap3A_1508], %add3A_1506 {strides = array<i32>} : memref<64x768xf32, #tpu.memory_space<vmem>>, vector<16xf32>,
        %get3A_1510 = arith.index_cast %scan3A_23 : i32 to index
        %get3A_1511 = arith.constant 256 : index
        %get3A_1512 = tpu.vector_load %arg12[%get3A_1510, %get3A_1511] {strides = array<i32>} : memref<64x768xf32, #tpu.memory_space<vmem>>, vector<16xf32>,
        %sub3A_1513 = arith.subf %get3A_1512, %broadcast_in_dim3A_1249 : vector<16xf32>
        %mul3A_1514 = arith.mulf %sub3A_1513, %mul3A_1285 : vector<16xf32>
        %get3A_1515 = arith.constant 256 : index
        %get3A_1516 = tpu.vector_load %arg15[%get3A_1515] {strides = array<i32>} : memref<768xf32, #tpu.memory_space<vmem>>, vector<16xf32>,
        %mul3A_1517 = arith.mulf %mul3A_1514, %get3A_1516 : vector<16xf32>
        %get3A_1518 = arith.constant 256 : index
        %get3A_1519 = tpu.vector_load %arg16[%get3A_1518] {strides = array<i32>} : memref<768xf32, #tpu.memory_space<vmem>>, vector<16xf32>,
        %add3A_1520 = arith.addf %mul3A_1517, %get3A_1519 : vector<16xf32>
        %swap3A_1521 = arith.index_cast %scan3A_23 : i32 to index
        %swap3A_1522 = arith.constant 256 : index
        %swap3A_1523 = tpu.vector_load %arg12[%swap3A_1521, %swap3A_1522] {strides = array<i32>} : memref<64x768xf32, #tpu.memory_space<vmem>>, vector<16xf32>,
        tpu.vector_store %arg12[%swap3A_1521, %swap3A_1522], %add3A_1520 {strides = array<i32>} : memref<64x768xf32, #tpu.memory_space<vmem>>, vector<16xf32>,
        %get3A_1524 = arith.index_cast %scan3A_23 : i32 to index
        %get3A_1525 = arith.constant 272 : index
        %get3A_1526 = tpu.vector_load %arg12[%get3A_1524, %get3A_1525] {strides = array<i32>} : memref<64x768xf32, #tpu.memory_space<vmem>>, vector<16xf32>,
        %sub3A_1527 = arith.subf %get3A_1526, %broadcast_in_dim3A_1249 : vector<16xf32>
        %mul3A_1528 = arith.mulf %sub3A_1527, %mul3A_1285 : vector<16xf32>
        %get3A_1529 = arith.constant 272 : index
        %get3A_1530 = tpu.vector_load %arg15[%get3A_1529] {strides = array<i32>} : memref<768xf32, #tpu.memory_space<vmem>>, vector<16xf32>,
        %mul3A_1531 = arith.mulf %mul3A_1528, %get3A_1530 : vector<16xf32>
        %get3A_1532 = arith.constant 272 : index
        %get3A_1533 = tpu.vector_load %arg16[%get3A_1532] {strides = array<i32>} : memref<768xf32, #tpu.memory_space<vmem>>, vector<16xf32>,
        %add3A_1534 = arith.addf %mul3A_1531, %get3A_1533 : vector<16xf32>
        %swap3A_1535 = arith.index_cast %scan3A_23 : i32 to index
        %swap3A_1536 = arith.constant 272 : index
        %swap3A_1537 = tpu.vector_load %arg12[%swap3A_1535, %swap3A_1536] {strides = array<i32>} : memref<64x768xf32, #tpu.memory_space<vmem>>, vector<16xf32>,
        tpu.vector_store %arg12[%swap3A_1535, %swap3A_1536], %add3A_1534 {strides = array<i32>} : memref<64x768xf32, #tpu.memory_space<vmem>>, vector<16xf32>,
        %get3A_1538 = arith.index_cast %scan3A_23 : i32 to index
        %get3A_1539 = arith.constant 288 : index
        %get3A_1540 = tpu.vector_load %arg12[%get3A_1538, %get3A_1539] {strides = array<i32>} : memref<64x768xf32, #tpu.memory_space<vmem>>, vector<16xf32>,
        %sub3A_1541 = arith.subf %get3A_1540, %broadcast_in_dim3A_1249 : vector<16xf32>
        %mul3A_1542 = arith.mulf %sub3A_1541, %mul3A_1285 : vector<16xf32>
        %get3A_1543 = arith.constant 288 : index
        %get3A_1544 = tpu.vector_load %arg15[%get3A_1543] {strides = array<i32>} : memref<768xf32, #tpu.memory_space<vmem>>, vector<16xf32>,
        %mul3A_1545 = arith.mulf %mul3A_1542, %get3A_1544 : vector<16xf32>
        %get3A_1546 = arith.constant 288 : index
        %get3A_1547 = tpu.vector_load %arg16[%get3A_1546] {strides = array<i32>} : memref<768xf32, #tpu.memory_space<vmem>>, vector<16xf32>,
        %add3A_1548 = arith.addf %mul3A_1545, %get3A_1547 : vector<16xf32>
        %swap3A_1549 = arith.index_cast %scan3A_23 : i32 to index
        %swap3A_1550 = arith.constant 288 : index
        %swap3A_1551 = tpu.vector_load %arg12[%swap3A_1549, %swap3A_1550] {strides = array<i32>} : memref<64x768xf32, #tpu.memory_space<vmem>>, vector<16xf32>,
        tpu.vector_store %arg12[%swap3A_1549, %swap3A_1550], %add3A_1548 {strides = array<i32>} : memref<64x768xf32, #tpu.memory_space<vmem>>, vector<16xf32>,
        %get3A_1552 = arith.index_cast %scan3A_23 : i32 to index
        %get3A_1553 = arith.constant 304 : index
        %get3A_1554 = tpu.vector_load %arg12[%get3A_1552, %get3A_1553] {strides = array<i32>} : memref<64x768xf32, #tpu.memory_space<vmem>>, vector<16xf32>,
        %sub3A_1555 = arith.subf %get3A_1554, %broadcast_in_dim3A_1249 : vector<16xf32>
        %mul3A_1556 = arith.mulf %sub3A_1555, %mul3A_1285 : vector<16xf32>
        %get3A_1557 = arith.constant 304 : index
        %get3A_1558 = tpu.vector_load %arg15[%get3A_1557] {strides = array<i32>} : memref<768xf32, #tpu.memory_space<vmem>>, vector<16xf32>,
        %mul3A_1559 = arith.mulf %mul3A_1556, %get3A_1558 : vector<16xf32>
        %get3A_1560 = arith.constant 304 : index
        %get3A_1561 = tpu.vector_load %arg16[%get3A_1560] {strides = array<i32>} : memref<768xf32, #tpu.memory_space<vmem>>, vector<16xf32>,
        %add3A_1562 = arith.addf %mul3A_1559, %get3A_1561 : vector<16xf32>
        %swap3A_1563 = arith.index_cast %scan3A_23 : i32 to index
        %swap3A_1564 = arith.constant 304 : index
        %swap3A_1565 = tpu.vector_load %arg12[%swap3A_1563, %swap3A_1564] {strides = array<i32>} : memref<64x768xf32, #tpu.memory_space<vmem>>, vector<16xf32>,
        tpu.vector_store %arg12[%swap3A_1563, %swap3A_1564], %add3A_1562 {strides = array<i32>} : memref<64x768xf32, #tpu.memory_space<vmem>>, vector<16xf32>,
        %get3A_1566 = arith.index_cast %scan3A_23 : i32 to index
        %get3A_1567 = arith.constant 320 : index
        %get3A_1568 = tpu.vector_load %arg12[%get3A_1566, %get3A_1567] {strides = array<i32>} : memref<64x768xf32, #tpu.memory_space<vmem>>, vector<16xf32>,
        %sub3A_1569 = arith.subf %get3A_1568, %broadcast_in_dim3A_1249 : vector<16xf32>
        %mul3A_1570 = arith.mulf %sub3A_1569, %mul3A_1285 : vector<16xf32>
        %get3A_1571 = arith.constant 320 : index
        %get3A_1572 = tpu.vector_load %arg15[%get3A_1571] {strides = array<i32>} : memref<768xf32, #tpu.memory_space<vmem>>, vector<16xf32>,
        %mul3A_1573 = arith.mulf %mul3A_1570, %get3A_1572 : vector<16xf32>
        %get3A_1574 = arith.constant 320 : index
        %get3A_1575 = tpu.vector_load %arg16[%get3A_1574] {strides = array<i32>} : memref<768xf32, #tpu.memory_space<vmem>>, vector<16xf32>,
        %add3A_1576 = arith.addf %mul3A_1573, %get3A_1575 : vector<16xf32>
        %swap3A_1577 = arith.index_cast %scan3A_23 : i32 to index
        %swap3A_1578 = arith.constant 320 : index
        %swap3A_1579 = tpu.vector_load %arg12[%swap3A_1577, %swap3A_1578] {strides = array<i32>} : memref<64x768xf32, #tpu.memory_space<vmem>>, vector<16xf32>,
        tpu.vector_store %arg12[%swap3A_1577, %swap3A_1578], %add3A_1576 {strides = array<i32>} : memref<64x768xf32, #tpu.memory_space<vmem>>, vector<16xf32>,
        %get3A_1580 = arith.index_cast %scan3A_23 : i32 to index
        %get3A_1581 = arith.constant 336 : index
        %get3A_1582 = tpu.vector_load %arg12[%get3A_1580, %get3A_1581] {strides = array<i32>} : memref<64x768xf32, #tpu.memory_space<vmem>>, vector<16xf32>,
        %sub3A_1583 = arith.subf %get3A_1582, %broadcast_in_dim3A_1249 : vector<16xf32>
        %mul3A_1584 = arith.mulf %sub3A_1583, %mul3A_1285 : vector<16xf32>
        %get3A_1585 = arith.constant 336 : index
        %get3A_1586 = tpu.vector_load %arg15[%get3A_1585] {strides = array<i32>} : memref<768xf32, #tpu.memory_space<vmem>>, vector<16xf32>,
        %mul3A_1587 = arith.mulf %mul3A_1584, %get3A_1586 : vector<16xf32>
        %get3A_1588 = arith.constant 336 : index
        %get3A_1589 = tpu.vector_load %arg16[%get3A_1588] {strides = array<i32>} : memref<768xf32, #tpu.memory_space<vmem>>, vector<16xf32>,
        %add3A_1590 = arith.addf %mul3A_1587, %get3A_1589 : vector<16xf32>
        %swap3A_1591 = arith.index_cast %scan3A_23 : i32 to index
        %swap3A_1592 = arith.constant 336 : index
        %swap3A_1593 = tpu.vector_load %arg12[%swap3A_1591, %swap3A_1592] {strides = array<i32>} : memref<64x768xf32, #tpu.memory_space<vmem>>, vector<16xf32>,
        tpu.vector_store %arg12[%swap3A_1591, %swap3A_1592], %add3A_1590 {strides = array<i32>} : memref<64x768xf32, #tpu.memory_space<vmem>>, vector<16xf32>,
        %get3A_1594 = arith.index_cast %scan3A_23 : i32 to index
        %get3A_1595 = arith.constant 352 : index
        %get3A_1596 = tpu.vector_load %arg12[%get3A_1594, %get3A_1595] {strides = array<i32>} : memref<64x768xf32, #tpu.memory_space<vmem>>, vector<16xf32>,
        %sub3A_1597 = arith.subf %get3A_1596, %broadcast_in_dim3A_1249 : vector<16xf32>
        %mul3A_1598 = arith.mulf %sub3A_1597, %mul3A_1285 : vector<16xf32>
        %get3A_1599 = arith.constant 352 : index
        %get3A_1600 = tpu.vector_load %arg15[%get3A_1599] {strides = array<i32>} : memref<768xf32, #tpu.memory_space<vmem>>, vector<16xf32>,
        %mul3A_1601 = arith.mulf %mul3A_1598, %get3A_1600 : vector<16xf32>
        %get3A_1602 = arith.constant 352 : index
        %get3A_1603 = tpu.vector_load %arg16[%get3A_1602] {strides = array<i32>} : memref<768xf32, #tpu.memory_space<vmem>>, vector<16xf32>,
        %add3A_1604 = arith.addf %mul3A_1601, %get3A_1603 : vector<16xf32>
        %swap3A_1605 = arith.index_cast %scan3A_23 : i32 to index
        %swap3A_1606 = arith.constant 352 : index
        %swap3A_1607 = tpu.vector_load %arg12[%swap3A_1605, %swap3A_1606] {strides = array<i32>} : memref<64x768xf32, #tpu.memory_space<vmem>>, vector<16xf32>,
        tpu.vector_store %arg12[%swap3A_1605, %swap3A_1606], %add3A_1604 {strides = array<i32>} : memref<64x768xf32, #tpu.memory_space<vmem>>, vector<16xf32>,
        %get3A_1608 = arith.index_cast %scan3A_23 : i32 to index
        %get3A_1609 = arith.constant 368 : index
        %get3A_1610 = tpu.vector_load %arg12[%get3A_1608, %get3A_1609] {strides = array<i32>} : memref<64x768xf32, #tpu.memory_space<vmem>>, vector<16xf32>,
        %sub3A_1611 = arith.subf %get3A_1610, %broadcast_in_dim3A_1249 : vector<16xf32>
        %mul3A_1612 = arith.mulf %sub3A_1611, %mul3A_1285 : vector<16xf32>
        %get3A_1613 = arith.constant 368 : index
        %get3A_1614 = tpu.vector_load %arg15[%get3A_1613] {strides = array<i32>} : memref<768xf32, #tpu.memory_space<vmem>>, vector<16xf32>,
        %mul3A_1615 = arith.mulf %mul3A_1612, %get3A_1614 : vector<16xf32>
        %get3A_1616 = arith.constant 368 : index
        %get3A_1617 = tpu.vector_load %arg16[%get3A_1616] {strides = array<i32>} : memref<768xf32, #tpu.memory_space<vmem>>, vector<16xf32>,
        %add3A_1618 = arith.addf %mul3A_1615, %get3A_1617 : vector<16xf32>
        %swap3A_1619 = arith.index_cast %scan3A_23 : i32 to index
        %swap3A_1620 = arith.constant 368 : index
        %swap3A_1621 = tpu.vector_load %arg12[%swap3A_1619, %swap3A_1620] {strides = array<i32>} : memref<64x768xf32, #tpu.memory_space<vmem>>, vector<16xf32>,
        tpu.vector_store %arg12[%swap3A_1619, %swap3A_1620], %add3A_1618 {strides = array<i32>} : memref<64x768xf32, #tpu.memory_space<vmem>>, vector<16xf32>,
        %get3A_1622 = arith.index_cast %scan3A_23 : i32 to index
        %get3A_1623 = arith.constant 384 : index
        %get3A_1624 = tpu.vector_load %arg12[%get3A_1622, %get3A_1623] {strides = array<i32>} : memref<64x768xf32, #tpu.memory_space<vmem>>, vector<16xf32>,
        %sub3A_1625 = arith.subf %get3A_1624, %broadcast_in_dim3A_1249 : vector<16xf32>
        %mul3A_1626 = arith.mulf %sub3A_1625, %mul3A_1285 : vector<16xf32>
        %get3A_1627 = arith.constant 384 : index
        %get3A_1628 = tpu.vector_load %arg15[%get3A_1627] {strides = array<i32>} : memref<768xf32, #tpu.memory_space<vmem>>, vector<16xf32>,
        %mul3A_1629 = arith.mulf %mul3A_1626, %get3A_1628 : vector<16xf32>
        %get3A_1630 = arith.constant 384 : index
        %get3A_1631 = tpu.vector_load %arg16[%get3A_1630] {strides = array<i32>} : memref<768xf32, #tpu.memory_space<vmem>>, vector<16xf32>,
        %add3A_1632 = arith.addf %mul3A_1629, %get3A_1631 : vector<16xf32>
        %swap3A_1633 = arith.index_cast %scan3A_23 : i32 to index
        %swap3A_1634 = arith.constant 384 : index
        %swap3A_1635 = tpu.vector_load %arg12[%swap3A_1633, %swap3A_1634] {strides = array<i32>} : memref<64x768xf32, #tpu.memory_space<vmem>>, vector<16xf32>,
        tpu.vector_store %arg12[%swap3A_1633, %swap3A_1634], %add3A_1632 {strides = array<i32>} : memref<64x768xf32, #tpu.memory_space<vmem>>, vector<16xf32>,
        %get3A_1636 = arith.index_cast %scan3A_23 : i32 to index
        %get3A_1637 = arith.constant 400 : index
        %get3A_1638 = tpu.vector_load %arg12[%get3A_1636, %get3A_1637] {strides = array<i32>} : memref<64x768xf32, #tpu.memory_space<vmem>>, vector<16xf32>,
        %sub3A_1639 = arith.subf %get3A_1638, %broadcast_in_dim3A_1249 : vector<16xf32>
        %mul3A_1640 = arith.mulf %sub3A_1639, %mul3A_1285 : vector<16xf32>
        %get3A_1641 = arith.constant 400 : index
        %get3A_1642 = tpu.vector_load %arg15[%get3A_1641] {strides = array<i32>} : memref<768xf32, #tpu.memory_space<vmem>>, vector<16xf32>,
        %mul3A_1643 = arith.mulf %mul3A_1640, %get3A_1642 : vector<16xf32>
        %get3A_1644 = arith.constant 400 : index
        %get3A_1645 = tpu.vector_load %arg16[%get3A_1644] {strides = array<i32>} : memref<768xf32, #tpu.memory_space<vmem>>, vector<16xf32>,
        %add3A_1646 = arith.addf %mul3A_1643, %get3A_1645 : vector<16xf32>
        %swap3A_1647 = arith.index_cast %scan3A_23 : i32 to index
        %swap3A_1648 = arith.constant 400 : index
        %swap3A_1649 = tpu.vector_load %arg12[%swap3A_1647, %swap3A_1648] {strides = array<i32>} : memref<64x768xf32, #tpu.memory_space<vmem>>, vector<16xf32>,
        tpu.vector_store %arg12[%swap3A_1647, %swap3A_1648], %add3A_1646 {strides = array<i32>} : memref<64x768xf32, #tpu.memory_space<vmem>>, vector<16xf32>,
        %get3A_1650 = arith.index_cast %scan3A_23 : i32 to index
        %get3A_1651 = arith.constant 416 : index
        %get3A_1652 = tpu.vector_load %arg12[%get3A_1650, %get3A_1651] {strides = array<i32>} : memref<64x768xf32, #tpu.memory_space<vmem>>, vector<16xf32>,
        %sub3A_1653 = arith.subf %get3A_1652, %broadcast_in_dim3A_1249 : vector<16xf32>
        %mul3A_1654 = arith.mulf %sub3A_1653, %mul3A_1285 : vector<16xf32>
        %get3A_1655 = arith.constant 416 : index
        %get3A_1656 = tpu.vector_load %arg15[%get3A_1655] {strides = array<i32>} : memref<768xf32, #tpu.memory_space<vmem>>, vector<16xf32>,
        %mul3A_1657 = arith.mulf %mul3A_1654, %get3A_1656 : vector<16xf32>
        %get3A_1658 = arith.constant 416 : index
        %get3A_1659 = tpu.vector_load %arg16[%get3A_1658] {strides = array<i32>} : memref<768xf32, #tpu.memory_space<vmem>>, vector<16xf32>,
        %add3A_1660 = arith.addf %mul3A_1657, %get3A_1659 : vector<16xf32>
        %swap3A_1661 = arith.index_cast %scan3A_23 : i32 to index
        %swap3A_1662 = arith.constant 416 : index
        %swap3A_1663 = tpu.vector_load %arg12[%swap3A_1661, %swap3A_1662] {strides = array<i32>} : memref<64x768xf32, #tpu.memory_space<vmem>>, vector<16xf32>,
        tpu.vector_store %arg12[%swap3A_1661, %swap3A_1662], %add3A_1660 {strides = array<i32>} : memref<64x768xf32, #tpu.memory_space<vmem>>, vector<16xf32>,
        %get3A_1664 = arith.index_cast %scan3A_23 : i32 to index
        %get3A_1665 = arith.constant 432 : index
        %get3A_1666 = tpu.vector_load %arg12[%get3A_1664, %get3A_1665] {strides = array<i32>} : memref<64x768xf32, #tpu.memory_space<vmem>>, vector<16xf32>,
        %sub3A_1667 = arith.subf %get3A_1666, %broadcast_in_dim3A_1249 : vector<16xf32>
        %mul3A_1668 = arith.mulf %sub3A_1667, %mul3A_1285 : vector<16xf32>
        %get3A_1669 = arith.constant 432 : index
        %get3A_1670 = tpu.vector_load %arg15[%get3A_1669] {strides = array<i32>} : memref<768xf32, #tpu.memory_space<vmem>>, vector<16xf32>,
        %mul3A_1671 = arith.mulf %mul3A_1668, %get3A_1670 : vector<16xf32>
        %get3A_1672 = arith.constant 432 : index
        %get3A_1673 = tpu.vector_load %arg16[%get3A_1672] {strides = array<i32>} : memref<768xf32, #tpu.memory_space<vmem>>, vector<16xf32>,
        %add3A_1674 = arith.addf %mul3A_1671, %get3A_1673 : vector<16xf32>
        %swap3A_1675 = arith.index_cast %scan3A_23 : i32 to index
        %swap3A_1676 = arith.constant 432 : index
        %swap3A_1677 = tpu.vector_load %arg12[%swap3A_1675, %swap3A_1676] {strides = array<i32>} : memref<64x768xf32, #tpu.memory_space<vmem>>, vector<16xf32>,
        tpu.vector_store %arg12[%swap3A_1675, %swap3A_1676], %add3A_1674 {strides = array<i32>} : memref<64x768xf32, #tpu.memory_space<vmem>>, vector<16xf32>,
        %get3A_1678 = arith.index_cast %scan3A_23 : i32 to index
        %get3A_1679 = arith.constant 448 : index
        %get3A_1680 = tpu.vector_load %arg12[%get3A_1678, %get3A_1679] {strides = array<i32>} : memref<64x768xf32, #tpu.memory_space<vmem>>, vector<16xf32>,
        %sub3A_1681 = arith.subf %get3A_1680, %broadcast_in_dim3A_1249 : vector<16xf32>
        %mul3A_1682 = arith.mulf %sub3A_1681, %mul3A_1285 : vector<16xf32>
        %get3A_1683 = arith.constant 448 : index
        %get3A_1684 = tpu.vector_load %arg15[%get3A_1683] {strides = array<i32>} : memref<768xf32, #tpu.memory_space<vmem>>, vector<16xf32>,
        %mul3A_1685 = arith.mulf %mul3A_1682, %get3A_1684 : vector<16xf32>
        %get3A_1686 = arith.constant 448 : index
        %get3A_1687 = tpu.vector_load %arg16[%get3A_1686] {strides = array<i32>} : memref<768xf32, #tpu.memory_space<vmem>>, vector<16xf32>,
        %add3A_1688 = arith.addf %mul3A_1685, %get3A_1687 : vector<16xf32>
        %swap3A_1689 = arith.index_cast %scan3A_23 : i32 to index
        %swap3A_1690 = arith.constant 448 : index
        %swap3A_1691 = tpu.vector_load %arg12[%swap3A_1689, %swap3A_1690] {strides = array<i32>} : memref<64x768xf32, #tpu.memory_space<vmem>>, vector<16xf32>,
        tpu.vector_store %arg12[%swap3A_1689, %swap3A_1690], %add3A_1688 {strides = array<i32>} : memref<64x768xf32, #tpu.memory_space<vmem>>, vector<16xf32>,
        %get3A_1692 = arith.index_cast %scan3A_23 : i32 to index
        %get3A_1693 = arith.constant 464 : index
        %get3A_1694 = tpu.vector_load %arg12[%get3A_1692, %get3A_1693] {strides = array<i32>} : memref<64x768xf32, #tpu.memory_space<vmem>>, vector<16xf32>,
        %sub3A_1695 = arith.subf %get3A_1694, %broadcast_in_dim3A_1249 : vector<16xf32>
        %mul3A_1696 = arith.mulf %sub3A_1695, %mul3A_1285 : vector<16xf32>
        %get3A_1697 = arith.constant 464 : index
        %get3A_1698 = tpu.vector_load %arg15[%get3A_1697] {strides = array<i32>} : memref<768xf32, #tpu.memory_space<vmem>>, vector<16xf32>,
        %mul3A_1699 = arith.mulf %mul3A_1696, %get3A_1698 : vector<16xf32>
        %get3A_1700 = arith.constant 464 : index
        %get3A_1701 = tpu.vector_load %arg16[%get3A_1700] {strides = array<i32>} : memref<768xf32, #tpu.memory_space<vmem>>, vector<16xf32>,
        %add3A_1702 = arith.addf %mul3A_1699, %get3A_1701 : vector<16xf32>
        %swap3A_1703 = arith.index_cast %scan3A_23 : i32 to index
        %swap3A_1704 = arith.constant 464 : index
        %swap3A_1705 = tpu.vector_load %arg12[%swap3A_1703, %swap3A_1704] {strides = array<i32>} : memref<64x768xf32, #tpu.memory_space<vmem>>, vector<16xf32>,
        tpu.vector_store %arg12[%swap3A_1703, %swap3A_1704], %add3A_1702 {strides = array<i32>} : memref<64x768xf32, #tpu.memory_space<vmem>>, vector<16xf32>,
        %get3A_1706 = arith.index_cast %scan3A_23 : i32 to index
        %get3A_1707 = arith.constant 480 : index
        %get3A_1708 = tpu.vector_load %arg12[%get3A_1706, %get3A_1707] {strides = array<i32>} : memref<64x768xf32, #tpu.memory_space<vmem>>, vector<16xf32>,
        %sub3A_1709 = arith.subf %get3A_1708, %broadcast_in_dim3A_1249 : vector<16xf32>
        %mul3A_1710 = arith.mulf %sub3A_1709, %mul3A_1285 : vector<16xf32>
        %get3A_1711 = arith.constant 480 : index
        %get3A_1712 = tpu.vector_load %arg15[%get3A_1711] {strides = array<i32>} : memref<768xf32, #tpu.memory_space<vmem>>, vector<16xf32>,
        %mul3A_1713 = arith.mulf %mul3A_1710, %get3A_1712 : vector<16xf32>
        %get3A_1714 = arith.constant 480 : index
        %get3A_1715 = tpu.vector_load %arg16[%get3A_1714] {strides = array<i32>} : memref<768xf32, #tpu.memory_space<vmem>>, vector<16xf32>,
        %add3A_1716 = arith.addf %mul3A_1713, %get3A_1715 : vector<16xf32>
        %swap3A_1717 = arith.index_cast %scan3A_23 : i32 to index
        %swap3A_1718 = arith.constant 480 : index
        %swap3A_1719 = tpu.vector_load %arg12[%swap3A_1717, %swap3A_1718] {strides = array<i32>} : memref<64x768xf32, #tpu.memory_space<vmem>>, vector<16xf32>,
        tpu.vector_store %arg12[%swap3A_1717, %swap3A_1718], %add3A_1716 {strides = array<i32>} : memref<64x768xf32, #tpu.memory_space<vmem>>, vector<16xf32>,
        %get3A_1720 = arith.index_cast %scan3A_23 : i32 to index
        %get3A_1721 = arith.constant 496 : index
        %get3A_1722 = tpu.vector_load %arg12[%get3A_1720, %get3A_1721] {strides = array<i32>} : memref<64x768xf32, #tpu.memory_space<vmem>>, vector<16xf32>,
        %sub3A_1723 = arith.subf %get3A_1722, %broadcast_in_dim3A_1249 : vector<16xf32>
        %mul3A_1724 = arith.mulf %sub3A_1723, %mul3A_1285 : vector<16xf32>
        %get3A_1725 = arith.constant 496 : index
        %get3A_1726 = tpu.vector_load %arg15[%get3A_1725] {strides = array<i32>} : memref<768xf32, #tpu.memory_space<vmem>>, vector<16xf32>,
        %mul3A_1727 = arith.mulf %mul3A_1724, %get3A_1726 : vector<16xf32>
        %get3A_1728 = arith.constant 496 : index
        %get3A_1729 = tpu.vector_load %arg16[%get3A_1728] {strides = array<i32>} : memref<768xf32, #tpu.memory_space<vmem>>, vector<16xf32>,
        %add3A_1730 = arith.addf %mul3A_1727, %get3A_1729 : vector<16xf32>
        %swap3A_1731 = arith.index_cast %scan3A_23 : i32 to index
        %swap3A_1732 = arith.constant 496 : index
        %swap3A_1733 = tpu.vector_load %arg12[%swap3A_1731, %swap3A_1732] {strides = array<i32>} : memref<64x768xf32, #tpu.memory_space<vmem>>, vector<16xf32>,
        tpu.vector_store %arg12[%swap3A_1731, %swap3A_1732], %add3A_1730 {strides = array<i32>} : memref<64x768xf32, #tpu.memory_space<vmem>>, vector<16xf32>,
        %get3A_1734 = arith.index_cast %scan3A_23 : i32 to index
        %get3A_1735 = arith.constant 512 : index
        %get3A_1736 = tpu.vector_load %arg12[%get3A_1734, %get3A_1735] {strides = array<i32>} : memref<64x768xf32, #tpu.memory_space<vmem>>, vector<16xf32>,
        %sub3A_1737 = arith.subf %get3A_1736, %broadcast_in_dim3A_1249 : vector<16xf32>
        %mul3A_1738 = arith.mulf %sub3A_1737, %mul3A_1285 : vector<16xf32>
        %get3A_1739 = arith.constant 512 : index
        %get3A_1740 = tpu.vector_load %arg15[%get3A_1739] {strides = array<i32>} : memref<768xf32, #tpu.memory_space<vmem>>, vector<16xf32>,
        %mul3A_1741 = arith.mulf %mul3A_1738, %get3A_1740 : vector<16xf32>
        %get3A_1742 = arith.constant 512 : index
        %get3A_1743 = tpu.vector_load %arg16[%get3A_1742] {strides = array<i32>} : memref<768xf32, #tpu.memory_space<vmem>>, vector<16xf32>,
        %add3A_1744 = arith.addf %mul3A_1741, %get3A_1743 : vector<16xf32>
        %swap3A_1745 = arith.index_cast %scan3A_23 : i32 to index
        %swap3A_1746 = arith.constant 512 : index
        %swap3A_1747 = tpu.vector_load %arg12[%swap3A_1745, %swap3A_1746] {strides = array<i32>} : memref<64x768xf32, #tpu.memory_space<vmem>>, vector<16xf32>,
        tpu.vector_store %arg12[%swap3A_1745, %swap3A_1746], %add3A_1744 {strides = array<i32>} : memref<64x768xf32, #tpu.memory_space<vmem>>, vector<16xf32>,
        %get3A_1748 = arith.index_cast %scan3A_23 : i32 to index
        %get3A_1749 = arith.constant 528 : index
        %get3A_1750 = tpu.vector_load %arg12[%get3A_1748, %get3A_1749] {strides = array<i32>} : memref<64x768xf32, #tpu.memory_space<vmem>>, vector<16xf32>,
        %sub3A_1751 = arith.subf %get3A_1750, %broadcast_in_dim3A_1249 : vector<16xf32>
        %mul3A_1752 = arith.mulf %sub3A_1751, %mul3A_1285 : vector<16xf32>
        %get3A_1753 = arith.constant 528 : index
        %get3A_1754 = tpu.vector_load %arg15[%get3A_1753] {strides = array<i32>} : memref<768xf32, #tpu.memory_space<vmem>>, vector<16xf32>,
        %mul3A_1755 = arith.mulf %mul3A_1752, %get3A_1754 : vector<16xf32>
        %get3A_1756 = arith.constant 528 : index
        %get3A_1757 = tpu.vector_load %arg16[%get3A_1756] {strides = array<i32>} : memref<768xf32, #tpu.memory_space<vmem>>, vector<16xf32>,
        %add3A_1758 = arith.addf %mul3A_1755, %get3A_1757 : vector<16xf32>
        %swap3A_1759 = arith.index_cast %scan3A_23 : i32 to index
        %swap3A_1760 = arith.constant 528 : index
        %swap3A_1761 = tpu.vector_load %arg12[%swap3A_1759, %swap3A_1760] {strides = array<i32>} : memref<64x768xf32, #tpu.memory_space<vmem>>, vector<16xf32>,
        tpu.vector_store %arg12[%swap3A_1759, %swap3A_1760], %add3A_1758 {strides = array<i32>} : memref<64x768xf32, #tpu.memory_space<vmem>>, vector<16xf32>,
        %get3A_1762 = arith.index_cast %scan3A_23 : i32 to index
        %get3A_1763 = arith.constant 544 : index
        %get3A_1764 = tpu.vector_load %arg12[%get3A_1762, %get3A_1763] {strides = array<i32>} : memref<64x768xf32, #tpu.memory_space<vmem>>, vector<16xf32>,
        %sub3A_1765 = arith.subf %get3A_1764, %broadcast_in_dim3A_1249 : vector<16xf32>
        %mul3A_1766 = arith.mulf %sub3A_1765, %mul3A_1285 : vector<16xf32>
        %get3A_1767 = arith.constant 544 : index
        %get3A_1768 = tpu.vector_load %arg15[%get3A_1767] {strides = array<i32>} : memref<768xf32, #tpu.memory_space<vmem>>, vector<16xf32>,
        %mul3A_1769 = arith.mulf %mul3A_1766, %get3A_1768 : vector<16xf32>
        %get3A_1770 = arith.constant 544 : index
        %get3A_1771 = tpu.vector_load %arg16[%get3A_1770] {strides = array<i32>} : memref<768xf32, #tpu.memory_space<vmem>>, vector<16xf32>,
        %add3A_1772 = arith.addf %mul3A_1769, %get3A_1771 : vector<16xf32>
        %swap3A_1773 = arith.index_cast %scan3A_23 : i32 to index
        %swap3A_1774 = arith.constant 544 : index
        %swap3A_1775 = tpu.vector_load %arg12[%swap3A_1773, %swap3A_1774] {strides = array<i32>} : memref<64x768xf32, #tpu.memory_space<vmem>>, vector<16xf32>,
        tpu.vector_store %arg12[%swap3A_1773, %swap3A_1774], %add3A_1772 {strides = array<i32>} : memref<64x768xf32, #tpu.memory_space<vmem>>, vector<16xf32>,
        %get3A_1776 = arith.index_cast %scan3A_23 : i32 to index
        %get3A_1777 = arith.constant 560 : index
        %get3A_1778 = tpu.vector_load %arg12[%get3A_1776, %get3A_1777] {strides = array<i32>} : memref<64x768xf32, #tpu.memory_space<vmem>>, vector<16xf32>,
        %sub3A_1779 = arith.subf %get3A_1778, %broadcast_in_dim3A_1249 : vector<16xf32>
        %mul3A_1780 = arith.mulf %sub3A_1779, %mul3A_1285 : vector<16xf32>
        %get3A_1781 = arith.constant 560 : index
        %get3A_1782 = tpu.vector_load %arg15[%get3A_1781] {strides = array<i32>} : memref<768xf32, #tpu.memory_space<vmem>>, vector<16xf32>,
        %mul3A_1783 = arith.mulf %mul3A_1780, %get3A_1782 : vector<16xf32>
        %get3A_1784 = arith.constant 560 : index
        %get3A_1785 = tpu.vector_load %arg16[%get3A_1784] {strides = array<i32>} : memref<768xf32, #tpu.memory_space<vmem>>, vector<16xf32>,
        %add3A_1786 = arith.addf %mul3A_1783, %get3A_1785 : vector<16xf32>
        %swap3A_1787 = arith.index_cast %scan3A_23 : i32 to index
        %swap3A_1788 = arith.constant 560 : index
        %swap3A_1789 = tpu.vector_load %arg12[%swap3A_1787, %swap3A_1788] {strides = array<i32>} : memref<64x768xf32, #tpu.memory_space<vmem>>, vector<16xf32>,
        tpu.vector_store %arg12[%swap3A_1787, %swap3A_1788], %add3A_1786 {strides = array<i32>} : memref<64x768xf32, #tpu.memory_space<vmem>>, vector<16xf32>,
        %get3A_1790 = arith.index_cast %scan3A_23 : i32 to index
        %get3A_1791 = arith.constant 576 : index
        %get3A_1792 = tpu.vector_load %arg12[%get3A_1790, %get3A_1791] {strides = array<i32>} : memref<64x768xf32, #tpu.memory_space<vmem>>, vector<16xf32>,
        %sub3A_1793 = arith.subf %get3A_1792, %broadcast_in_dim3A_1249 : vector<16xf32>
        %mul3A_1794 = arith.mulf %sub3A_1793, %mul3A_1285 : vector<16xf32>
        %get3A_1795 = arith.constant 576 : index
        %get3A_1796 = tpu.vector_load %arg15[%get3A_1795] {strides = array<i32>} : memref<768xf32, #tpu.memory_space<vmem>>, vector<16xf32>,
        %mul3A_1797 = arith.mulf %mul3A_1794, %get3A_1796 : vector<16xf32>
        %get3A_1798 = arith.constant 576 : index
        %get3A_1799 = tpu.vector_load %arg16[%get3A_1798] {strides = array<i32>} : memref<768xf32, #tpu.memory_space<vmem>>, vector<16xf32>,
        %add3A_1800 = arith.addf %mul3A_1797, %get3A_1799 : vector<16xf32>
        %swap3A_1801 = arith.index_cast %scan3A_23 : i32 to index
        %swap3A_1802 = arith.constant 576 : index
        %swap3A_1803 = tpu.vector_load %arg12[%swap3A_1801, %swap3A_1802] {strides = array<i32>} : memref<64x768xf32, #tpu.memory_space<vmem>>, vector<16xf32>,
        tpu.vector_store %arg12[%swap3A_1801, %swap3A_1802], %add3A_1800 {strides = array<i32>} : memref<64x768xf32, #tpu.memory_space<vmem>>, vector<16xf32>,
        %get3A_1804 = arith.index_cast %scan3A_23 : i32 to index
        %get3A_1805 = arith.constant 592 : index
        %get3A_1806 = tpu.vector_load %arg12[%get3A_1804, %get3A_1805] {strides = array<i32>} : memref<64x768xf32, #tpu.memory_space<vmem>>, vector<16xf32>,
        %sub3A_1807 = arith.subf %get3A_1806, %broadcast_in_dim3A_1249 : vector<16xf32>
        %mul3A_1808 = arith.mulf %sub3A_1807, %mul3A_1285 : vector<16xf32>
        %get3A_1809 = arith.constant 592 : index
        %get3A_1810 = tpu.vector_load %arg15[%get3A_1809] {strides = array<i32>} : memref<768xf32, #tpu.memory_space<vmem>>, vector<16xf32>,
        %mul3A_1811 = arith.mulf %mul3A_1808, %get3A_1810 : vector<16xf32>
        %get3A_1812 = arith.constant 592 : index
        %get3A_1813 = tpu.vector_load %arg16[%get3A_1812] {strides = array<i32>} : memref<768xf32, #tpu.memory_space<vmem>>, vector<16xf32>,
        %add3A_1814 = arith.addf %mul3A_1811, %get3A_1813 : vector<16xf32>
        %swap3A_1815 = arith.index_cast %scan3A_23 : i32 to index
        %swap3A_1816 = arith.constant 592 : index
        %swap3A_1817 = tpu.vector_load %arg12[%swap3A_1815, %swap3A_1816] {strides = array<i32>} : memref<64x768xf32, #tpu.memory_space<vmem>>, vector<16xf32>,
        tpu.vector_store %arg12[%swap3A_1815, %swap3A_1816], %add3A_1814 {strides = array<i32>} : memref<64x768xf32, #tpu.memory_space<vmem>>, vector<16xf32>,
        %get3A_1818 = arith.index_cast %scan3A_23 : i32 to index
        %get3A_1819 = arith.constant 608 : index
        %get3A_1820 = tpu.vector_load %arg12[%get3A_1818, %get3A_1819] {strides = array<i32>} : memref<64x768xf32, #tpu.memory_space<vmem>>, vector<16xf32>,
        %sub3A_1821 = arith.subf %get3A_1820, %broadcast_in_dim3A_1249 : vector<16xf32>
        %mul3A_1822 = arith.mulf %sub3A_1821, %mul3A_1285 : vector<16xf32>
        %get3A_1823 = arith.constant 608 : index
        %get3A_1824 = tpu.vector_load %arg15[%get3A_1823] {strides = array<i32>} : memref<768xf32, #tpu.memory_space<vmem>>, vector<16xf32>,
        %mul3A_1825 = arith.mulf %mul3A_1822, %get3A_1824 : vector<16xf32>
        %get3A_1826 = arith.constant 608 : index
        %get3A_1827 = tpu.vector_load %arg16[%get3A_1826] {strides = array<i32>} : memref<768xf32, #tpu.memory_space<vmem>>, vector<16xf32>,
        %add3A_1828 = arith.addf %mul3A_1825, %get3A_1827 : vector<16xf32>
        %swap3A_1829 = arith.index_cast %scan3A_23 : i32 to index
        %swap3A_1830 = arith.constant 608 : index
        %swap3A_1831 = tpu.vector_load %arg12[%swap3A_1829, %swap3A_1830] {strides = array<i32>} : memref<64x768xf32, #tpu.memory_space<vmem>>, vector<16xf32>,
        tpu.vector_store %arg12[%swap3A_1829, %swap3A_1830], %add3A_1828 {strides = array<i32>} : memref<64x768xf32, #tpu.memory_space<vmem>>, vector<16xf32>,
        %get3A_1832 = arith.index_cast %scan3A_23 : i32 to index
        %get3A_1833 = arith.constant 624 : index
        %get3A_1834 = tpu.vector_load %arg12[%get3A_1832, %get3A_1833] {strides = array<i32>} : memref<64x768xf32, #tpu.memory_space<vmem>>, vector<16xf32>,
        %sub3A_1835 = arith.subf %get3A_1834, %broadcast_in_dim3A_1249 : vector<16xf32>
        %mul3A_1836 = arith.mulf %sub3A_1835, %mul3A_1285 : vector<16xf32>
        %get3A_1837 = arith.constant 624 : index
        %get3A_1838 = tpu.vector_load %arg15[%get3A_1837] {strides = array<i32>} : memref<768xf32, #tpu.memory_space<vmem>>, vector<16xf32>,
        %mul3A_1839 = arith.mulf %mul3A_1836, %get3A_1838 : vector<16xf32>
        %get3A_1840 = arith.constant 624 : index
        %get3A_1841 = tpu.vector_load %arg16[%get3A_1840] {strides = array<i32>} : memref<768xf32, #tpu.memory_space<vmem>>, vector<16xf32>,
        %add3A_1842 = arith.addf %mul3A_1839, %get3A_1841 : vector<16xf32>
        %swap3A_1843 = arith.index_cast %scan3A_23 : i32 to index
        %swap3A_1844 = arith.constant 624 : index
        %swap3A_1845 = tpu.vector_load %arg12[%swap3A_1843, %swap3A_1844] {strides = array<i32>} : memref<64x768xf32, #tpu.memory_space<vmem>>, vector<16xf32>,
        tpu.vector_store %arg12[%swap3A_1843, %swap3A_1844], %add3A_1842 {strides = array<i32>} : memref<64x768xf32, #tpu.memory_space<vmem>>, vector<16xf32>,
        %get3A_1846 = arith.index_cast %scan3A_23 : i32 to index
        %get3A_1847 = arith.constant 640 : index
        %get3A_1848 = tpu.vector_load %arg12[%get3A_1846, %get3A_1847] {strides = array<i32>} : memref<64x768xf32, #tpu.memory_space<vmem>>, vector<16xf32>,
        %sub3A_1849 = arith.subf %get3A_1848, %broadcast_in_dim3A_1249 : vector<16xf32>
        %mul3A_1850 = arith.mulf %sub3A_1849, %mul3A_1285 : vector<16xf32>
        %get3A_1851 = arith.constant 640 : index
        %get3A_1852 = tpu.vector_load %arg15[%get3A_1851] {strides = array<i32>} : memref<768xf32, #tpu.memory_space<vmem>>, vector<16xf32>,
        %mul3A_1853 = arith.mulf %mul3A_1850, %get3A_1852 : vector<16xf32>
        %get3A_1854 = arith.constant 640 : index
        %get3A_1855 = tpu.vector_load %arg16[%get3A_1854] {strides = array<i32>} : memref<768xf32, #tpu.memory_space<vmem>>, vector<16xf32>,
        %add3A_1856 = arith.addf %mul3A_1853, %get3A_1855 : vector<16xf32>
        %swap3A_1857 = arith.index_cast %scan3A_23 : i32 to index
        %swap3A_1858 = arith.constant 640 : index
        %swap3A_1859 = tpu.vector_load %arg12[%swap3A_1857, %swap3A_1858] {strides = array<i32>} : memref<64x768xf32, #tpu.memory_space<vmem>>, vector<16xf32>,
        tpu.vector_store %arg12[%swap3A_1857, %swap3A_1858], %add3A_1856 {strides = array<i32>} : memref<64x768xf32, #tpu.memory_space<vmem>>, vector<16xf32>,
        %get3A_1860 = arith.index_cast %scan3A_23 : i32 to index
        %get3A_1861 = arith.constant 656 : index
        %get3A_1862 = tpu.vector_load %arg12[%get3A_1860, %get3A_1861] {strides = array<i32>} : memref<64x768xf32, #tpu.memory_space<vmem>>, vector<16xf32>,
        %sub3A_1863 = arith.subf %get3A_1862, %broadcast_in_dim3A_1249 : vector<16xf32>
        %mul3A_1864 = arith.mulf %sub3A_1863, %mul3A_1285 : vector<16xf32>
        %get3A_1865 = arith.constant 656 : index
        %get3A_1866 = tpu.vector_load %arg15[%get3A_1865] {strides = array<i32>} : memref<768xf32, #tpu.memory_space<vmem>>, vector<16xf32>,
        %mul3A_1867 = arith.mulf %mul3A_1864, %get3A_1866 : vector<16xf32>
        %get3A_1868 = arith.constant 656 : index
        %get3A_1869 = tpu.vector_load %arg16[%get3A_1868] {strides = array<i32>} : memref<768xf32, #tpu.memory_space<vmem>>, vector<16xf32>,
        %add3A_1870 = arith.addf %mul3A_1867, %get3A_1869 : vector<16xf32>
        %swap3A_1871 = arith.index_cast %scan3A_23 : i32 to index
        %swap3A_1872 = arith.constant 656 : index
        %swap3A_1873 = tpu.vector_load %arg12[%swap3A_1871, %swap3A_1872] {strides = array<i32>} : memref<64x768xf32, #tpu.memory_space<vmem>>, vector<16xf32>,
        tpu.vector_store %arg12[%swap3A_1871, %swap3A_1872], %add3A_1870 {strides = array<i32>} : memref<64x768xf32, #tpu.memory_space<vmem>>, vector<16xf32>,
        %get3A_1874 = arith.index_cast %scan3A_23 : i32 to index
        %get3A_1875 = arith.constant 672 : index
        %get3A_1876 = tpu.vector_load %arg12[%get3A_1874, %get3A_1875] {strides = array<i32>} : memref<64x768xf32, #tpu.memory_space<vmem>>, vector<16xf32>,
        %sub3A_1877 = arith.subf %get3A_1876, %broadcast_in_dim3A_1249 : vector<16xf32>
        %mul3A_1878 = arith.mulf %sub3A_1877, %mul3A_1285 : vector<16xf32>
        %get3A_1879 = arith.constant 672 : index
        %get3A_1880 = tpu.vector_load %arg15[%get3A_1879] {strides = array<i32>} : memref<768xf32, #tpu.memory_space<vmem>>, vector<16xf32>,
        %mul3A_1881 = arith.mulf %mul3A_1878, %get3A_1880 : vector<16xf32>
        %get3A_1882 = arith.constant 672 : index
        %get3A_1883 = tpu.vector_load %arg16[%get3A_1882] {strides = array<i32>} : memref<768xf32, #tpu.memory_space<vmem>>, vector<16xf32>,
        %add3A_1884 = arith.addf %mul3A_1881, %get3A_1883 : vector<16xf32>
        %swap3A_1885 = arith.index_cast %scan3A_23 : i32 to index
        %swap3A_1886 = arith.constant 672 : index
        %swap3A_1887 = tpu.vector_load %arg12[%swap3A_1885, %swap3A_1886] {strides = array<i32>} : memref<64x768xf32, #tpu.memory_space<vmem>>, vector<16xf32>,
        tpu.vector_store %arg12[%swap3A_1885, %swap3A_1886], %add3A_1884 {strides = array<i32>} : memref<64x768xf32, #tpu.memory_space<vmem>>, vector<16xf32>,
        %get3A_1888 = arith.index_cast %scan3A_23 : i32 to index
        %get3A_1889 = arith.constant 688 : index
        %get3A_1890 = tpu.vector_load %arg12[%get3A_1888, %get3A_1889] {strides = array<i32>} : memref<64x768xf32, #tpu.memory_space<vmem>>, vector<16xf32>,
        %sub3A_1891 = arith.subf %get3A_1890, %broadcast_in_dim3A_1249 : vector<16xf32>
        %mul3A_1892 = arith.mulf %sub3A_1891, %mul3A_1285 : vector<16xf32>
        %get3A_1893 = arith.constant 688 : index
        %get3A_1894 = tpu.vector_load %arg15[%get3A_1893] {strides = array<i32>} : memref<768xf32, #tpu.memory_space<vmem>>, vector<16xf32>,
        %mul3A_1895 = arith.mulf %mul3A_1892, %get3A_1894 : vector<16xf32>
        %get3A_1896 = arith.constant 688 : index
        %get3A_1897 = tpu.vector_load %arg16[%get3A_1896] {strides = array<i32>} : memref<768xf32, #tpu.memory_space<vmem>>, vector<16xf32>,
        %add3A_1898 = arith.addf %mul3A_1895, %get3A_1897 : vector<16xf32>
        %swap3A_1899 = arith.index_cast %scan3A_23 : i32 to index
        %swap3A_1900 = arith.constant 688 : index
        %swap3A_1901 = tpu.vector_load %arg12[%swap3A_1899, %swap3A_1900] {strides = array<i32>} : memref<64x768xf32, #tpu.memory_space<vmem>>, vector<16xf32>,
        tpu.vector_store %arg12[%swap3A_1899, %swap3A_1900], %add3A_1898 {strides = array<i32>} : memref<64x768xf32, #tpu.memory_space<vmem>>, vector<16xf32>,
        %get3A_1902 = arith.index_cast %scan3A_23 : i32 to index
        %get3A_1903 = arith.constant 704 : index
        %get3A_1904 = tpu.vector_load %arg12[%get3A_1902, %get3A_1903] {strides = array<i32>} : memref<64x768xf32, #tpu.memory_space<vmem>>, vector<16xf32>,
        %sub3A_1905 = arith.subf %get3A_1904, %broadcast_in_dim3A_1249 : vector<16xf32>
        %mul3A_1906 = arith.mulf %sub3A_1905, %mul3A_1285 : vector<16xf32>
        %get3A_1907 = arith.constant 704 : index
        %get3A_1908 = tpu.vector_load %arg15[%get3A_1907] {strides = array<i32>} : memref<768xf32, #tpu.memory_space<vmem>>, vector<16xf32>,
        %mul3A_1909 = arith.mulf %mul3A_1906, %get3A_1908 : vector<16xf32>
        %get3A_1910 = arith.constant 704 : index
        %get3A_1911 = tpu.vector_load %arg16[%get3A_1910] {strides = array<i32>} : memref<768xf32, #tpu.memory_space<vmem>>, vector<16xf32>,
        %add3A_1912 = arith.addf %mul3A_1909, %get3A_1911 : vector<16xf32>
        %swap3A_1913 = arith.index_cast %scan3A_23 : i32 to index
        %swap3A_1914 = arith.constant 704 : index
        %swap3A_1915 = tpu.vector_load %arg12[%swap3A_1913, %swap3A_1914] {strides = array<i32>} : memref<64x768xf32, #tpu.memory_space<vmem>>, vector<16xf32>,
        tpu.vector_store %arg12[%swap3A_1913, %swap3A_1914], %add3A_1912 {strides = array<i32>} : memref<64x768xf32, #tpu.memory_space<vmem>>, vector<16xf32>,
        %get3A_1916 = arith.index_cast %scan3A_23 : i32 to index
        %get3A_1917 = arith.constant 720 : index
        %get3A_1918 = tpu.vector_load %arg12[%get3A_1916, %get3A_1917] {strides = array<i32>} : memref<64x768xf32, #tpu.memory_space<vmem>>, vector<16xf32>,
        %sub3A_1919 = arith.subf %get3A_1918, %broadcast_in_dim3A_1249 : vector<16xf32>
        %mul3A_1920 = arith.mulf %sub3A_1919, %mul3A_1285 : vector<16xf32>
        %get3A_1921 = arith.constant 720 : index
        %get3A_1922 = tpu.vector_load %arg15[%get3A_1921] {strides = array<i32>} : memref<768xf32, #tpu.memory_space<vmem>>, vector<16xf32>,
        %mul3A_1923 = arith.mulf %mul3A_1920, %get3A_1922 : vector<16xf32>
        %get3A_1924 = arith.constant 720 : index
        %get3A_1925 = tpu.vector_load %arg16[%get3A_1924] {strides = array<i32>} : memref<768xf32, #tpu.memory_space<vmem>>, vector<16xf32>,
        %add3A_1926 = arith.addf %mul3A_1923, %get3A_1925 : vector<16xf32>
        %swap3A_1927 = arith.index_cast %scan3A_23 : i32 to index
        %swap3A_1928 = arith.constant 720 : index
        %swap3A_1929 = tpu.vector_load %arg12[%swap3A_1927, %swap3A_1928] {strides = array<i32>} : memref<64x768xf32, #tpu.memory_space<vmem>>, vector<16xf32>,
        tpu.vector_store %arg12[%swap3A_1927, %swap3A_1928], %add3A_1926 {strides = array<i32>} : memref<64x768xf32, #tpu.memory_space<vmem>>, vector<16xf32>,
        %get3A_1930 = arith.index_cast %scan3A_23 : i32 to index
        %get3A_1931 = arith.constant 736 : index
        %get3A_1932 = tpu.vector_load %arg12[%get3A_1930, %get3A_1931] {strides = array<i32>} : memref<64x768xf32, #tpu.memory_space<vmem>>, vector<16xf32>,
        %sub3A_1933 = arith.subf %get3A_1932, %broadcast_in_dim3A_1249 : vector<16xf32>
        %mul3A_1934 = arith.mulf %sub3A_1933, %mul3A_1285 : vector<16xf32>
        %get3A_1935 = arith.constant 736 : index
        %get3A_1936 = tpu.vector_load %arg15[%get3A_1935] {strides = array<i32>} : memref<768xf32, #tpu.memory_space<vmem>>, vector<16xf32>,
        %mul3A_1937 = arith.mulf %mul3A_1934, %get3A_1936 : vector<16xf32>
        %get3A_1938 = arith.constant 736 : index
        %get3A_1939 = tpu.vector_load %arg16[%get3A_1938] {strides = array<i32>} : memref<768xf32, #tpu.memory_space<vmem>>, vector<16xf32>,
        %add3A_1940 = arith.addf %mul3A_1937, %get3A_1939 : vector<16xf32>
        %swap3A_1941 = arith.index_cast %scan3A_23 : i32 to index
        %swap3A_1942 = arith.constant 736 : index
        %swap3A_1943 = tpu.vector_load %arg12[%swap3A_1941, %swap3A_1942] {strides = array<i32>} : memref<64x768xf32, #tpu.memory_space<vmem>>, vector<16xf32>,
        tpu.vector_store %arg12[%swap3A_1941, %swap3A_1942], %add3A_1940 {strides = array<i32>} : memref<64x768xf32, #tpu.memory_space<vmem>>, vector<16xf32>,
        %get3A_1944 = arith.index_cast %scan3A_23 : i32 to index
        %get3A_1945 = arith.constant 752 : index
        %get3A_1946 = tpu.vector_load %arg12[%get3A_1944, %get3A_1945] {strides = array<i32>} : memref<64x768xf32, #tpu.memory_space<vmem>>, vector<16xf32>,
        %sub3A_1947 = arith.subf %get3A_1946, %broadcast_in_dim3A_1249 : vector<16xf32>
        %mul3A_1948 = arith.mulf %sub3A_1947, %mul3A_1285 : vector<16xf32>
        %get3A_1949 = arith.constant 752 : index
        %get3A_1950 = tpu.vector_load %arg15[%get3A_1949] {strides = array<i32>} : memref<768xf32, #tpu.memory_space<vmem>>, vector<16xf32>,
        %mul3A_1951 = arith.mulf %mul3A_1948, %get3A_1950 : vector<16xf32>
        %get3A_1952 = arith.constant 752 : index
        %get3A_1953 = tpu.vector_load %arg16[%get3A_1952] {strides = array<i32>} : memref<768xf32, #tpu.memory_space<vmem>>, vector<16xf32>,
        %add3A_1954 = arith.addf %mul3A_1951, %get3A_1953 : vector<16xf32>
        %swap3A_1955 = arith.index_cast %scan3A_23 : i32 to index
        %swap3A_1956 = arith.constant 752 : index
        %swap3A_1957 = tpu.vector_load %arg12[%swap3A_1955, %swap3A_1956] {strides = array<i32>} : memref<64x768xf32, #tpu.memory_space<vmem>>, vector<16xf32>,
        tpu.vector_store %arg12[%swap3A_1955, %swap3A_1956], %add3A_1954 {strides = array<i32>} : memref<64x768xf32, #tpu.memory_space<vmem>>, vector<16xf32>,
      }
      %scan3A_22 = arith.constant 64 : i32
      "tpu.region"() ({
        %run_scoped3A = tpu.sem_alloc : memref<!tpu.dma_semaphore, #tpu.memory_space<semaphore_mem>>
        %dma_start3A_23 = arith.constant 0 : i32
        %dma_start3A_24 = tpu.memref_slice %arg9[%add3A_11, %dma_start3A_23] : memref<8192x768xf32, #tpu.memory_space<hbm>> -> memref<64x768xf32, #tpu.memory_space<hbm>>
        %dma_start3A_25 = arith.constant 0 : i32
        %dma_start3A_26 = tpu.memref_slice %arg9[%add3A_11, %dma_start3A_25] : memref<8192x768xf32, #tpu.memory_space<hbm>> -> memref<64x768xf32, #tpu.memory_space<hbm>>
        tpu.enqueue_dma source(%arg12 : memref<64x768xf32, #tpu.memory_space<vmem>>) target(%dma_start3A_26 : memref<64x768xf32, #tpu.memory_space<hbm>>) target_semaphore(%run_scoped3A : memref<!tpu.dma_semaphore, #tpu.memory_space<semaphore_mem>>)
        %dma_wait3A_27 = arith.constant 0 : i32
        %dma_wait3A_28 = tpu.memref_slice %arg9[%add3A_11, %dma_wait3A_27] : memref<8192x768xf32, #tpu.memory_space<hbm>> -> memref<64x768xf32, #tpu.memory_space<hbm>>
        %dma_wait3A_29 = arith.constant 0 : i32
        %dma_wait3A_30 = tpu.memref_slice %arg9[%add3A_11, %dma_wait3A_29] : memref<8192x768xf32, #tpu.memory_space<hbm>> -> memref<64x768xf32, #tpu.memory_space<hbm>>
        tpu.wait_dma2 semaphore(%run_scoped3A : memref<!tpu.dma_semaphore, #tpu.memory_space<semaphore_mem>>) src(%arg12 : memref<64x768xf32, #tpu.memory_space<vmem>>) dst(%dma_wait3A_30 : memref<64x768xf32, #tpu.memory_space<hbm>>)
        tpu.yield
      }) : () -> ()
    }
    %scan3A_7 = arith.constant 4 : i32
    return
  }
}

</mosaic_0001>

<sc_bundles>
// kernel: kernel.3.cloned.1.call-start
scs
__scs_entry_jumppad:
0x0: {  	(pc) =	sbr.rel $0x88, $3  }
0x1: {  	(tag) =	ssettag $0x0;
	lr =	simm.s32 $0x1  }
0x2: {  	[smem:$0x3F9A] =	sst lr;
	_ =	strace $0xD0000000  }
0x3: {  	_ = 	snop  }
0x4: {  	_ = 	snop  }
0x5: {  	_ = 	snop  }
0x6: {  	_ = 	snop  }
0x7: {  	_ = 	snop  }
__scs_overlays_trampoline_lowered:
0x8: {  	[smem:$0x3FA9] =	sst s0  }
0x9: {  	[smem:$0x3FAA] =	sst s1  }
0xa: {  	[smem:$0x3FAB] =	sst s2  }
0xb: {  	[smem:$0x3FAC] =	sst s3  }
0xc: {  	[smem:$0x3FAD] =	sst s4  }
0xd: {  	[smem:$0x3FAE] =	sst s5  }
0xe: {  	[smem:$0x3FAF] =	sst s6  }
0xf: {  	[smem:$0x3FB0] =	sst s7  }
0x10: {  	[smem:$0x3FB1] =	sst s8  }
0x11: {  	[smem:$0x3FB2] =	sst s9;
	s0 =	simm.s32 @!p0 $0x0  }
0x12: {  	s1 =	sld [smem:$0x3F98];
	s0 =	simm.s32 @p0 $0x1  }
0x13: {  	[smem:$0x3FB3] =	sst s0;
	s0 =	simm.s32 @!p1 $0x0  }
0x14: {  	s2 =	sld [smem:$0x3F97];
	s0 =	simm.s32 @p1 $0x1  }
0x15: {  	[smem:$0x3FB4] =	sst s0;
	s0 =	simm.s32 @!p2 $0x0  }
0x16: {  	s3 =	sld [smem:$0x3FDB];
	s0 =	simm.s32 @p2 $0x1  }
0x17: {  	s4 =	simm.s32 $0x1BF5;
	[smem:$0x3FB6] =	sst s0  }
0x18: {  	s0 =	sld [smem:$0x3F99];
	_ =	swait.ge [sflag:s4], $0x0  }
0x19: {  	s7 =	sld [smem:$0x3F9A]  }
0x1a: {  	s8 =	sadd.s32 $0xFFFFE003, lr  }
0x1b: {  	s9 =	sadd.s32 $0xFFFFFEF7, lr;
	s5 =	simm.s32 $0xFFFFFFFF;
	p2 =	slt.u32 s8, $0xFFFFF086  }
0x1c: {  	p1 =	slt.u32 s9, $0xF7A;
	s5 =	simm.s32 @!p2 $0x0  }
0x1d: {  	s5 =	simm.s32 @p1 $0x1;
	p0 =	seq.s32 s7, s2  }
0x1e: {  	s7 =	smul.u32 @!p0 $0xF7A, s2;
	p2 =	seq.s32 @!p0 s5, $0x0  }
0x1f: {  	s9 =	smul.u32 $0xF7A, s1;
	s8 =	simm.s32 @!p0 $0x1BF5;
	p2 =	por !p2, p0  }
0x20: {  	[sflag:s8] =	ssyncset.s32 @!p0 $0xFFFFF086;
	s6 =	sadd.s32 @!p0 s3, s7;
	s7 =	simm.s32 @!p0 $0x108  }
0x21: {  	s3 =	sadd.s32 s3, s9;
	s6 =	sadd.s32 @!p0 $0x88, s6;
	s7 =	simm.s32 @p2 $0x1082  }
0x22: {  	[simem:s7], [sflag:s8] =	dma.local @!p0 [hbm:s6], $0xF7A  }
0x23: {  	s9 =	sor.u32 $0xD0000000, s2;
	s6 =	simm.s32 $0x108;
	_ =	swait.ge @!p0 [sflag:s8], $0x0  }
0x24: {  	s3 =	sadd.s32 $0x88, s3;
	s6 =	simm.s32 @!p1 $0x1082;
	[sflag:s4] =	ssyncset.s32 $0xFFFFF086  }
0x25: {  	[simem:s6], [sflag:s4] =	dma.local [hbm:s3], $0xF7A  }
0x26: {  	[smem:$0x3F9A] =	sst s1;
	(tag) =	ssettag s2;
	_ =	strace s9  }
0x27: {  	s1 =	sld [smem:$0x3FAA]  }
0x28: {  	s2 =	sld [smem:$0x3FAB]  }
0x29: {  	s4 =	sld [smem:$0x3FAD]  }
0x2a: {  	p0 =	seq.s32 s5, $0x0;
	s5 =	sld [smem:$0x3FAE]  }
0x2b: {  	s6 =	sld [smem:$0x3FAF]  }
0x2c: {  	s7 =	sld [smem:$0x3FB0]  }
0x2d: {  	s3 =	simm.s32 $0x108;
	s8 =	sld [smem:$0x3FB1]  }
0x2e: {  	s3 =	simm.s32 @!p0 $0x1082;
	s9 =	sld [smem:$0x3FB2]  }
0x2f: {  	lr =	sadd.s32 s0, s3;
	s0 =	sld [smem:$0x3FA9]  }
0x30: {  	s3 =	sld [smem:$0x3FAC]  }
0x31: {  	[smem:$0x3FB5] =	sst s10  }
0x32: {  	s10 =	sld [smem:$0x3FB3];
	_ =	sdelay $0x3  }
0x33: {  	p0 =	seq.s32 s10, $0x1;
	s10 =	sld [smem:$0x3FB5];
	_ =	sdelay $0x3  }
0x34: {  	[smem:$0x3FB5] =	sst s10  }
0x35: {  	s10 =	sld [smem:$0x3FB4];
	_ =	sdelay $0x3  }
0x36: {  	p1 =	seq.s32 s10, $0x1;
	s10 =	sld [smem:$0x3FB5];
	_ =	sdelay $0x3  }
0x37: {  	[smem:$0x3FB5] =	sst s10  }
0x38: {  	s10 =	sld [smem:$0x3FB6]  }
0x39: {  	_ = 	snop;
	(pc) =	sbr.ind lr, $3  }
0x3a: {  	_ = 	snop  }
0x3b: {  	_ = 	snop  }
0x3c: {  	p2 =	seq.s32 s10, $0x1;
	s10 =	sld [smem:$0x3FB5]  }
0x3d: {  	_ =	shalt  }
0x3e: {  	_ =	shalt  }
0x3f: {  	_ =	shalt  }
0x40: {  	_ =	shalt  }
0x41: {  	_ =	shalt  }
0x42: {  	_ =	shalt  }
0x43: {  	_ =	shalt  }
0x44: {  	_ =	shalt  }
0x45: {  	_ =	shalt  }
0x46: {  	_ =	shalt  }
0x47: {  	_ =	shalt  }
0x48: {  	_ =	shalt  }
0x49: {  	_ =	shalt  }
0x4a: {  	_ =	shalt  }
0x4b: {  	_ =	shalt  }
0x4c: {  	_ =	shalt  }
0x4d: {  	_ =	shalt  }
0x4e: {  	_ =	shalt  }
0x4f: {  	_ =	shalt  }
0x50: {  	_ =	shalt  }
0x51: {  	_ =	shalt  }
0x52: {  	_ =	shalt  }
0x53: {  	_ =	shalt  }
0x54: {  	_ =	shalt  }
0x55: {  	_ =	shalt  }
0x56: {  	_ =	shalt  }
0x57: {  	_ =	shalt  }
0x58: {  	_ =	shalt  }
0x59: {  	_ =	shalt  }
0x5a: {  	_ =	shalt  }
0x5b: {  	_ =	shalt  }
0x5c: {  	_ =	shalt  }
0x5d: {  	_ =	shalt  }
0x5e: {  	_ =	shalt  }
0x5f: {  	_ =	shalt  }
0x60: {  	_ =	shalt  }
0x61: {  	_ =	shalt  }
0x62: {  	_ =	shalt  }
0x63: {  	_ =	shalt  }
0x64: {  	_ =	shalt  }
0x65: {  	_ =	shalt  }
0x66: {  	_ =	shalt  }
0x67: {  	_ =	shalt  }
0x68: {  	_ =	shalt  }
0x69: {  	_ =	shalt  }
0x6a: {  	_ =	shalt  }
0x6b: {  	_ =	shalt  }
0x6c: {  	_ =	shalt  }
0x6d: {  	_ =	shalt  }
0x6e: {  	_ =	shalt  }
0x6f: {  	_ =	shalt  }
0x70: {  	_ =	shalt  }
0x71: {  	_ =	shalt  }
0x72: {  	_ =	shalt  }
0x73: {  	_ =	shalt  }
0x74: {  	_ =	shalt  }
0x75: {  	_ =	shalt  }
0x76: {  	_ =	shalt  }
0x77: {  	_ =	shalt  }
0x78: {  	_ =	shalt  }
0x79: {  	_ =	shalt  }
0x7a: {  	_ =	shalt  }
0x7b: {  	_ =	shalt  }
0x7c: {  	_ =	shalt  }
0x7d: {  	_ =	shalt  }
0x7e: {  	_ =	shalt  }
0x7f: {  	_ =	shalt  }
0x80: {  	_ =	shalt  }
0x81: {  	_ =	shalt  }
0x82: {  	_ =	shalt  }
0x83: {  	_ =	shalt  }
0x84: {  	_ =	shalt  }
0x85: {  	_ =	shalt  }
0x86: {  	_ =	shalt  }
0x87: {  	_ =	shalt  }
.Lfunc_end0:
.L_simem_size_0:
called_computation_lowered:
.L_overlay_start_0:
0x88: {  	s2 =	sld [smem:$0x3FD9]  }
0x89: {  	s3 =	sld [smem:$0x3FFE];
	_ =	sdelay $0x1  }
0x8a: {  	s1 =	srdreg.scid  }
0x8b: {  	s0 =	sand.u32 $0x1, s1  }
0x8c: {  	s17 =	sshll.u32 s0, $0xA;
	s2 =	sadd.s32 s3, s2  }
0x8d: {  	s2 =	sadd.s32 s2, s17  }
0x8e: {  	[smem:$0x3FC1] =	sst s2  }
0x8f: {  	_ = 	snop  }
0x90: {  	s2 =	sld [smem:$0x3FC7]  }
0x91: {  	s18 =	sld [smem:$0x3FC6]  }
0x92: {  	s4 =	sld [smem:$0x3FC5]  }
0x93: {  	s5 =	sld [smem:$0x3FC4]  }
0x94: {  	s6 =	sld [smem:$0x3FC3]  }
0x95: {  	s7 =	sld [smem:$0x3FD0];
	(tm) =	ssettm $0x1  }
0x96: {  	s8 =	sld [smem:$0x3FFB];
	_ =	sdelay $0x3  }
0x97: {  	_ =	strace s8  }
0x98: {  	s8 =	sld [smem:$0x3FFC];
	_ =	sdelay $0x3  }
0x99: {  	_ =	strace s8  }
0x9a: {  	s8 =	sld [smem:$0x3FFD];
	_ =	sdelay $0x3  }
0x9b: {  	_ =	strace s8  }
0x9c: {  	_ =	strace $0x8FFFFFFF  }
0x9d: {  	s19 =	sld [smem:$0x3FDB];
	_ =	sdelay $0x1  }
0x9e: {  	s9 =	simm.s32 $_scs_section_size  }
0x9f: {  	s10 =	simm.s32 $_size__tile_overlayer_lowered;
	s11 =	simm.s32 $_tile_overlayer_lowered  }
0xa0: {  	s22 =	simm.s32 $0x1BFF;
	s21 =	sshll.u32 s11, $0x1;
	s8 =	sadd.s32 s9, s19  }
0xa1: {  	s12 =	simm.s32 $0x0;
	s20 =	sshll.u32 s10, $0x1;
	s10 =	sadd.s32 s21, s8  }
0xa2: {  	[timem:s12], [sflag:s22] =	dma.local [hbm:s10], s20  }
0xa3: {  	_ =	swait.ge [sflag:s22], s20  }
0xa4: {  	s9 =	ssub.s32 $0x0, s20;
	[sflag:s22] =	ssyncset.done $0x0  }
0xa5: {  	[sflag:s22] =	ssyncadd.s32 s9;
	_ =	sdelay $0x1  }
0xa6: {  	s23 =	simm.s32 $0x1B8B  }
0xa7: {  	_ =	swait.ge [sflag:s23], $0x1  }
0xa8: {  	[sflag:s23] =	ssyncset.done $0x0  }
0xa9: {  	s25 =	simm.s32 $0x1B8E;
	s24 =	sld [smem:$0x3FFE];
	[sflag:s23] =	ssyncadd.s32 $0xFFFFFFFF  }
0xaa: {  	s26 =	simm.s32 $execute0_lowered;
	[smem:$0x3FD2] =	sst s25  }
0xab: {  	s10 =	sshll.u32 s26, $0x1;
	_ =	strace $0x80000046;
	[dreg:$0x1] =	wrdreg $0xFFFFFFFF  }
0xac: {  	s28 =	simm.s32 $_size_execute0_lowered;
	s8 =	sadd.s32 s8, s10;
	[dreg:$0x0] =	wrdreg $0x0  }
0xad: {  	s10 =	sshll.u32 s28, $0x1;
	[dreg:$0x2] =	wrdreg s8  }
0xae: {  	[dreg:$0x3] =	wrdreg s10  }
0xaf: {  	[dreg:$0x4] =	wrdreg $0xC0  }
0xb0: {  	_ =	task [dreg:s12], $0x5FFFF  }
0xb1: {  	[dreg:$0x1] =	wrdreg $0xFFFFFFFF  }
0xb2: {  	[dreg:$0x0] =	wrdreg $0x60  }
0xb3: {  	[dreg:$0x2] =	wrdreg s24  }
0xb4: {  	[dreg:$0x3] =	wrdreg s2  }
0xb5: {  	[dreg:$0x4] =	wrdreg s18  }
0xb6: {  	[dreg:$0x5] =	wrdreg s4  }
0xb7: {  	[dreg:$0x6] =	wrdreg s5  }
0xb8: {  	[dreg:$0x7] =	wrdreg s6  }
0xb9: {  	[dreg:$0x8] =	wrdreg s7  }
0xba: {  	[dreg:$0x9] =	wrdreg $0x9  }
0xbb: {  	_ =	task.clear_ibuf [dreg:s12], $0xAFFFF;
	_ =	strace $0x90000046  }
0xbc: {  	s29 =	simm.s32 $0x9;
	_ =	strace $0x80000048  }
0xbd: {  	_ =	swait.ge [sflag:s29], $0x1  }
0xbe: {  	[sflag:s29] =	ssyncadd.s32 $0xFFFFFFFF  }
0xbf: {  	_ =	strace $0x90000048  }
0xc0: {  	_ =	sfence  }
0xc1: {  	s30 =	sld [smem:$0x0];
	_ =	sdelay $0x2  }
0xc2: {  	s31 =	sshll.u32 s1, $0xD;
	s1 =	sshrl.u32 s1, $0x2  }
0xc3: {  	s3 =	sand.u32 $0x4000, s31;
	s1 =	sadd.s32 s1, s30  }
0xc4: {  	s0 =	sor.u32 s3, s0;
	s1 =	sshll.u32 s1, $0x11  }
0xc5: {  	s0 =	sor.u32 s1, s0  }
0xc6: {  	s0 =	sadd.s32 $0x8F2B, s0  }
0xc7: {  	[sflag:s0] =	ssyncadd.remote.s32 $0x1  }
0xc8: {  	_ =	sfence.sel $0xFFFF  }
0xc9: {  	[dreg:$0x0] =	wrdreg $0xFFFFFFFF;
	(pc) =	sbr.abs _section_cstart, $3  }
0xca: {  	[dreg:$0x1] =	wrdreg $0xFFFFFFFF  }
0xcb: {  	_ =	task.clear_ibuf [dreg:s12], $0x2FFFF;
	_ =	strace $0x9FFFFFFF  }
0xcc: {  	(tm) =	ssettm $0x7FFFFFFF  }
0xcd: {  	_ =	shalt  }
tec
execute0_lowered:
.L_overlay_start_1:
0x0: {  	(tag) =	ssettag $0x1  }
0x1: {  	s0 =	rddreg [dreg:$0x0]  }
0x2: {  	s1 =	rddreg [dreg:$0x1];
	s7 =	simm.s32 $0x0;
	s2 =	srdreg.scid  }
0x3: {  	s4 =	stileid.u32;
	s16 =	simm.s32 $0x2;
	s20 =	simm.s32 $0x100  }
0x4: {  	s8 =	simm.s32 $0x6100;
	s5 =	simm.s32 $0x7900;
	s15 =	simm.s32 $0x8100  }
0x5: {  	s17 =	simm.s32 $0x8900;
	s18 =	simm.s32 $0x9100;
	s14 =	simm.s32 $0x9900  }
0x6: {  	s6 =	simm.s32 $0xA900;
	s19 =	simm.s32 $0xB100;
	s21 =	simm.s32 $0xB900  }
0x7: {  	s22 =	simm.s32 $0x1;
	s23 =	simm.s32 $0xC100;
	s24 =	simm.s32 $0x0  }
0x8: {  	[smem:$0x7FF] =	sst s7;
	s2 =	sand.u32 $0x1, s2;
	s9 =	sadd.s32 $0x400, s0  }
0x9: {  	s10 =	sadd.s32 $0x800, s0;
	s31 =	sshll.u32 s4, $0x6;
	s3 =	ssub.s32 $0x2, s2  }
0xa: {  	s12 =	sadd.s32 $0x100, s1;
	s13 =	sadd.s32 $0x200, s1;
	s30 =	sshrl.u32 s3, $0x1  }
0xb: {  	v0 =	vlaneseq.u32;
	s4 =	simm.s32 $0x7100;
	s2 =	sshll.u32 s2, $0x5;
	s0 =	ssub.s32 s3, s30  }
0xc: {  	vm0 =	vmmov $0xffff;
	v2 =	vshrl.u32 v0, $0x3;
	_ =	strace $0x80000047;
	s11 =	sor.u32 s2, s31;
	s0 =	smax.u32 s0, $0x1  }
0xd: {  	v1 =	vand.u32 $0x7, v0;
	v3 =	vor.u32 $0x8, v0;
	v2 =	vmul.u32 $0x8, v2;
	s2 =	simm.s32 $0xA100;
	s3 =	simm.s32 $0x6900;
	[dreg:$0x8] =	wrdreg s0  }
.LBB2_1:
0xe: {  	[dreg:$0x9] =	wrdreg s24  }
0xf: {  	s0 =	rddreg [dreg:$0x3];
	s26 =	simm.s32 $0x18100  }
0x10: {  	[tilespmem:s26], [sflag:$0x2] =	stream.linear.gather [hbm4b:s0+s7], $0x600, $0x38;
	[tilespmem:$0x18D00] =	vst v63  }
0x11: {  	_ =	swait.ge [sflag:s16], $0x600  }
0x12: {  	[sflag:s16] =	ssyncset.done $0x0  }
0x13: {  	[sflag:s16] =	ssyncadd.s32 $0xFFFFFA00  }
0x14: {  	s29 =	simm.s32 $0x18700;
	s28 =	rddreg [dreg:$0x4]  }
0x15: {  	[tilespmem:s29], [sflag:$0x2] =	stream.linear.gather [hbm4b:s28+s7], $0x300, $0x38;
	[tilespmem:$0x18D00] =	vst v63  }
0x16: {  	_ =	swait.ge [sflag:s16], $0x300  }
0x17: {  	[sflag:s16] =	ssyncset.done $0x0  }
0x18: {  	[sflag:s16] =	ssyncadd.s32 $0xFFFFFD00  }
0x19: {  	s31 =	simm.s32 $0x18A00;
	s30 =	rddreg [dreg:$0x5]  }
0x1a: {  	[tilespmem:s31], [sflag:$0x2] =	stream.linear.gather [hbm4b:s30+s7], $0x300, $0x38;
	[tilespmem:$0x18D00] =	vst v63  }
0x1b: {  	_ =	swait.ge [sflag:s16], $0x300  }
0x1c: {  	[sflag:s16] =	ssyncset.done $0x0  }
0x1d: {  	s24 =	simm.s32 $0x0;
	[sflag:s16] =	ssyncadd.s32 $0xFFFFFD00  }
.LBB2_2:
0x1e: {  	s25 =	sshll.u32 s24, $0x3  }
0x1f: {  	s25 =	sadd.s32 s11, s25  }
0x20: {  	s26 =	simm.s32 $0x0;
	s28 =	sadd.s32 s9, s25  }
0x21: {  	[tilespmem:s26], [sflag:$0x2] =	stream.linear.gather [hbm4b:s28+s26], $0x40, $0x38;
	[tilespmem:$0x18D00] =	vst v63  }
0x22: {  	_ =	swait.ge [sflag:s16], $0x40  }
0x23: {  	[sflag:s16] =	ssyncset.done $0x0  }
0x24: {  	s0 =	simm.s32 $0x80;
	s28 =	sadd.s32 s10, s25;
	[sflag:s16] =	ssyncadd.s32 $0xFFFFFFC0  }
0x25: {  	[tilespmem:s0], [sflag:$0x2] =	stream.linear.gather [hbm4b:s28+s26], $0x40, $0x38;
	[tilespmem:$0x18D00] =	vst v63  }
0x26: {  	_ =	swait.ge [sflag:s16], $0x40  }
0x27: {  	[sflag:s16] =	ssyncset.done $0x0  }
0x28: {  	[sflag:s16] =	ssyncadd.s32 $0xFFFFFFC0  }
0x29: {  	v4 =	vld [tilespmem:$0x0];
	_ =	sdelay $0x4  }
0x2a: {  	v5 =	vshrl.u32 v4, $0x3  }
0x2b: {  	v5 =	vmul.u32 $0x30, v5  }
0x2c: {  	v4 =	vand.u32 $0x7, v4  }
0x2d: {  	v4 =	vor.u32 v4, v5  }
0x2e: {  	v5 =	vperm.xlane v4, v1;
	_ =	sdelay $0x1  }
0x2f: {  	v5 =	vadd.s32 v2, v5;
	_ =	sdelay $0x3  }
0x30: {  	v4 =	vperm.xlane v4, v3  }
0x31: {  	[tilespmem:s20], [sflag:$0x1] =	stream.indirect_vreg.gather [hbm4b:s1+s26], $0x80, v5, vm0, $0xb8;
	[tilespmem:$0x18D00] =	vst v63  }
0x32: {  	s29 =	simm.s32 $0x900;
	v4 =	vadd.s32 v2, v4  }
0x33: {  	[tilespmem:s29], [sflag:$0x1] =	stream.indirect_vreg.gather [hbm4b:s12+s26], $0x80, v5, vm0, $0xb8;
	[tilespmem:$0x18D00] =	vst v63  }
0x34: {  	s30 =	simm.s32 $0x1100  }
0x35: {  	[tilespmem:s30], [sflag:$0x1] =	stream.indirect_vreg.gather [hbm4b:s13+s26], $0x80, v5, vm0, $0xb8;
	[tilespmem:$0x18D00] =	vst v63  }
0x36: {  	s31 =	simm.s32 $0x1900  }
0x37: {  	[tilespmem:s31], [sflag:$0x1] =	stream.indirect_vreg.gather [hbm4b:s1+s26], $0x80, v4, vm0, $0xb8;
	[tilespmem:$0x18D00] =	vst v63  }
0x38: {  	s29 =	simm.s32 $0x2100  }
0x39: {  	[tilespmem:s29], [sflag:$0x1] =	stream.indirect_vreg.gather [hbm4b:s12+s26], $0x80, v4, vm0, $0xb8;
	[tilespmem:$0x18D00] =	vst v63  }
0x3a: {  	s30 =	simm.s32 $0x2900  }
0x3b: {  	[tilespmem:s30], [sflag:$0x1] =	stream.indirect_vreg.gather [hbm4b:s13+s26], $0x80, v4, vm0, $0xb8;
	[tilespmem:$0x18D00] =	vst v63  }
0x3c: {  	v4 =	vld [tilespmem:$0x10];
	_ =	sdelay $0x4  }
0x3d: {  	v5 =	vshrl.u32 v4, $0x3  }
0x3e: {  	v5 =	vmul.u32 $0x30, v5  }
0x3f: {  	v4 =	vand.u32 $0x7, v4  }
0x40: {  	v4 =	vor.u32 v4, v5  }
0x41: {  	v5 =	vperm.xlane v4, v1;
	_ =	sdelay $0x1  }
0x42: {  	v5 =	vadd.s32 v2, v5;
	_ =	sdelay $0x3  }
0x43: {  	s31 =	simm.s32 $0x3100;
	v4 =	vperm.xlane v4, v3  }
0x44: {  	[tilespmem:s31], [sflag:$0x1] =	stream.indirect_vreg.gather [hbm4b:s1+s26], $0x80, v5, vm0, $0xb8;
	[tilespmem:$0x18D00] =	vst v63  }
0x45: {  	s29 =	simm.s32 $0x3900;
	v4 =	vadd.s32 v2, v4  }
0x46: {  	[tilespmem:s29], [sflag:$0x1] =	stream.indirect_vreg.gather [hbm4b:s12+s26], $0x80, v5, vm0, $0xb8;
	[tilespmem:$0x18D00] =	vst v63  }
0x47: {  	s30 =	simm.s32 $0x4100  }
0x48: {  	[tilespmem:s30], [sflag:$0x1] =	stream.indirect_vreg.gather [hbm4b:s13+s26], $0x80, v5, vm0, $0xb8;
	[tilespmem:$0x18D00] =	vst v63  }
0x49: {  	s31 =	simm.s32 $0x4900  }
0x4a: {  	[tilespmem:s31], [sflag:$0x1] =	stream.indirect_vreg.gather [hbm4b:s1+s26], $0x80, v4, vm0, $0xb8;
	[tilespmem:$0x18D00] =	vst v63  }
0x4b: {  	s29 =	simm.s32 $0x5100  }
0x4c: {  	[tilespmem:s29], [sflag:$0x1] =	stream.indirect_vreg.gather [hbm4b:s12+s26], $0x80, v4, vm0, $0xb8;
	[tilespmem:$0x18D00] =	vst v63  }
0x4d: {  	s30 =	simm.s32 $0x5900  }
0x4e: {  	[tilespmem:s30], [sflag:$0x1] =	stream.indirect_vreg.gather [hbm4b:s13+s26], $0x80, v4, vm0, $0xb8;
	[tilespmem:$0x18D00] =	vst v63  }
0x4f: {  	v4 =	vld [tilespmem:$0x20];
	_ =	sdelay $0x4  }
0x50: {  	v5 =	vshrl.u32 v4, $0x3  }
0x51: {  	v5 =	vmul.u32 $0x30, v5  }
0x52: {  	v4 =	vand.u32 $0x7, v4  }
0x53: {  	v4 =	vor.u32 v4, v5  }
0x54: {  	v5 =	vperm.xlane v4, v1;
	_ =	sdelay $0x1  }
0x55: {  	v5 =	vadd.s32 v2, v5;
	_ =	sdelay $0x3  }
0x56: {  	v4 =	vperm.xlane v4, v3  }
0x57: {  	[tilespmem:s8], [sflag:$0x1] =	stream.indirect_vreg.gather [hbm4b:s1+s26], $0x80, v5, vm0, $0xb8;
	[tilespmem:$0x18D00] =	vst v63  }
0x58: {  	v4 =	vadd.s32 v2, v4  }
0x59: {  	[tilespmem:s3], [sflag:$0x1] =	stream.indirect_vreg.gather [hbm4b:s12+s26], $0x80, v5, vm0, $0xb8;
	[tilespmem:$0x18D00] =	vst v63  }
0x5a: {  	_ = 	snop  }
0x5b: {  	[tilespmem:s4], [sflag:$0x1] =	stream.indirect_vreg.gather [hbm4b:s13+s26], $0x80, v5, vm0, $0xb8;
	[tilespmem:$0x18D00] =	vst v63  }
0x5c: {  	_ = 	snop  }
0x5d: {  	[tilespmem:s5], [sflag:$0x1] =	stream.indirect_vreg.gather [hbm4b:s1+s26], $0x80, v4, vm0, $0xb8;
	[tilespmem:$0x18D00] =	vst v63  }
0x5e: {  	_ = 	snop  }
0x5f: {  	[tilespmem:s15], [sflag:$0x1] =	stream.indirect_vreg.gather [hbm4b:s12+s26], $0x80, v4, vm0, $0xb8;
	[tilespmem:$0x18D00] =	vst v63  }
0x60: {  	_ = 	snop  }
0x61: {  	[tilespmem:s17], [sflag:$0x1] =	stream.indirect_vreg.gather [hbm4b:s13+s26], $0x80, v4, vm0, $0xb8;
	[tilespmem:$0x18D00] =	vst v63  }
0x62: {  	v4 =	vld [tilespmem:$0x30];
	_ =	sdelay $0x4  }
0x63: {  	v5 =	vshrl.u32 v4, $0x3  }
0x64: {  	v5 =	vmul.u32 $0x30, v5  }
0x65: {  	v4 =	vand.u32 $0x7, v4  }
0x66: {  	v4 =	vor.u32 v4, v5  }
0x67: {  	v5 =	vperm.xlane v4, v1;
	_ =	sdelay $0x1  }
0x68: {  	v5 =	vadd.s32 v2, v5;
	_ =	sdelay $0x3  }
0x69: {  	v4 =	vperm.xlane v4, v3  }
0x6a: {  	[tilespmem:s18], [sflag:$0x1] =	stream.indirect_vreg.gather [hbm4b:s1+s26], $0x80, v5, vm0, $0xb8;
	[tilespmem:$0x18D00] =	vst v63  }
0x6b: {  	v4 =	vadd.s32 v2, v4  }
0x6c: {  	[tilespmem:s14], [sflag:$0x1] =	stream.indirect_vreg.gather [hbm4b:s12+s26], $0x80, v5, vm0, $0xb8;
	[tilespmem:$0x18D00] =	vst v63  }
0x6d: {  	_ = 	snop  }
0x6e: {  	[tilespmem:s2], [sflag:$0x1] =	stream.indirect_vreg.gather [hbm4b:s13+s26], $0x80, v5, vm0, $0xb8;
	[tilespmem:$0x18D00] =	vst v63  }
0x6f: {  	_ = 	snop  }
0x70: {  	[tilespmem:s6], [sflag:$0x1] =	stream.indirect_vreg.gather [hbm4b:s1+s26], $0x80, v4, vm0, $0xb8;
	[tilespmem:$0x18D00] =	vst v63  }
0x71: {  	_ = 	snop  }
0x72: {  	[tilespmem:s19], [sflag:$0x1] =	stream.indirect_vreg.gather [hbm4b:s12+s26], $0x80, v4, vm0, $0xb8;
	[tilespmem:$0x18D00] =	vst v63  }
0x73: {  	_ = 	snop  }
0x74: {  	[tilespmem:s21], [sflag:$0x1] =	stream.indirect_vreg.gather [hbm4b:s13+s26], $0x80, v4, vm0, $0xb8;
	[tilespmem:$0x18D00] =	vst v63  }
0x75: {  	_ =	swait.ge [sflag:s22], $0xC000  }
0x76: {  	s28 =	sand.u32 $0xF8, s25;
	[sflag:s22] =	ssyncset.done $0x0  }
0x77: {  	s28 =	smul.u32 $0x300, s28;
	[sflag:s22] =	ssyncadd.s32 $0xFFFF4000  }
0x78: {  	s31 =	rddreg [dreg:$0x2]  }
0x79: {  	s28 =	sadd.s32 s31, s28  }
0x7a: {  	[tilespmem:s23], [sflag:$0x2] =	stream.linear.gather [hbm4b:s28+s26], $0xC000, $0x38;
	[tilespmem:$0x18D00] =	vst v63  }
0x7b: {  	_ =	swait.ge [sflag:s16], $0xC000  }
0x7c: {  	[sflag:s16] =	ssyncset.done $0x0  }
0x7d: {  	s28 =	simm.s32 $0x0;
	[sflag:s16] =	ssyncadd.s32 $0xFFFF4000  }
.LBB2_3:
0x7e: {  	s29 =	sand.u32 $0x30, s28  }
0x7f: {  	v4 =	vld [tilespmem:s29+$0x80];
	_ =	sdelay $0x3  }
0x80: {  	s30 =	sand.u32 $0xF, s28  }
0x81: {  	v5 =	vmov s30;
	v4 =	vcvt.s32.f32 v4  }
0x82: {  	vm1 =	veq.s32 v5, v0  }
0x83: {  	v4 =	vnsel vm1, $0x0, v4  }
0x84: {  	(xrf2) =	vadd.scan.msk.f32 $0xffff, v4;
	_ =	sdelay $0x4  }
0x85: {  	s31 =	sshrl.u32 s28, $0x3;
	v6 =	vld [tilespmem:$0x18180]  }
0x86: {  	s29 =	smul.u32 $0x1800, s31;
	v5 =	vld [tilespmem:$0x18100]  }
0x87: {  	s30 =	sand.u32 $0x380, s26  }
0x88: {  	s29 =	sor.u32 s30, s29  }
0x89: {  	v7 =	vld [tilespmem:s29+$0x100]  }
0x8a: {  	v8 =	vld [tilespmem:s29+$0xC100];
	v4, _, _ =	vpop (xrf2)  }
0x8b: {  	v6 =	vsub.f32 v6, v5;
	v4 =	vbroadcast v4, $0xF;
	_ =	sdelay $0x1  }
0x8c: {  	v6 =	vmul.f32 v4, v6;
	_ =	sdelay $0x1  }
0x8d: {  	v7 =	vadd.f32 v8, v7;
	v5 =	vadd.f32 v6, v5;
	_ =	sdelay $0x1  }
0x8e: {  	v5 =	vadd.f32 v5, v7;
	_ =	sdelay $0x1  }
0x8f: {  	[tilespmem:s29+$0x100] =	vst v5  }
0x90: {  	v16 =	vld [tilespmem:$0x18110]  }
0x91: {  	v17 =	vld [tilespmem:$0x18190];
	_ =	sdelay $0x2  }
0x92: {  	v18 =	vld [tilespmem:s29+$0x110]  }
0x93: {  	v9 =	vld [tilespmem:s29+$0xC110]  }
0x94: {  	v7 =	vsub.f32 v17, v16;
	_ =	sdelay $0x1  }
0x95: {  	v7 =	vmul.f32 v7, v4;
	_ =	sdelay $0x1  }
0x96: {  	v8 =	vadd.f32 v9, v18;
	v6 =	vadd.f32 v7, v16;
	_ =	sdelay $0x1  }
0x97: {  	v6 =	vadd.f32 v6, v8;
	_ =	sdelay $0x1  }
0x98: {  	[tilespmem:s29+$0x110] =	vst v6  }
0x99: {  	v19 =	vld [tilespmem:$0x18120]  }
0x9a: {  	v20 =	vld [tilespmem:$0x181A0];
	_ =	sdelay $0x2  }
0x9b: {  	v21 =	vld [tilespmem:s29+$0x120]  }
0x9c: {  	v10 =	vld [tilespmem:s29+$0xC120]  }
0x9d: {  	v8 =	vsub.f32 v20, v19;
	_ =	sdelay $0x1  }
0x9e: {  	v8 =	vmul.f32 v8, v4;
	_ =	sdelay $0x1  }
0x9f: {  	v9 =	vadd.f32 v10, v21;
	v7 =	vadd.f32 v8, v19;
	_ =	sdelay $0x1  }
0xa0: {  	v7 =	vadd.f32 v7, v9;
	_ =	sdelay $0x1  }
0xa1: {  	[tilespmem:s29+$0x120] =	vst v7  }
0xa2: {  	v22 =	vld [tilespmem:$0x18130]  }
0xa3: {  	v23 =	vld [tilespmem:$0x181B0];
	_ =	sdelay $0x2  }
0xa4: {  	v24 =	vld [tilespmem:s29+$0x130]  }
0xa5: {  	v11 =	vld [tilespmem:s29+$0xC130]  }
0xa6: {  	v9 =	vsub.f32 v23, v22;
	_ =	sdelay $0x1  }
0xa7: {  	v9 =	vmul.f32 v9, v4;
	_ =	sdelay $0x1  }
0xa8: {  	v10 =	vadd.f32 v11, v24;
	v8 =	vadd.f32 v9, v22;
	_ =	sdelay $0x1  }
0xa9: {  	v8 =	vadd.f32 v8, v10;
	_ =	sdelay $0x1  }
0xaa: {  	[tilespmem:s29+$0x130] =	vst v8  }
0xab: {  	v25 =	vld [tilespmem:$0x18140]  }
0xac: {  	v26 =	vld [tilespmem:$0x181C0];
	_ =	sdelay $0x2  }
0xad: {  	v27 =	vld [tilespmem:s29+$0x140]  }
0xae: {  	v12 =	vld [tilespmem:s29+$0xC140]  }
0xaf: {  	v10 =	vsub.f32 v26, v25;
	_ =	sdelay $0x1  }
0xb0: {  	v10 =	vmul.f32 v10, v4;
	_ =	sdelay $0x1  }
0xb1: {  	v11 =	vadd.f32 v12, v27;
	v9 =	vadd.f32 v10, v25;
	_ =	sdelay $0x1  }
0xb2: {  	v9 =	vadd.f32 v9, v11;
	_ =	sdelay $0x1  }
0xb3: {  	[tilespmem:s29+$0x140] =	vst v9  }
0xb4: {  	v28 =	vld [tilespmem:$0x18150]  }
0xb5: {  	v29 =	vld [tilespmem:$0x181D0];
	_ =	sdelay $0x2  }
0xb6: {  	v30 =	vld [tilespmem:s29+$0x150]  }
0xb7: {  	v13 =	vld [tilespmem:s29+$0xC150]  }
0xb8: {  	v11 =	vsub.f32 v29, v28;
	_ =	sdelay $0x1  }
0xb9: {  	v11 =	vmul.f32 v11, v4;
	_ =	sdelay $0x1  }
0xba: {  	v12 =	vadd.f32 v13, v30;
	v10 =	vadd.f32 v11, v28;
	_ =	sdelay $0x1  }
0xbb: {  	v10 =	vadd.f32 v10, v12;
	_ =	sdelay $0x1  }
0xbc: {  	[tilespmem:s29+$0x150] =	vst v10  }
0xbd: {  	v31 =	vld [tilespmem:$0x18160]  }
0xbe: {  	v32 =	vld [tilespmem:$0x181E0];
	_ =	sdelay $0x2  }
0xbf: {  	v33 =	vld [tilespmem:s29+$0x160]  }
0xc0: {  	v14 =	vld [tilespmem:s29+$0xC160]  }
0xc1: {  	v12 =	vsub.f32 v32, v31;
	_ =	sdelay $0x1  }
0xc2: {  	v12 =	vmul.f32 v12, v4;
	_ =	sdelay $0x1  }
0xc3: {  	v13 =	vadd.f32 v14, v33;
	v11 =	vadd.f32 v12, v31;
	_ =	sdelay $0x1  }
0xc4: {  	v11 =	vadd.f32 v11, v13;
	_ =	sdelay $0x1  }
0xc5: {  	[tilespmem:s29+$0x160] =	vst v11  }
0xc6: {  	v34 =	vld [tilespmem:$0x18170]  }
0xc7: {  	v35 =	vld [tilespmem:$0x181F0];
	_ =	sdelay $0x2  }
0xc8: {  	v36 =	vld [tilespmem:s29+$0x170]  }
0xc9: {  	v15 =	vld [tilespmem:s29+$0xC170]  }
0xca: {  	v13 =	vsub.f32 v35, v34;
	_ =	sdelay $0x1  }
0xcb: {  	v13 =	vmul.f32 v13, v4;
	_ =	sdelay $0x1  }
0xcc: {  	v14 =	vadd.f32 v15, v36;
	v12 =	vadd.f32 v13, v34;
	_ =	sdelay $0x1  }
0xcd: {  	v12 =	vadd.f32 v12, v14;
	_ =	sdelay $0x1  }
0xce: {  	[tilespmem:s29+$0x170] =	vst v12  }
0xcf: {  	v37 =	vld [tilespmem:$0x18200]  }
0xd0: {  	v38 =	vld [tilespmem:$0x18280];
	_ =	sdelay $0x2  }
0xd1: {  	v39 =	vld [tilespmem:s29+$0x500]  }
0xd2: {  	v16 =	vld [tilespmem:s29+$0xC500]  }
0xd3: {  	v14 =	vsub.f32 v38, v37;
	_ =	sdelay $0x1  }
0xd4: {  	v14 =	vmul.f32 v14, v4;
	_ =	sdelay $0x1  }
0xd5: {  	v15 =	vadd.f32 v16, v39;
	v13 =	vadd.f32 v14, v37;
	_ =	sdelay $0x1  }
0xd6: {  	v13 =	vadd.f32 v13, v15;
	_ =	sdelay $0x1  }
0xd7: {  	[tilespmem:s29+$0x500] =	vst v13  }
0xd8: {  	v40 =	vld [tilespmem:$0x18210]  }
0xd9: {  	v41 =	vld [tilespmem:$0x18290];
	_ =	sdelay $0x2  }
0xda: {  	v42 =	vld [tilespmem:s29+$0x510]  }
0xdb: {  	v17 =	vld [tilespmem:s29+$0xC510]  }
0xdc: {  	v15 =	vsub.f32 v41, v40;
	_ =	sdelay $0x1  }
0xdd: {  	v15 =	vmul.f32 v15, v4;
	_ =	sdelay $0x1  }
0xde: {  	v16 =	vadd.f32 v17, v42;
	v14 =	vadd.f32 v15, v40;
	_ =	sdelay $0x1  }
0xdf: {  	v14 =	vadd.f32 v14, v16;
	_ =	sdelay $0x1  }
0xe0: {  	[tilespmem:s29+$0x510] =	vst v14  }
0xe1: {  	v43 =	vld [tilespmem:$0x18220]  }
0xe2: {  	v44 =	vld [tilespmem:$0x182A0];
	_ =	sdelay $0x2  }
0xe3: {  	v45 =	vld [tilespmem:s29+$0x520]  }
0xe4: {  	v18 =	vld [tilespmem:s29+$0xC520]  }
0xe5: {  	v16 =	vsub.f32 v44, v43;
	_ =	sdelay $0x1  }
0xe6: {  	v16 =	vmul.f32 v16, v4;
	_ =	sdelay $0x1  }
0xe7: {  	v17 =	vadd.f32 v18, v45;
	v15 =	vadd.f32 v16, v43;
	_ =	sdelay $0x1  }
0xe8: {  	v15 =	vadd.f32 v15, v17;
	_ =	sdelay $0x1  }
0xe9: {  	[tilespmem:s29+$0x520] =	vst v15  }
0xea: {  	v46 =	vld [tilespmem:$0x18230]  }
0xeb: {  	v47 =	vld [tilespmem:$0x182B0];
	_ =	sdelay $0x2  }
0xec: {  	v48 =	vld [tilespmem:s29+$0x530]  }
0xed: {  	v19 =	vld [tilespmem:s29+$0xC530]  }
0xee: {  	v17 =	vsub.f32 v47, v46;
	_ =	sdelay $0x1  }
0xef: {  	v17 =	vmul.f32 v17, v4;
	_ =	sdelay $0x1  }
0xf0: {  	v18 =	vadd.f32 v19, v48;
	v16 =	vadd.f32 v17, v46;
	_ =	sdelay $0x1  }
0xf1: {  	v16 =	vadd.f32 v16, v18;
	_ =	sdelay $0x1  }
0xf2: {  	[tilespmem:s29+$0x530] =	vst v16  }
0xf3: {  	v49 =	vld [tilespmem:$0x18240]  }
0xf4: {  	v50 =	vld [tilespmem:$0x182C0];
	_ =	sdelay $0x2  }
0xf5: {  	v51 =	vld [tilespmem:s29+$0x540]  }
0xf6: {  	v20 =	vld [tilespmem:s29+$0xC540]  }
0xf7: {  	v18 =	vsub.f32 v50, v49;
	_ =	sdelay $0x1  }
0xf8: {  	v18 =	vmul.f32 v18, v4;
	_ =	sdelay $0x1  }
0xf9: {  	v19 =	vadd.f32 v20, v51;
	v17 =	vadd.f32 v18, v49;
	_ =	sdelay $0x1  }
0xfa: {  	v17 =	vadd.f32 v17, v19;
	_ =	sdelay $0x1  }
0xfb: {  	[tilespmem:s29+$0x540] =	vst v17  }
0xfc: {  	v52 =	vld [tilespmem:$0x18250]  }
0xfd: {  	v53 =	vld [tilespmem:$0x182D0];
	_ =	sdelay $0x2  }
0xfe: {  	v54 =	vld [tilespmem:s29+$0x550]  }
0xff: {  	v21 =	vld [tilespmem:s29+$0xC550]  }
0x100: {  	v19 =	vsub.f32 v53, v52;
	_ =	sdelay $0x1  }
0x101: {  	v19 =	vmul.f32 v19, v4;
	_ =	sdelay $0x1  }
0x102: {  	v20 =	vadd.f32 v21, v54;
	v18 =	vadd.f32 v19, v52;
	_ =	sdelay $0x1  }
0x103: {  	v18 =	vadd.f32 v18, v20;
	_ =	sdelay $0x1  }
0x104: {  	[tilespmem:s29+$0x550] =	vst v18  }
0x105: {  	v55 =	vld [tilespmem:$0x18260]  }
0x106: {  	v56 =	vld [tilespmem:$0x182E0];
	_ =	sdelay $0x2  }
0x107: {  	v57 =	vld [tilespmem:s29+$0x560]  }
0x108: {  	v22 =	vld [tilespmem:s29+$0xC560]  }
0x109: {  	v20 =	vsub.f32 v56, v55;
	_ =	sdelay $0x1  }
0x10a: {  	v20 =	vmul.f32 v20, v4;
	_ =	sdelay $0x1  }
0x10b: {  	v21 =	vadd.f32 v22, v57;
	v19 =	vadd.f32 v20, v55;
	_ =	sdelay $0x1  }
0x10c: {  	v19 =	vadd.f32 v19, v21;
	_ =	sdelay $0x1  }
0x10d: {  	[tilespmem:s29+$0x560] =	vst v19  }
0x10e: {  	v58 =	vld [tilespmem:$0x18270]  }
0x10f: {  	v59 =	vld [tilespmem:$0x182F0];
	_ =	sdelay $0x2  }
0x110: {  	v60 =	vld [tilespmem:s29+$0x570]  }
0x111: {  	v23 =	vld [tilespmem:s29+$0xC570]  }
0x112: {  	v21 =	vsub.f32 v59, v58;
	_ =	sdelay $0x1  }
0x113: {  	v21 =	vmul.f32 v21, v4;
	_ =	sdelay $0x1  }
0x114: {  	v22 =	vadd.f32 v23, v60;
	v20 =	vadd.f32 v21, v58;
	_ =	sdelay $0x1  }
0x115: {  	v20 =	vadd.f32 v20, v22;
	_ =	sdelay $0x1  }
0x116: {  	[tilespmem:s29+$0x570] =	vst v20  }
0x117: {  	v61 =	vld [tilespmem:$0x18300]  }
0x118: {  	v62 =	vld [tilespmem:$0x18380];
	_ =	sdelay $0x2  }
0x119: {  	v63 =	vld [tilespmem:s29+$0x900]  }
0x11a: {  	v24 =	vld [tilespmem:s29+$0xC900]  }
0x11b: {  	v22 =	vsub.f32 v62, v61;
	_ =	sdelay $0x1  }
0x11c: {  	v22 =	vmul.f32 v22, v4;
	_ =	sdelay $0x1  }
0x11d: {  	v23 =	vadd.f32 v24, v63;
	v21 =	vadd.f32 v22, v61;
	_ =	sdelay $0x1  }
0x11e: {  	v21 =	vadd.f32 v21, v23;
	_ =	sdelay $0x1  }
0x11f: {  	[tilespmem:s29+$0x900] =	vst v21  }
0x120: {  	v28 =	vld [tilespmem:$0x18310]  }
0x121: {  	v29 =	vld [tilespmem:$0x18390];
	_ =	sdelay $0x2  }
0x122: {  	v30 =	vld [tilespmem:s29+$0x910]  }
0x123: {  	v25 =	vld [tilespmem:s29+$0xC910]  }
0x124: {  	v23 =	vsub.f32 v29, v28;
	_ =	sdelay $0x1  }
0x125: {  	v23 =	vmul.f32 v23, v4;
	_ =	sdelay $0x1  }
0x126: {  	v24 =	vadd.f32 v25, v30;
	v22 =	vadd.f32 v23, v28;
	_ =	sdelay $0x1  }
0x127: {  	v22 =	vadd.f32 v22, v24;
	_ =	sdelay $0x1  }
0x128: {  	[tilespmem:s29+$0x910] =	vst v22  }
0x129: {  	v31 =	vld [tilespmem:$0x18320]  }
0x12a: {  	v32 =	vld [tilespmem:$0x183A0];
	_ =	sdelay $0x2  }
0x12b: {  	v33 =	vld [tilespmem:s29+$0x920]  }
0x12c: {  	v26 =	vld [tilespmem:s29+$0xC920]  }
0x12d: {  	v24 =	vsub.f32 v32, v31;
	_ =	sdelay $0x1  }
0x12e: {  	v24 =	vmul.f32 v24, v4;
	_ =	sdelay $0x1  }
0x12f: {  	v25 =	vadd.f32 v26, v33;
	v23 =	vadd.f32 v24, v31;
	_ =	sdelay $0x1  }
0x130: {  	v23 =	vadd.f32 v23, v25;
	_ =	sdelay $0x1  }
0x131: {  	[tilespmem:s29+$0x920] =	vst v23  }
0x132: {  	v34 =	vld [tilespmem:$0x18330]  }
0x133: {  	v35 =	vld [tilespmem:$0x183B0];
	_ =	sdelay $0x2  }
0x134: {  	v36 =	vld [tilespmem:s29+$0x930]  }
0x135: {  	v27 =	vld [tilespmem:s29+$0xC930]  }
0x136: {  	v25 =	vsub.f32 v35, v34;
	_ =	sdelay $0x1  }
0x137: {  	v25 =	vmul.f32 v25, v4;
	_ =	sdelay $0x1  }
0x138: {  	v26 =	vadd.f32 v27, v36;
	v24 =	vadd.f32 v25, v34;
	_ =	sdelay $0x1  }
0x139: {  	v24 =	vadd.f32 v24, v26;
	_ =	sdelay $0x1  }
0x13a: {  	[tilespmem:s29+$0x930] =	vst v24  }
0x13b: {  	v37 =	vld [tilespmem:$0x18340]  }
0x13c: {  	v38 =	vld [tilespmem:$0x183C0];
	_ =	sdelay $0x2  }
0x13d: {  	v39 =	vld [tilespmem:s29+$0x940]  }
0x13e: {  	v28 =	vld [tilespmem:s29+$0xC940]  }
0x13f: {  	v26 =	vsub.f32 v38, v37;
	_ =	sdelay $0x1  }
0x140: {  	v26 =	vmul.f32 v26, v4;
	_ =	sdelay $0x1  }
0x141: {  	v27 =	vadd.f32 v28, v39;
	v25 =	vadd.f32 v26, v37;
	_ =	sdelay $0x1  }
0x142: {  	v25 =	vadd.f32 v25, v27;
	_ =	sdelay $0x1  }
0x143: {  	[tilespmem:s29+$0x940] =	vst v25  }
0x144: {  	v40 =	vld [tilespmem:$0x18350]  }
0x145: {  	v41 =	vld [tilespmem:$0x183D0];
	_ =	sdelay $0x2  }
0x146: {  	v42 =	vld [tilespmem:s29+$0x950]  }
0x147: {  	v29 =	vld [tilespmem:s29+$0xC950]  }
0x148: {  	v27 =	vsub.f32 v41, v40;
	_ =	sdelay $0x1  }
0x149: {  	v27 =	vmul.f32 v27, v4;
	_ =	sdelay $0x1  }
0x14a: {  	v28 =	vadd.f32 v29, v42;
	v26 =	vadd.f32 v27, v40;
	_ =	sdelay $0x1  }
0x14b: {  	v26 =	vadd.f32 v26, v28;
	_ =	sdelay $0x1  }
0x14c: {  	[tilespmem:s29+$0x950] =	vst v26  }
0x14d: {  	v43 =	vld [tilespmem:$0x18360]  }
0x14e: {  	v44 =	vld [tilespmem:$0x183E0];
	_ =	sdelay $0x2  }
0x14f: {  	v45 =	vld [tilespmem:s29+$0x960]  }
0x150: {  	v30 =	vld [tilespmem:s29+$0xC960]  }
0x151: {  	v28 =	vsub.f32 v44, v43;
	_ =	sdelay $0x1  }
0x152: {  	v28 =	vmul.f32 v28, v4;
	_ =	sdelay $0x1  }
0x153: {  	v29 =	vadd.f32 v30, v45;
	v27 =	vadd.f32 v28, v43;
	_ =	sdelay $0x1  }
0x154: {  	v27 =	vadd.f32 v27, v29;
	_ =	sdelay $0x1  }
0x155: {  	[tilespmem:s29+$0x960] =	vst v27  }
0x156: {  	v46 =	vld [tilespmem:$0x18370]  }
0x157: {  	v47 =	vld [tilespmem:$0x183F0];
	_ =	sdelay $0x2  }
0x158: {  	v48 =	vld [tilespmem:s29+$0x970]  }
0x159: {  	v31 =	vld [tilespmem:s29+$0xC970]  }
0x15a: {  	v29 =	vsub.f32 v47, v46;
	_ =	sdelay $0x1  }
0x15b: {  	v29 =	vmul.f32 v29, v4;
	_ =	sdelay $0x1  }
0x15c: {  	v30 =	vadd.f32 v31, v48;
	v28 =	vadd.f32 v29, v46;
	_ =	sdelay $0x1  }
0x15d: {  	v28 =	vadd.f32 v28, v30;
	_ =	sdelay $0x1  }
0x15e: {  	[tilespmem:s29+$0x970] =	vst v28  }
0x15f: {  	v49 =	vld [tilespmem:$0x18400]  }
0x160: {  	v50 =	vld [tilespmem:$0x18480];
	_ =	sdelay $0x2  }
0x161: {  	v51 =	vld [tilespmem:s29+$0xD00]  }
0x162: {  	v32 =	vld [tilespmem:s29+$0xCD00]  }
0x163: {  	v30 =	vsub.f32 v50, v49;
	_ =	sdelay $0x1  }
0x164: {  	v30 =	vmul.f32 v30, v4;
	_ =	sdelay $0x1  }
0x165: {  	v31 =	vadd.f32 v32, v51;
	v29 =	vadd.f32 v30, v49;
	_ =	sdelay $0x1  }
0x166: {  	v29 =	vadd.f32 v29, v31;
	_ =	sdelay $0x1  }
0x167: {  	[tilespmem:s29+$0xD00] =	vst v29  }
0x168: {  	v52 =	vld [tilespmem:$0x18410]  }
0x169: {  	v53 =	vld [tilespmem:$0x18490];
	_ =	sdelay $0x2  }
0x16a: {  	v54 =	vld [tilespmem:s29+$0xD10]  }
0x16b: {  	v33 =	vld [tilespmem:s29+$0xCD10]  }
0x16c: {  	v31 =	vsub.f32 v53, v52;
	_ =	sdelay $0x1  }
0x16d: {  	v31 =	vmul.f32 v31, v4;
	_ =	sdelay $0x1  }
0x16e: {  	v32 =	vadd.f32 v33, v54;
	v30 =	vadd.f32 v31, v52;
	_ =	sdelay $0x1  }
0x16f: {  	v30 =	vadd.f32 v30, v32;
	_ =	sdelay $0x1  }
0x170: {  	[tilespmem:s29+$0xD10] =	vst v30  }
0x171: {  	v55 =	vld [tilespmem:$0x18420]  }
0x172: {  	v56 =	vld [tilespmem:$0x184A0];
	_ =	sdelay $0x2  }
0x173: {  	v57 =	vld [tilespmem:s29+$0xD20]  }
0x174: {  	v34 =	vld [tilespmem:s29+$0xCD20]  }
0x175: {  	v32 =	vsub.f32 v56, v55;
	_ =	sdelay $0x1  }
0x176: {  	v32 =	vmul.f32 v32, v4;
	_ =	sdelay $0x1  }
0x177: {  	v33 =	vadd.f32 v34, v57;
	v31 =	vadd.f32 v32, v55;
	_ =	sdelay $0x1  }
0x178: {  	v31 =	vadd.f32 v31, v33;
	_ =	sdelay $0x1  }
0x179: {  	[tilespmem:s29+$0xD20] =	vst v31  }
0x17a: {  	v58 =	vld [tilespmem:$0x18430]  }
0x17b: {  	v59 =	vld [tilespmem:$0x184B0];
	_ =	sdelay $0x2  }
0x17c: {  	v60 =	vld [tilespmem:s29+$0xD30]  }
0x17d: {  	v35 =	vld [tilespmem:s29+$0xCD30]  }
0x17e: {  	v33 =	vsub.f32 v59, v58;
	_ =	sdelay $0x1  }
0x17f: {  	v33 =	vmul.f32 v33, v4;
	_ =	sdelay $0x1  }
0x180: {  	v34 =	vadd.f32 v35, v60;
	v32 =	vadd.f32 v33, v58;
	_ =	sdelay $0x1  }
0x181: {  	v32 =	vadd.f32 v32, v34;
	_ =	sdelay $0x1  }
0x182: {  	[tilespmem:s29+$0xD30] =	vst v32  }
0x183: {  	v61 =	vld [tilespmem:$0x18440]  }
0x184: {  	v62 =	vld [tilespmem:$0x184C0];
	_ =	sdelay $0x2  }
0x185: {  	v63 =	vld [tilespmem:s29+$0xD40]  }
0x186: {  	v36 =	vld [tilespmem:s29+$0xCD40]  }
0x187: {  	v34 =	vsub.f32 v62, v61;
	_ =	sdelay $0x1  }
0x188: {  	v34 =	vmul.f32 v34, v4;
	_ =	sdelay $0x1  }
0x189: {  	v35 =	vadd.f32 v36, v63;
	v33 =	vadd.f32 v34, v61;
	_ =	sdelay $0x1  }
0x18a: {  	v33 =	vadd.f32 v33, v35;
	_ =	sdelay $0x1  }
0x18b: {  	[tilespmem:s29+$0xD40] =	vst v33  }
0x18c: {  	v40 =	vld [tilespmem:$0x18450]  }
0x18d: {  	v41 =	vld [tilespmem:$0x184D0];
	_ =	sdelay $0x2  }
0x18e: {  	v42 =	vld [tilespmem:s29+$0xD50]  }
0x18f: {  	v37 =	vld [tilespmem:s29+$0xCD50]  }
0x190: {  	v35 =	vsub.f32 v41, v40;
	_ =	sdelay $0x1  }
0x191: {  	v35 =	vmul.f32 v35, v4;
	_ =	sdelay $0x1  }
0x192: {  	v36 =	vadd.f32 v37, v42;
	v34 =	vadd.f32 v35, v40;
	_ =	sdelay $0x1  }
0x193: {  	v34 =	vadd.f32 v34, v36;
	_ =	sdelay $0x1  }
0x194: {  	[tilespmem:s29+$0xD50] =	vst v34  }
0x195: {  	v43 =	vld [tilespmem:$0x18460]  }
0x196: {  	v44 =	vld [tilespmem:$0x184E0];
	_ =	sdelay $0x2  }
0x197: {  	v45 =	vld [tilespmem:s29+$0xD60]  }
0x198: {  	v38 =	vld [tilespmem:s29+$0xCD60]  }
0x199: {  	v36 =	vsub.f32 v44, v43;
	_ =	sdelay $0x1  }
0x19a: {  	v36 =	vmul.f32 v36, v4;
	_ =	sdelay $0x1  }
0x19b: {  	v37 =	vadd.f32 v38, v45;
	v35 =	vadd.f32 v36, v43;
	_ =	sdelay $0x1  }
0x19c: {  	v35 =	vadd.f32 v35, v37;
	_ =	sdelay $0x1  }
0x19d: {  	[tilespmem:s29+$0xD60] =	vst v35  }
0x19e: {  	v46 =	vld [tilespmem:$0x18470]  }
0x19f: {  	v47 =	vld [tilespmem:$0x184F0];
	_ =	sdelay $0x2  }
0x1a0: {  	v39 =	vld [tilespmem:s29+$0xCD70]  }
0x1a1: {  	v48 =	vld [tilespmem:s29+$0xD70]  }
0x1a2: {  	v37 =	vsub.f32 v47, v46;
	_ =	sdelay $0x1  }
0x1a3: {  	v37 =	vmul.f32 v37, v4;
	_ =	sdelay $0x1  }
0x1a4: {  	v38 =	vadd.f32 v39, v48;
	v36 =	vadd.f32 v37, v46;
	_ =	sdelay $0x1  }
0x1a5: {  	v36 =	vadd.f32 v36, v38;
	_ =	sdelay $0x1  }
0x1a6: {  	[tilespmem:s29+$0xD70] =	vst v36  }
0x1a7: {  	v49 =	vld [tilespmem:$0x18500]  }
0x1a8: {  	v50 =	vld [tilespmem:$0x18580];
	_ =	sdelay $0x2  }
0x1a9: {  	v51 =	vld [tilespmem:s29+$0x1100]  }
0x1aa: {  	v40 =	vld [tilespmem:s29+$0xD100]  }
0x1ab: {  	v38 =	vsub.f32 v50, v49;
	_ =	sdelay $0x1  }
0x1ac: {  	v38 =	vmul.f32 v38, v4;
	_ =	sdelay $0x1  }
0x1ad: {  	v39 =	vadd.f32 v40, v51;
	v37 =	vadd.f32 v38, v49;
	_ =	sdelay $0x1  }
0x1ae: {  	v37 =	vadd.f32 v37, v39;
	_ =	sdelay $0x1  }
0x1af: {  	[tilespmem:s29+$0x1100] =	vst v37  }
0x1b0: {  	v52 =	vld [tilespmem:$0x18510]  }
0x1b1: {  	v53 =	vld [tilespmem:$0x18590];
	_ =	sdelay $0x2  }
0x1b2: {  	v54 =	vld [tilespmem:s29+$0x1110]  }
0x1b3: {  	v41 =	vld [tilespmem:s29+$0xD110]  }
0x1b4: {  	v39 =	vsub.f32 v53, v52;
	_ =	sdelay $0x1  }
0x1b5: {  	v39 =	vmul.f32 v39, v4;
	_ =	sdelay $0x1  }
0x1b6: {  	v40 =	vadd.f32 v41, v54;
	v38 =	vadd.f32 v39, v52;
	_ =	sdelay $0x1  }
0x1b7: {  	v38 =	vadd.f32 v38, v40;
	_ =	sdelay $0x1  }
0x1b8: {  	[tilespmem:s29+$0x1110] =	vst v38  }
0x1b9: {  	v55 =	vld [tilespmem:$0x18520]  }
0x1ba: {  	v56 =	vld [tilespmem:$0x185A0];
	_ =	sdelay $0x2  }
0x1bb: {  	v57 =	vld [tilespmem:s29+$0x1120]  }
0x1bc: {  	v42 =	vld [tilespmem:s29+$0xD120]  }
0x1bd: {  	v40 =	vsub.f32 v56, v55;
	_ =	sdelay $0x1  }
0x1be: {  	v40 =	vmul.f32 v40, v4;
	_ =	sdelay $0x1  }
0x1bf: {  	v41 =	vadd.f32 v42, v57;
	v39 =	vadd.f32 v40, v55;
	_ =	sdelay $0x1  }
0x1c0: {  	v39 =	vadd.f32 v39, v41;
	_ =	sdelay $0x1  }
0x1c1: {  	[tilespmem:s29+$0x1120] =	vst v39  }
0x1c2: {  	v58 =	vld [tilespmem:$0x18530]  }
0x1c3: {  	v59 =	vld [tilespmem:$0x185B0];
	_ =	sdelay $0x2  }
0x1c4: {  	v60 =	vld [tilespmem:s29+$0x1130]  }
0x1c5: {  	v43 =	vld [tilespmem:s29+$0xD130]  }
0x1c6: {  	v41 =	vsub.f32 v59, v58;
	_ =	sdelay $0x1  }
0x1c7: {  	v41 =	vmul.f32 v41, v4;
	_ =	sdelay $0x1  }
0x1c8: {  	v42 =	vadd.f32 v43, v60;
	v40 =	vadd.f32 v41, v58;
	_ =	sdelay $0x1  }
0x1c9: {  	v40 =	vadd.f32 v40, v42;
	_ =	sdelay $0x1  }
0x1ca: {  	[tilespmem:s29+$0x1130] =	vst v40  }
0x1cb: {  	v61 =	vld [tilespmem:$0x18540]  }
0x1cc: {  	v62 =	vld [tilespmem:$0x185C0];
	_ =	sdelay $0x2  }
0x1cd: {  	v63 =	vld [tilespmem:s29+$0x1140]  }
0x1ce: {  	v44 =	vld [tilespmem:s29+$0xD140]  }
0x1cf: {  	v42 =	vsub.f32 v62, v61;
	_ =	sdelay $0x1  }
0x1d0: {  	v42 =	vmul.f32 v42, v4;
	_ =	sdelay $0x1  }
0x1d1: {  	v43 =	vadd.f32 v44, v63;
	v41 =	vadd.f32 v42, v61;
	_ =	sdelay $0x1  }
0x1d2: {  	v41 =	vadd.f32 v41, v43;
	_ =	sdelay $0x1  }
0x1d3: {  	[tilespmem:s29+$0x1140] =	vst v41  }
0x1d4: {  	v48 =	vld [tilespmem:$0x18550]  }
0x1d5: {  	v49 =	vld [tilespmem:$0x185D0];
	_ =	sdelay $0x2  }
0x1d6: {  	v45 =	vld [tilespmem:s29+$0xD150]  }
0x1d7: {  	v50 =	vld [tilespmem:s29+$0x1150]  }
0x1d8: {  	v43 =	vsub.f32 v49, v48;
	_ =	sdelay $0x1  }
0x1d9: {  	v43 =	vmul.f32 v43, v4;
	_ =	sdelay $0x1  }
0x1da: {  	v44 =	vadd.f32 v45, v50;
	v42 =	vadd.f32 v43, v48;
	_ =	sdelay $0x1  }
0x1db: {  	v42 =	vadd.f32 v42, v44;
	_ =	sdelay $0x1  }
0x1dc: {  	[tilespmem:s29+$0x1150] =	vst v42  }
0x1dd: {  	v51 =	vld [tilespmem:$0x18560]  }
0x1de: {  	v52 =	vld [tilespmem:$0x185E0];
	_ =	sdelay $0x2  }
0x1df: {  	v46 =	vld [tilespmem:s29+$0xD160]  }
0x1e0: {  	v53 =	vld [tilespmem:s29+$0x1160]  }
0x1e1: {  	v44 =	vsub.f32 v52, v51;
	_ =	sdelay $0x1  }
0x1e2: {  	v44 =	vmul.f32 v44, v4;
	_ =	sdelay $0x1  }
0x1e3: {  	v45 =	vadd.f32 v46, v53;
	v43 =	vadd.f32 v44, v51;
	_ =	sdelay $0x1  }
0x1e4: {  	v43 =	vadd.f32 v43, v45;
	_ =	sdelay $0x1  }
0x1e5: {  	[tilespmem:s29+$0x1160] =	vst v43  }
0x1e6: {  	v54 =	vld [tilespmem:$0x18570]  }
0x1e7: {  	v55 =	vld [tilespmem:$0x185F0];
	_ =	sdelay $0x2  }
0x1e8: {  	v47 =	vld [tilespmem:s29+$0xD170]  }
0x1e9: {  	v56 =	vld [tilespmem:s29+$0x1170]  }
0x1ea: {  	v45 =	vsub.f32 v55, v54;
	_ =	sdelay $0x1  }
0x1eb: {  	v45 =	vmul.f32 v45, v4;
	_ =	sdelay $0x1  }
0x1ec: {  	v46 =	vadd.f32 v47, v56;
	v44 =	vadd.f32 v45, v54;
	_ =	sdelay $0x1  }
0x1ed: {  	v44 =	vadd.f32 v44, v46;
	_ =	sdelay $0x1  }
0x1ee: {  	[tilespmem:s29+$0x1170] =	vst v44  }
0x1ef: {  	v57 =	vld [tilespmem:$0x18600]  }
0x1f0: {  	v58 =	vld [tilespmem:$0x18680];
	_ =	sdelay $0x2  }
0x1f1: {  	v59 =	vld [tilespmem:s29+$0x1500]  }
0x1f2: {  	v48 =	vld [tilespmem:s29+$0xD500]  }
0x1f3: {  	v46 =	vsub.f32 v58, v57;
	_ =	sdelay $0x1  }
0x1f4: {  	v46 =	vmul.f32 v46, v4;
	_ =	sdelay $0x1  }
0x1f5: {  	v47 =	vadd.f32 v48, v59;
	v45 =	vadd.f32 v46, v57;
	_ =	sdelay $0x1  }
0x1f6: {  	v45 =	vadd.f32 v45, v47;
	_ =	sdelay $0x1  }
0x1f7: {  	[tilespmem:s29+$0x1500] =	vst v45  }
0x1f8: {  	v60 =	vld [tilespmem:$0x18610]  }
0x1f9: {  	v61 =	vld [tilespmem:$0x18690];
	_ =	sdelay $0x2  }
0x1fa: {  	v62 =	vld [tilespmem:s29+$0x1510]  }
0x1fb: {  	v50 =	vmul.f32 v6, v6;
	v49 =	vadd.f32 $0.0e+00, v5;
	v5 =	vmul.f32 v5, v5;
	v51 =	vld [tilespmem:s29+$0xD510]  }
0x1fc: {  	v47 =	vsub.f32 v61, v60  }
0x1fd: {  	v63 =	vmul.f32 v7, v7;
	v6 =	vadd.f32 v6, v49;
	v5 =	vadd.f32 v50, v5  }
0x1fe: {  	v47 =	vmul.f32 v47, v4  }
0x1ff: {  	v6 =	vadd.f32 v7, v6;
	v5 =	vadd.f32 v63, v5  }
0x200: {  	v52 =	vmul.f32 v8, v8;
	v51 =	vadd.f32 v51, v62;
	v46 =	vadd.f32 v47, v60  }
0x201: {  	v6 =	vadd.f32 v8, v6  }
0x202: {  	v53 =	vadd.f32 v52, v5;
	v5 =	vadd.f32 v46, v51;
	_ =	sdelay $0x1  }
0x203: {  	v6 =	vadd.f32 v9, v6;
	[tilespmem:s29+$0x1510] =	vst v5  }
0x204: {  	v56 =	vld [tilespmem:$0x18620]  }
0x205: {  	v6 =	vadd.f32 v10, v6;
	v54 =	vmul.f32 v9, v9;
	v58 =	vld [tilespmem:$0x186A0];
	_ =	sdelay $0x1  }
0x206: {  	v6 =	vadd.f32 v11, v6;
	v55 =	vmul.f32 v10, v10;
	v7 =	vadd.f32 v54, v53  }
0x207: {  	v62 =	vld [tilespmem:s29+$0xD520]  }
0x208: {  	v6 =	vadd.f32 v12, v6;
	v7 =	vadd.f32 v55, v7;
	v57 =	vmul.f32 v11, v11;
	v60 =	vld [tilespmem:s29+$0x1520]  }
0x209: {  	v10 =	vsub.f32 v58, v56  }
0x20a: {  	v59 =	vmul.f32 v12, v12;
	v6 =	vadd.f32 v13, v6;
	v7 =	vadd.f32 v57, v7  }
0x20b: {  	v10 =	vmul.f32 v10, v4  }
0x20c: {  	v6 =	vadd.f32 v14, v6;
	v7 =	vadd.f32 v59, v7  }
0x20d: {  	v61 =	vmul.f32 v13, v13;
	v12 =	vadd.f32 v62, v60;
	v9 =	vadd.f32 v10, v56  }
0x20e: {  	v63 =	vmul.f32 v14, v14;
	v14 =	vadd.f32 v15, v6  }
0x20f: {  	v7 =	vadd.f32 v61, v7;
	v6 =	vadd.f32 v9, v12;
	_ =	sdelay $0x1  }
0x210: {  	v13 =	vmul.f32 v15, v15;
	v7 =	vadd.f32 v63, v7;
	[tilespmem:s29+$0x1520] =	vst v6  }
0x211: {  	v48 =	vld [tilespmem:$0x18630]  }
0x212: {  	v15 =	vmul.f32 v16, v16;
	v7 =	vadd.f32 v13, v7;
	v50 =	vld [tilespmem:$0x186B0]  }
0x213: {  	v46 =	vadd.f32 v16, v14  }
0x214: {  	v52 =	vld [tilespmem:s29+$0x1530];
	v47 =	vmul.f32 v17, v17;
	v7 =	vadd.f32 v15, v7  }
0x215: {  	v54 =	vld [tilespmem:s29+$0xD530];
	v9 =	vadd.f32 v17, v46  }
0x216: {  	v49 =	vmul.f32 v18, v18;
	v7 =	vadd.f32 v47, v7  }
0x217: {  	v9 =	vadd.f32 v18, v9;
	v11 =	vsub.f32 v50, v48  }
0x218: {  	v51 =	vmul.f32 v19, v19;
	v7 =	vadd.f32 v49, v7  }
0x219: {  	v9 =	vadd.f32 v19, v9;
	v11 =	vmul.f32 v11, v4  }
0x21a: {  	v53 =	vmul.f32 v20, v20;
	v7 =	vadd.f32 v51, v7;
	v56 =	vadd.f32 v54, v52  }
0x21b: {  	v9 =	vadd.f32 v20, v9;
	v10 =	vadd.f32 v11, v48  }
0x21c: {  	v55 =	vmul.f32 v21, v21;
	v7 =	vadd.f32 v53, v7  }
0x21d: {  	v9 =	vadd.f32 v21, v9;
	v8 =	vadd.f32 v10, v56  }
0x21e: {  	v57 =	vmul.f32 v22, v22;
	v7 =	vadd.f32 v55, v7  }
0x21f: {  	v9 =	vadd.f32 v22, v9;
	[tilespmem:s29+$0x1530] =	vst v8  }
0x220: {  	v58 =	vmul.f32 v23, v23;
	v7 =	vadd.f32 v57, v7;
	v60 =	vld [tilespmem:$0x18640]  }
0x221: {  	v9 =	vadd.f32 v23, v9;
	v62 =	vld [tilespmem:$0x186C0]  }
0x222: {  	v59 =	vmul.f32 v24, v24;
	v7 =	vadd.f32 v58, v7  }
0x223: {  	v16 =	vld [tilespmem:s29+$0x1540];
	v9 =	vadd.f32 v24, v9  }
0x224: {  	v61 =	vmul.f32 v25, v25;
	v18 =	vld [tilespmem:s29+$0xD540];
	v7 =	vadd.f32 v59, v7  }
0x225: {  	v9 =	vadd.f32 v25, v9  }
0x226: {  	v63 =	vmul.f32 v26, v26;
	v7 =	vadd.f32 v61, v7;
	v12 =	vsub.f32 v62, v60  }
0x227: {  	v9 =	vadd.f32 v26, v9  }
0x228: {  	v17 =	vmul.f32 v27, v27;
	v7 =	vadd.f32 v63, v7;
	v12 =	vmul.f32 v12, v4  }
0x229: {  	v20 =	vadd.f32 v18, v16;
	v9 =	vadd.f32 v27, v9  }
0x22a: {  	v19 =	vmul.f32 v28, v28;
	v7 =	vadd.f32 v17, v7;
	v11 =	vadd.f32 v12, v60  }
0x22b: {  	v9 =	vadd.f32 v28, v9  }
0x22c: {  	v21 =	vmul.f32 v29, v29;
	v7 =	vadd.f32 v19, v7;
	v10 =	vadd.f32 v11, v20  }
0x22d: {  	v9 =	vadd.f32 v29, v9  }
0x22e: {  	v22 =	vmul.f32 v30, v30;
	v7 =	vadd.f32 v21, v7;
	[tilespmem:s29+$0x1540] =	vst v10  }
0x22f: {  	v9 =	vadd.f32 v30, v9;
	v24 =	vld [tilespmem:$0x18650]  }
0x230: {  	v23 =	vmul.f32 v31, v31;
	v7 =	vadd.f32 v22, v7;
	v26 =	vld [tilespmem:$0x186D0]  }
0x231: {  	v9 =	vadd.f32 v31, v9  }
0x232: {  	v25 =	vmul.f32 v32, v32;
	v7 =	vadd.f32 v23, v7;
	v28 =	vld [tilespmem:s29+$0x1550]  }
0x233: {  	v30 =	vld [tilespmem:s29+$0xD550];
	v9 =	vadd.f32 v32, v9  }
0x234: {  	v7 =	vadd.f32 v25, v7;
	v27 =	vmul.f32 v33, v33  }
0x235: {  	v9 =	vadd.f32 v33, v9;
	v13 =	vsub.f32 v26, v24  }
0x236: {  	v7 =	vadd.f32 v27, v7;
	v29 =	vmul.f32 v34, v34  }
0x237: {  	v9 =	vadd.f32 v34, v9;
	v13 =	vmul.f32 v13, v4  }
0x238: {  	v7 =	vadd.f32 v29, v7;
	v31 =	vmul.f32 v35, v35;
	v32 =	vadd.f32 v30, v28  }
0x239: {  	v9 =	vadd.f32 v35, v9;
	v12 =	vadd.f32 v13, v24  }
0x23a: {  	v7 =	vadd.f32 v31, v7  }
0x23b: {  	v33 =	vmul.f32 v36, v36;
	v9 =	vadd.f32 v36, v9;
	v11 =	vadd.f32 v12, v32;
	_ =	sdelay $0x1  }
0x23c: {  	v7 =	vadd.f32 v33, v7;
	v34 =	vmul.f32 v37, v37;
	v9 =	vadd.f32 v37, v9;
	[tilespmem:s29+$0x1550] =	vst v11  }
0x23d: {  	v36 =	vld [tilespmem:$0x18660]  }
0x23e: {  	v7 =	vadd.f32 v34, v7;
	v35 =	vmul.f32 v38, v38;
	v9 =	vadd.f32 v38, v9;
	v38 =	vld [tilespmem:$0x186E0];
	_ =	sdelay $0x1  }
0x23f: {  	v46 =	vld [tilespmem:s29+$0x1560];
	v7 =	vadd.f32 v35, v7;
	v37 =	vmul.f32 v39, v39  }
0x240: {  	v48 =	vld [tilespmem:s29+$0xD560];
	v9 =	vadd.f32 v39, v9  }
0x241: {  	v7 =	vadd.f32 v37, v7;
	v39 =	vmul.f32 v40, v40  }
0x242: {  	v9 =	vadd.f32 v40, v9;
	v14 =	vsub.f32 v38, v36  }
0x243: {  	v47 =	vmul.f32 v41, v41;
	v7 =	vadd.f32 v39, v7  }
0x244: {  	v9 =	vadd.f32 v41, v9;
	v14 =	vmul.f32 v14, v4  }
0x245: {  	v49 =	vmul.f32 v42, v42;
	v50 =	vadd.f32 v48, v46;
	v7 =	vadd.f32 v47, v7  }
0x246: {  	v9 =	vadd.f32 v42, v9;
	v13 =	vadd.f32 v14, v36  }
0x247: {  	v51 =	vmul.f32 v43, v43;
	v7 =	vadd.f32 v49, v7  }
0x248: {  	v9 =	vadd.f32 v43, v9;
	v12 =	vadd.f32 v13, v50  }
0x249: {  	v52 =	vmul.f32 v44, v44;
	v7 =	vadd.f32 v51, v7  }
0x24a: {  	v9 =	vadd.f32 v44, v9;
	[tilespmem:s29+$0x1560] =	vst v12  }
0x24b: {  	v53 =	vmul.f32 v45, v45;
	v7 =	vadd.f32 v52, v7;
	v54 =	vld [tilespmem:$0x18670]  }
0x24c: {  	v9 =	vadd.f32 v45, v9;
	v56 =	vld [tilespmem:$0x186F0]  }
0x24d: {  	v55 =	vmul.f32 v5, v5;
	v7 =	vadd.f32 v53, v7  }
0x24e: {  	v58 =	vld [tilespmem:s29+$0x1570];
	v5 =	vadd.f32 v5, v9  }
0x24f: {  	v57 =	vmul.f32 v6, v6;
	v61 =	vld [tilespmem:s29+$0xD570];
	v7 =	vadd.f32 v55, v7  }
0x250: {  	v5 =	vadd.f32 v6, v5  }
0x251: {  	v60 =	vmul.f32 v8, v8;
	v59 =	vadd.f32 v57, v7;
	v15 =	vsub.f32 v56, v54  }
0x252: {  	v5 =	vadd.f32 v8, v5  }
0x253: {  	v62 =	vmul.f32 v10, v10;
	v6 =	vadd.f32 v60, v59;
	v4 =	vmul.f32 v15, v4  }
0x254: {  	v63 =	vadd.f32 v61, v58;
	v5 =	vadd.f32 v10, v5  }
0x255: {  	v13 =	vmul.f32 v11, v11;
	v6 =	vadd.f32 v62, v6;
	v4 =	vadd.f32 v4, v54  }
0x256: {  	v5 =	vadd.f32 v11, v5  }
0x257: {  	v14 =	vmul.f32 v12, v12;
	v6 =	vadd.f32 v13, v6;
	v4 =	vadd.f32 v4, v63  }
0x258: {  	v5 =	vadd.f32 v12, v5  }
0x259: {  	v6 =	vadd.f32 v14, v6;
	v7 =	vmul.f32 v4, v4  }
0x25a: {  	v5 =	vadd.f32 v4, v5  }
0x25b: {  	v6 =	vadd.f32 v7, v6  }
0x25c: {  	(xrf2) =	vadd.scan.msk.f32 $0xffff, v5  }
0x25d: {  	(xrf2) =	vadd.scan.msk.f32 $0xffff, v6;
	_ =	sdelay $0x8  }
0x25e: {  	v5, _, _ =	vpop (xrf2)  }
0x25f: {  	(v2sf) =	vpush v5, $0xF;
	v5, _, _ =	vpop (xrf2)  }
0x260: {  	(v2sf) =	vpush v5, $0xF;
	_ =	sdelay $0xd  }
0x261: {  	s0 =	spop (v2sf)  }
0x262: {  	s30 =	smul.f32 $1.302083370e-03, s0;
	s31 =	spop (v2sf)  }
0x263: {  	s31 =	smul.f32 $1.302083370e-03, s31  }
0x264: {  	s0 =	smul.f32 s30, s30;
	_ =	sdelay $0x1  }
0x265: {  	s0 =	ssub.f32 s31, s0;
	_ =	sdelay $0x1  }
0x266: {  	s0 =	sadd.f32 $9.999999740e-06, s0;
	_ =	sdelay $0x1  }
0x267: {  	v5 =	vmov s0  }
0x268: {  	v15 =	vshra.s32 v5, $0x1;
	v5 =	vmul.f32 $5.000000000e-01, v5  }
0x269: {  	v6 =	vsub.s32 $0x5F3759DF, v15  }
0x26a: {  	v16 =	vmul.f32 v6, v5;
	_ =	sdelay $0x1  }
0x26b: {  	v7 =	vmul.f32 v6, v16;
	_ =	sdelay $0x1  }
0x26c: {  	v7 =	vsub.f32 $1.500000000e+00, v7;
	_ =	sdelay $0x1  }
0x26d: {  	v6 =	vmul.f32 v6, v7;
	_ =	sdelay $0x1  }
0x26e: {  	v7 =	vmul.f32 v6, v5;
	_ =	sdelay $0x1  }
0x26f: {  	v7 =	vmul.f32 v7, v6;
	_ =	sdelay $0x1  }
0x270: {  	v7 =	vsub.f32 $1.500000000e+00, v7;
	_ =	sdelay $0x1  }
0x271: {  	v6 =	vmul.f32 v7, v6;
	_ =	sdelay $0x1  }
0x272: {  	v7 =	vmul.f32 v6, v5;
	_ =	sdelay $0x1  }
0x273: {  	v7 =	vmul.f32 v7, v6;
	_ =	sdelay $0x1  }
0x274: {  	v7 =	vsub.f32 $1.500000000e+00, v7;
	_ =	sdelay $0x1  }
0x275: {  	v6 =	vmul.f32 v7, v6;
	_ =	sdelay $0x1  }
0x276: {  	v5 =	vmul.f32 v6, v5  }
0x277: {  	v17 =	vld [tilespmem:s29+$0x100]  }
0x278: {  	v5 =	vmul.f32 v5, v6;
	_ =	sdelay $0x1  }
0x279: {  	[tilespmem:s29+$0x1570] =	vst v4;
	v5 =	vsub.f32 $1.500000000e+00, v5  }
0x27a: {  	v18 =	vld [tilespmem:$0x18700];
	v4 =	vmov s30  }
0x27b: {  	v19 =	vsub.f32 v17, v4;
	v5 =	vmul.f32 v5, v6  }
0x27c: {  	v20 =	vld [tilespmem:$0x18A00]  }
0x27d: {  	v6 =	vmul.f32 v5, v19;
	_ =	sdelay $0x1  }
0x27e: {  	v6 =	vmul.f32 v6, v18  }
0x27f: {  	v21 =	vld [tilespmem:s29+$0x110]  }
0x280: {  	v6 =	vadd.f32 v6, v20;
	_ =	sdelay $0x1  }
0x281: {  	[tilespmem:s29+$0x100] =	vst v6  }
0x282: {  	v6 =	vld [tilespmem:$0x18710]  }
0x283: {  	v22 =	vsub.f32 v21, v4  }
0x284: {  	v23 =	vld [tilespmem:$0x18A10]  }
0x285: {  	v7 =	vmul.f32 v5, v22;
	_ =	sdelay $0x1  }
0x286: {  	v6 =	vmul.f32 v7, v6  }
0x287: {  	v24 =	vld [tilespmem:s29+$0x120]  }
0x288: {  	v6 =	vadd.f32 v6, v23;
	_ =	sdelay $0x1  }
0x289: {  	[tilespmem:s29+$0x110] =	vst v6  }
0x28a: {  	v6 =	vld [tilespmem:$0x18720]  }
0x28b: {  	v7 =	vsub.f32 v24, v4  }
0x28c: {  	v25 =	vld [tilespmem:$0x18A20]  }
0x28d: {  	v7 =	vmul.f32 v5, v7;
	_ =	sdelay $0x1  }
0x28e: {  	v6 =	vmul.f32 v7, v6  }
0x28f: {  	v26 =	vld [tilespmem:s29+$0x130]  }
0x290: {  	v6 =	vadd.f32 v6, v25;
	_ =	sdelay $0x1  }
0x291: {  	[tilespmem:s29+$0x120] =	vst v6  }
0x292: {  	v6 =	vld [tilespmem:$0x18730]  }
0x293: {  	v7 =	vsub.f32 v26, v4  }
0x294: {  	v27 =	vld [tilespmem:$0x18A30]  }
0x295: {  	v7 =	vmul.f32 v5, v7;
	_ =	sdelay $0x1  }
0x296: {  	v6 =	vmul.f32 v7, v6  }
0x297: {  	v28 =	vld [tilespmem:s29+$0x140]  }
0x298: {  	v6 =	vadd.f32 v6, v27;
	_ =	sdelay $0x1  }
0x299: {  	[tilespmem:s29+$0x130] =	vst v6  }
0x29a: {  	v6 =	vld [tilespmem:$0x18740]  }
0x29b: {  	v7 =	vsub.f32 v28, v4  }
0x29c: {  	v29 =	vld [tilespmem:$0x18A40]  }
0x29d: {  	v7 =	vmul.f32 v5, v7;
	_ =	sdelay $0x1  }
0x29e: {  	v6 =	vmul.f32 v7, v6  }
0x29f: {  	v30 =	vld [tilespmem:s29+$0x150]  }
0x2a0: {  	v6 =	vadd.f32 v6, v29;
	_ =	sdelay $0x1  }
0x2a1: {  	[tilespmem:s29+$0x140] =	vst v6  }
0x2a2: {  	v6 =	vld [tilespmem:$0x18750]  }
0x2a3: {  	v7 =	vsub.f32 v30, v4  }
0x2a4: {  	v31 =	vld [tilespmem:$0x18A50]  }
0x2a5: {  	v7 =	vmul.f32 v5, v7;
	_ =	sdelay $0x1  }
0x2a6: {  	v6 =	vmul.f32 v7, v6  }
0x2a7: {  	v32 =	vld [tilespmem:s29+$0x160]  }
0x2a8: {  	v6 =	vadd.f32 v6, v31;
	_ =	sdelay $0x1  }
0x2a9: {  	[tilespmem:s29+$0x150] =	vst v6  }
0x2aa: {  	v6 =	vld [tilespmem:$0x18760]  }
0x2ab: {  	v7 =	vsub.f32 v32, v4  }
0x2ac: {  	v33 =	vld [tilespmem:$0x18A60]  }
0x2ad: {  	v7 =	vmul.f32 v5, v7;
	_ =	sdelay $0x1  }
0x2ae: {  	v6 =	vmul.f32 v7, v6  }
0x2af: {  	v34 =	vld [tilespmem:s29+$0x170]  }
0x2b0: {  	v6 =	vadd.f32 v6, v33;
	_ =	sdelay $0x1  }
0x2b1: {  	[tilespmem:s29+$0x160] =	vst v6  }
0x2b2: {  	v6 =	vld [tilespmem:$0x18770]  }
0x2b3: {  	v7 =	vsub.f32 v34, v4  }
0x2b4: {  	v35 =	vld [tilespmem:$0x18A70]  }
0x2b5: {  	v7 =	vmul.f32 v5, v7;
	_ =	sdelay $0x1  }
0x2b6: {  	v6 =	vmul.f32 v7, v6  }
0x2b7: {  	v36 =	vld [tilespmem:s29+$0x500]  }
0x2b8: {  	v6 =	vadd.f32 v6, v35;
	_ =	sdelay $0x1  }
0x2b9: {  	[tilespmem:s29+$0x170] =	vst v6  }
0x2ba: {  	v6 =	vld [tilespmem:$0x18780]  }
0x2bb: {  	v7 =	vsub.f32 v36, v4  }
0x2bc: {  	v37 =	vld [tilespmem:$0x18A80]  }
0x2bd: {  	v7 =	vmul.f32 v7, v5;
	_ =	sdelay $0x1  }
0x2be: {  	v6 =	vmul.f32 v7, v6  }
0x2bf: {  	v38 =	vld [tilespmem:s29+$0x510]  }
0x2c0: {  	v6 =	vadd.f32 v6, v37;
	_ =	sdelay $0x1  }
0x2c1: {  	[tilespmem:s29+$0x500] =	vst v6  }
0x2c2: {  	v6 =	vld [tilespmem:$0x18790]  }
0x2c3: {  	v7 =	vsub.f32 v38, v4  }
0x2c4: {  	v39 =	vld [tilespmem:$0x18A90]  }
0x2c5: {  	v7 =	vmul.f32 v7, v5;
	_ =	sdelay $0x1  }
0x2c6: {  	v6 =	vmul.f32 v7, v6  }
0x2c7: {  	v40 =	vld [tilespmem:s29+$0x520]  }
0x2c8: {  	v6 =	vadd.f32 v6, v39;
	_ =	sdelay $0x1  }
0x2c9: {  	[tilespmem:s29+$0x510] =	vst v6  }
0x2ca: {  	v6 =	vld [tilespmem:$0x187A0]  }
0x2cb: {  	v7 =	vsub.f32 v40, v4  }
0x2cc: {  	v41 =	vld [tilespmem:$0x18AA0]  }
0x2cd: {  	v7 =	vmul.f32 v7, v5;
	_ =	sdelay $0x1  }
0x2ce: {  	v6 =	vmul.f32 v7, v6  }
0x2cf: {  	v42 =	vld [tilespmem:s29+$0x530]  }
0x2d0: {  	v6 =	vadd.f32 v6, v41;
	_ =	sdelay $0x1  }
0x2d1: {  	[tilespmem:s29+$0x520] =	vst v6  }
0x2d2: {  	v6 =	vld [tilespmem:$0x187B0]  }
0x2d3: {  	v7 =	vsub.f32 v42, v4  }
0x2d4: {  	v43 =	vld [tilespmem:$0x18AB0]  }
0x2d5: {  	v7 =	vmul.f32 v7, v5;
	_ =	sdelay $0x1  }
0x2d6: {  	v6 =	vmul.f32 v7, v6  }
0x2d7: {  	v44 =	vld [tilespmem:s29+$0x540]  }
0x2d8: {  	v6 =	vadd.f32 v6, v43;
	_ =	sdelay $0x1  }
0x2d9: {  	[tilespmem:s29+$0x530] =	vst v6  }
0x2da: {  	v6 =	vld [tilespmem:$0x187C0]  }
0x2db: {  	v7 =	vsub.f32 v44, v4  }
0x2dc: {  	v45 =	vld [tilespmem:$0x18AC0]  }
0x2dd: {  	v7 =	vmul.f32 v7, v5;
	_ =	sdelay $0x1  }
0x2de: {  	v6 =	vmul.f32 v7, v6  }
0x2df: {  	v46 =	vld [tilespmem:s29+$0x550]  }
0x2e0: {  	v6 =	vadd.f32 v6, v45;
	_ =	sdelay $0x1  }
0x2e1: {  	[tilespmem:s29+$0x540] =	vst v6  }
0x2e2: {  	v6 =	vld [tilespmem:$0x187D0]  }
0x2e3: {  	v7 =	vsub.f32 v46, v4  }
0x2e4: {  	v47 =	vld [tilespmem:$0x18AD0]  }
0x2e5: {  	v7 =	vmul.f32 v7, v5;
	_ =	sdelay $0x1  }
0x2e6: {  	v6 =	vmul.f32 v7, v6  }
0x2e7: {  	v48 =	vld [tilespmem:s29+$0x560]  }
0x2e8: {  	v6 =	vadd.f32 v6, v47;
	_ =	sdelay $0x1  }
0x2e9: {  	[tilespmem:s29+$0x550] =	vst v6  }
0x2ea: {  	v6 =	vld [tilespmem:$0x187E0]  }
0x2eb: {  	v7 =	vsub.f32 v48, v4  }
0x2ec: {  	v49 =	vld [tilespmem:$0x18AE0]  }
0x2ed: {  	v7 =	vmul.f32 v7, v5;
	_ =	sdelay $0x1  }
0x2ee: {  	v6 =	vmul.f32 v7, v6  }
0x2ef: {  	v50 =	vld [tilespmem:s29+$0x570]  }
0x2f0: {  	v6 =	vadd.f32 v6, v49;
	_ =	sdelay $0x1  }
0x2f1: {  	[tilespmem:s29+$0x560] =	vst v6  }
0x2f2: {  	v6 =	vld [tilespmem:$0x187F0]  }
0x2f3: {  	v7 =	vsub.f32 v50, v4  }
0x2f4: {  	v51 =	vld [tilespmem:$0x18AF0]  }
0x2f5: {  	v7 =	vmul.f32 v7, v5;
	_ =	sdelay $0x1  }
0x2f6: {  	v6 =	vmul.f32 v7, v6  }
0x2f7: {  	v52 =	vld [tilespmem:s29+$0x900]  }
0x2f8: {  	v6 =	vadd.f32 v6, v51;
	_ =	sdelay $0x1  }
0x2f9: {  	[tilespmem:s29+$0x570] =	vst v6  }
0x2fa: {  	v6 =	vld [tilespmem:$0x18800]  }
0x2fb: {  	v7 =	vsub.f32 v52, v4  }
0x2fc: {  	v53 =	vld [tilespmem:$0x18B00]  }
0x2fd: {  	v7 =	vmul.f32 v7, v5;
	_ =	sdelay $0x1  }
0x2fe: {  	v6 =	vmul.f32 v7, v6  }
0x2ff: {  	v54 =	vld [tilespmem:s29+$0x910]  }
0x300: {  	v6 =	vadd.f32 v6, v53;
	_ =	sdelay $0x1  }
0x301: {  	[tilespmem:s29+$0x900] =	vst v6  }
0x302: {  	v6 =	vld [tilespmem:$0x18810]  }
0x303: {  	v7 =	vsub.f32 v54, v4  }
0x304: {  	v55 =	vld [tilespmem:$0x18B10]  }
0x305: {  	v7 =	vmul.f32 v7, v5;
	_ =	sdelay $0x1  }
0x306: {  	v6 =	vmul.f32 v7, v6  }
0x307: {  	v56 =	vld [tilespmem:s29+$0x920]  }
0x308: {  	v6 =	vadd.f32 v6, v55;
	_ =	sdelay $0x1  }
0x309: {  	[tilespmem:s29+$0x910] =	vst v6  }
0x30a: {  	v6 =	vld [tilespmem:$0x18820]  }
0x30b: {  	v7 =	vsub.f32 v56, v4  }
0x30c: {  	v57 =	vld [tilespmem:$0x18B20]  }
0x30d: {  	v7 =	vmul.f32 v7, v5;
	_ =	sdelay $0x1  }
0x30e: {  	v6 =	vmul.f32 v7, v6  }
0x30f: {  	v58 =	vld [tilespmem:s29+$0x930]  }
0x310: {  	v6 =	vadd.f32 v6, v57;
	_ =	sdelay $0x1  }
0x311: {  	[tilespmem:s29+$0x920] =	vst v6  }
0x312: {  	v6 =	vld [tilespmem:$0x18830]  }
0x313: {  	v7 =	vsub.f32 v58, v4  }
0x314: {  	v59 =	vld [tilespmem:$0x18B30]  }
0x315: {  	v7 =	vmul.f32 v7, v5;
	_ =	sdelay $0x1  }
0x316: {  	v6 =	vmul.f32 v7, v6  }
0x317: {  	v60 =	vld [tilespmem:s29+$0x940]  }
0x318: {  	v6 =	vadd.f32 v6, v59;
	_ =	sdelay $0x1  }
0x319: {  	[tilespmem:s29+$0x930] =	vst v6  }
0x31a: {  	v6 =	vld [tilespmem:$0x18840]  }
0x31b: {  	v7 =	vsub.f32 v60, v4  }
0x31c: {  	v61 =	vld [tilespmem:$0x18B40]  }
0x31d: {  	v7 =	vmul.f32 v7, v5;
	_ =	sdelay $0x1  }
0x31e: {  	v6 =	vmul.f32 v7, v6  }
0x31f: {  	v62 =	vld [tilespmem:s29+$0x950]  }
0x320: {  	v6 =	vadd.f32 v6, v61;
	_ =	sdelay $0x1  }
0x321: {  	[tilespmem:s29+$0x940] =	vst v6  }
0x322: {  	v6 =	vld [tilespmem:$0x18850]  }
0x323: {  	v7 =	vsub.f32 v62, v4  }
0x324: {  	v63 =	vld [tilespmem:$0x18B50]  }
0x325: {  	v7 =	vmul.f32 v7, v5;
	_ =	sdelay $0x1  }
0x326: {  	v6 =	vmul.f32 v7, v6  }
0x327: {  	v12 =	vld [tilespmem:s29+$0x960]  }
0x328: {  	v6 =	vadd.f32 v6, v63;
	_ =	sdelay $0x1  }
0x329: {  	[tilespmem:s29+$0x950] =	vst v6  }
0x32a: {  	v6 =	vld [tilespmem:$0x18860]  }
0x32b: {  	v7 =	vsub.f32 v12, v4  }
0x32c: {  	v13 =	vld [tilespmem:$0x18B60]  }
0x32d: {  	v7 =	vmul.f32 v7, v5;
	_ =	sdelay $0x1  }
0x32e: {  	v6 =	vmul.f32 v7, v6  }
0x32f: {  	v14 =	vld [tilespmem:s29+$0x970]  }
0x330: {  	v6 =	vadd.f32 v6, v13;
	_ =	sdelay $0x1  }
0x331: {  	[tilespmem:s29+$0x960] =	vst v6  }
0x332: {  	v6 =	vld [tilespmem:$0x18870]  }
0x333: {  	v7 =	vsub.f32 v14, v4  }
0x334: {  	v15 =	vld [tilespmem:$0x18B70]  }
0x335: {  	v7 =	vmul.f32 v7, v5;
	_ =	sdelay $0x1  }
0x336: {  	v6 =	vmul.f32 v7, v6  }
0x337: {  	v16 =	vld [tilespmem:s29+$0xD00]  }
0x338: {  	v6 =	vadd.f32 v6, v15;
	_ =	sdelay $0x1  }
0x339: {  	[tilespmem:s29+$0x970] =	vst v6  }
0x33a: {  	v6 =	vld [tilespmem:$0x18880]  }
0x33b: {  	v7 =	vsub.f32 v16, v4  }
0x33c: {  	v17 =	vld [tilespmem:$0x18B80]  }
0x33d: {  	v7 =	vmul.f32 v7, v5;
	_ =	sdelay $0x1  }
0x33e: {  	v6 =	vmul.f32 v7, v6  }
0x33f: {  	v18 =	vld [tilespmem:s29+$0xD10]  }
0x340: {  	v6 =	vadd.f32 v6, v17;
	_ =	sdelay $0x1  }
0x341: {  	[tilespmem:s29+$0xD00] =	vst v6  }
0x342: {  	v6 =	vld [tilespmem:$0x18890]  }
0x343: {  	v7 =	vsub.f32 v18, v4  }
0x344: {  	v19 =	vld [tilespmem:$0x18B90]  }
0x345: {  	v7 =	vmul.f32 v7, v5;
	_ =	sdelay $0x1  }
0x346: {  	v6 =	vmul.f32 v7, v6  }
0x347: {  	v20 =	vld [tilespmem:s29+$0xD20]  }
0x348: {  	v6 =	vadd.f32 v6, v19;
	_ =	sdelay $0x1  }
0x349: {  	[tilespmem:s29+$0xD10] =	vst v6  }
0x34a: {  	v6 =	vld [tilespmem:$0x188A0]  }
0x34b: {  	v7 =	vsub.f32 v20, v4  }
0x34c: {  	v21 =	vld [tilespmem:$0x18BA0]  }
0x34d: {  	v7 =	vmul.f32 v7, v5;
	_ =	sdelay $0x1  }
0x34e: {  	v6 =	vmul.f32 v7, v6  }
0x34f: {  	v22 =	vld [tilespmem:s29+$0xD30]  }
0x350: {  	v6 =	vadd.f32 v6, v21;
	_ =	sdelay $0x1  }
0x351: {  	[tilespmem:s29+$0xD20] =	vst v6  }
0x352: {  	v6 =	vld [tilespmem:$0x188B0]  }
0x353: {  	v7 =	vsub.f32 v22, v4  }
0x354: {  	v23 =	vld [tilespmem:$0x18BB0]  }
0x355: {  	v7 =	vmul.f32 v7, v5;
	_ =	sdelay $0x1  }
0x356: {  	v6 =	vmul.f32 v7, v6  }
0x357: {  	v24 =	vld [tilespmem:s29+$0xD40]  }
0x358: {  	v6 =	vadd.f32 v6, v23;
	_ =	sdelay $0x1  }
0x359: {  	[tilespmem:s29+$0xD30] =	vst v6  }
0x35a: {  	v6 =	vld [tilespmem:$0x188C0]  }
0x35b: {  	v7 =	vsub.f32 v24, v4  }
0x35c: {  	v25 =	vld [tilespmem:$0x18BC0]  }
0x35d: {  	v7 =	vmul.f32 v7, v5;
	_ =	sdelay $0x1  }
0x35e: {  	v6 =	vmul.f32 v7, v6  }
0x35f: {  	v26 =	vld [tilespmem:s29+$0xD50]  }
0x360: {  	v6 =	vadd.f32 v6, v25;
	_ =	sdelay $0x1  }
0x361: {  	[tilespmem:s29+$0xD40] =	vst v6  }
0x362: {  	v6 =	vld [tilespmem:$0x188D0]  }
0x363: {  	v7 =	vsub.f32 v26, v4  }
0x364: {  	v27 =	vld [tilespmem:$0x18BD0]  }
0x365: {  	v7 =	vmul.f32 v7, v5;
	_ =	sdelay $0x1  }
0x366: {  	v6 =	vmul.f32 v7, v6  }
0x367: {  	v28 =	vld [tilespmem:s29+$0xD60]  }
0x368: {  	v6 =	vadd.f32 v6, v27;
	_ =	sdelay $0x1  }
0x369: {  	[tilespmem:s29+$0xD50] =	vst v6  }
0x36a: {  	v6 =	vld [tilespmem:$0x188E0]  }
0x36b: {  	v7 =	vsub.f32 v28, v4  }
0x36c: {  	v29 =	vld [tilespmem:$0x18BE0]  }
0x36d: {  	v7 =	vmul.f32 v7, v5;
	_ =	sdelay $0x1  }
0x36e: {  	v6 =	vmul.f32 v7, v6  }
0x36f: {  	v30 =	vld [tilespmem:s29+$0xD70]  }
0x370: {  	v6 =	vadd.f32 v6, v29;
	_ =	sdelay $0x1  }
0x371: {  	[tilespmem:s29+$0xD60] =	vst v6  }
0x372: {  	v6 =	vld [tilespmem:$0x188F0]  }
0x373: {  	v7 =	vsub.f32 v30, v4  }
0x374: {  	v31 =	vld [tilespmem:$0x18BF0]  }
0x375: {  	v7 =	vmul.f32 v7, v5;
	_ =	sdelay $0x1  }
0x376: {  	v6 =	vmul.f32 v7, v6  }
0x377: {  	v32 =	vld [tilespmem:s29+$0x1100]  }
0x378: {  	v6 =	vadd.f32 v6, v31;
	_ =	sdelay $0x1  }
0x379: {  	[tilespmem:s29+$0xD70] =	vst v6  }
0x37a: {  	v6 =	vld [tilespmem:$0x18900]  }
0x37b: {  	v7 =	vsub.f32 v32, v4  }
0x37c: {  	v33 =	vld [tilespmem:$0x18C00]  }
0x37d: {  	v7 =	vmul.f32 v7, v5;
	_ =	sdelay $0x1  }
0x37e: {  	v6 =	vmul.f32 v7, v6  }
0x37f: {  	v34 =	vld [tilespmem:s29+$0x1110]  }
0x380: {  	v6 =	vadd.f32 v6, v33;
	_ =	sdelay $0x1  }
0x381: {  	[tilespmem:s29+$0x1100] =	vst v6  }
0x382: {  	v6 =	vld [tilespmem:$0x18910]  }
0x383: {  	v7 =	vsub.f32 v34, v4  }
0x384: {  	v35 =	vld [tilespmem:$0x18C10]  }
0x385: {  	v7 =	vmul.f32 v7, v5;
	_ =	sdelay $0x1  }
0x386: {  	v6 =	vmul.f32 v7, v6  }
0x387: {  	v36 =	vld [tilespmem:s29+$0x1120]  }
0x388: {  	v6 =	vadd.f32 v6, v35;
	_ =	sdelay $0x1  }
0x389: {  	[tilespmem:s29+$0x1110] =	vst v6  }
0x38a: {  	v6 =	vld [tilespmem:$0x18920]  }
0x38b: {  	v7 =	vsub.f32 v36, v4  }
0x38c: {  	v37 =	vld [tilespmem:$0x18C20]  }
0x38d: {  	v7 =	vmul.f32 v7, v5;
	_ =	sdelay $0x1  }
0x38e: {  	v6 =	vmul.f32 v7, v6  }
0x38f: {  	v38 =	vld [tilespmem:s29+$0x1130]  }
0x390: {  	v6 =	vadd.f32 v6, v37;
	_ =	sdelay $0x1  }
0x391: {  	[tilespmem:s29+$0x1120] =	vst v6  }
0x392: {  	v6 =	vld [tilespmem:$0x18930]  }
0x393: {  	v7 =	vsub.f32 v38, v4  }
0x394: {  	v39 =	vld [tilespmem:$0x18C30]  }
0x395: {  	v7 =	vmul.f32 v7, v5;
	_ =	sdelay $0x1  }
0x396: {  	v6 =	vmul.f32 v7, v6  }
0x397: {  	v40 =	vld [tilespmem:s29+$0x1140]  }
0x398: {  	v6 =	vadd.f32 v6, v39;
	_ =	sdelay $0x1  }
0x399: {  	[tilespmem:s29+$0x1130] =	vst v6  }
0x39a: {  	v6 =	vld [tilespmem:$0x18940]  }
0x39b: {  	v7 =	vsub.f32 v40, v4  }
0x39c: {  	v41 =	vld [tilespmem:$0x18C40]  }
0x39d: {  	v7 =	vmul.f32 v7, v5;
	_ =	sdelay $0x1  }
0x39e: {  	v6 =	vmul.f32 v7, v6  }
0x39f: {  	v42 =	vld [tilespmem:s29+$0x1150]  }
0x3a0: {  	v6 =	vadd.f32 v6, v41;
	_ =	sdelay $0x1  }
0x3a1: {  	[tilespmem:s29+$0x1140] =	vst v6  }
0x3a2: {  	v6 =	vld [tilespmem:$0x18950]  }
0x3a3: {  	v7 =	vsub.f32 v42, v4  }
0x3a4: {  	v43 =	vld [tilespmem:$0x18C50]  }
0x3a5: {  	v7 =	vmul.f32 v7, v5;
	_ =	sdelay $0x1  }
0x3a6: {  	v6 =	vmul.f32 v7, v6  }
0x3a7: {  	v44 =	vld [tilespmem:s29+$0x1160]  }
0x3a8: {  	v6 =	vadd.f32 v6, v43;
	_ =	sdelay $0x1  }
0x3a9: {  	[tilespmem:s29+$0x1150] =	vst v6  }
0x3aa: {  	v6 =	vld [tilespmem:$0x18960]  }
0x3ab: {  	v7 =	vsub.f32 v44, v4  }
0x3ac: {  	v45 =	vld [tilespmem:$0x18C60]  }
0x3ad: {  	v7 =	vmul.f32 v7, v5;
	_ =	sdelay $0x1  }
0x3ae: {  	v6 =	vmul.f32 v7, v6  }
0x3af: {  	v46 =	vld [tilespmem:s29+$0x1170]  }
0x3b0: {  	v6 =	vadd.f32 v6, v45;
	_ =	sdelay $0x1  }
0x3b1: {  	[tilespmem:s29+$0x1160] =	vst v6  }
0x3b2: {  	v6 =	vld [tilespmem:$0x18970]  }
0x3b3: {  	v7 =	vsub.f32 v46, v4  }
0x3b4: {  	v47 =	vld [tilespmem:$0x18C70]  }
0x3b5: {  	v7 =	vmul.f32 v7, v5;
	_ =	sdelay $0x1  }
0x3b6: {  	v6 =	vmul.f32 v7, v6  }
0x3b7: {  	v48 =	vld [tilespmem:s29+$0x1500]  }
0x3b8: {  	v6 =	vadd.f32 v6, v47;
	_ =	sdelay $0x1  }
0x3b9: {  	[tilespmem:s29+$0x1170] =	vst v6  }
0x3ba: {  	v6 =	vld [tilespmem:$0x18980]  }
0x3bb: {  	v7 =	vsub.f32 v48, v4  }
0x3bc: {  	v49 =	vld [tilespmem:$0x18C80]  }
0x3bd: {  	v7 =	vmul.f32 v7, v5;
	_ =	sdelay $0x1  }
0x3be: {  	v6 =	vmul.f32 v7, v6  }
0x3bf: {  	v50 =	vld [tilespmem:s29+$0x1510]  }
0x3c0: {  	v6 =	vadd.f32 v6, v49;
	_ =	sdelay $0x1  }
0x3c1: {  	[tilespmem:s29+$0x1500] =	vst v6  }
0x3c2: {  	v6 =	vld [tilespmem:$0x18990]  }
0x3c3: {  	v7 =	vsub.f32 v50, v4  }
0x3c4: {  	v51 =	vld [tilespmem:$0x18C90]  }
0x3c5: {  	v7 =	vmul.f32 v7, v5;
	_ =	sdelay $0x1  }
0x3c6: {  	v6 =	vmul.f32 v7, v6  }
0x3c7: {  	v52 =	vld [tilespmem:s29+$0x1520]  }
0x3c8: {  	v6 =	vadd.f32 v6, v51;
	_ =	sdelay $0x1  }
0x3c9: {  	[tilespmem:s29+$0x1510] =	vst v6  }
0x3ca: {  	v6 =	vld [tilespmem:$0x189A0]  }
0x3cb: {  	v7 =	vsub.f32 v52, v4  }
0x3cc: {  	v53 =	vld [tilespmem:$0x18CA0]  }
0x3cd: {  	v7 =	vmul.f32 v7, v5;
	_ =	sdelay $0x1  }
0x3ce: {  	v6 =	vmul.f32 v7, v6  }
0x3cf: {  	v54 =	vld [tilespmem:s29+$0x1530]  }
0x3d0: {  	v6 =	vadd.f32 v6, v53;
	_ =	sdelay $0x1  }
0x3d1: {  	[tilespmem:s29+$0x1520] =	vst v6  }
0x3d2: {  	v6 =	vld [tilespmem:$0x189B0]  }
0x3d3: {  	v7 =	vsub.f32 v54, v4  }
0x3d4: {  	v55 =	vld [tilespmem:$0x18CB0]  }
0x3d5: {  	v7 =	vmul.f32 v7, v5;
	_ =	sdelay $0x1  }
0x3d6: {  	v6 =	vmul.f32 v7, v6  }
0x3d7: {  	v56 =	vld [tilespmem:s29+$0x1540]  }
0x3d8: {  	v6 =	vadd.f32 v6, v55;
	_ =	sdelay $0x1  }
0x3d9: {  	[tilespmem:s29+$0x1530] =	vst v6  }
0x3da: {  	v6 =	vld [tilespmem:$0x189C0]  }
0x3db: {  	v7 =	vsub.f32 v56, v4  }
0x3dc: {  	v57 =	vld [tilespmem:$0x18CC0]  }
0x3dd: {  	v7 =	vmul.f32 v7, v5;
	_ =	sdelay $0x1  }
0x3de: {  	v6 =	vmul.f32 v7, v6  }
0x3df: {  	v58 =	vld [tilespmem:s29+$0x1550]  }
0x3e0: {  	v6 =	vadd.f32 v6, v57;
	_ =	sdelay $0x1  }
0x3e1: {  	[tilespmem:s29+$0x1540] =	vst v6  }
0x3e2: {  	v6 =	vld [tilespmem:$0x189D0]  }
0x3e3: {  	v7 =	vsub.f32 v58, v4  }
0x3e4: {  	v59 =	vld [tilespmem:$0x18CD0]  }
0x3e5: {  	v7 =	vmul.f32 v7, v5;
	_ =	sdelay $0x1  }
0x3e6: {  	v6 =	vmul.f32 v7, v6  }
0x3e7: {  	v60 =	vld [tilespmem:s29+$0x1560]  }
0x3e8: {  	v6 =	vadd.f32 v6, v59;
	_ =	sdelay $0x1  }
0x3e9: {  	[tilespmem:s29+$0x1550] =	vst v6  }
0x3ea: {  	v6 =	vld [tilespmem:$0x189E0]  }
0x3eb: {  	v7 =	vsub.f32 v60, v4  }
0x3ec: {  	v61 =	vld [tilespmem:$0x18CE0]  }
0x3ed: {  	v7 =	vmul.f32 v7, v5;
	_ =	sdelay $0x1  }
0x3ee: {  	v6 =	vmul.f32 v7, v6  }
0x3ef: {  	v62 =	vld [tilespmem:s29+$0x1570]  }
0x3f0: {  	v6 =	vadd.f32 v6, v61;
	_ =	sdelay $0x1  }
0x3f1: {  	[tilespmem:s29+$0x1560] =	vst v6  }
0x3f2: {  	v6 =	vld [tilespmem:$0x189F0]  }
0x3f3: {  	v4 =	vsub.f32 v62, v4  }
0x3f4: {  	v63 =	vld [tilespmem:$0x18CF0]  }
0x3f5: {  	v4 =	vmul.f32 v4, v5  }
0x3f6: {  	p0 =	sne.s32 s28, $0x3F  }
.Ltmp0:
0x3f7: {  	v4 =	vmul.f32 v4, v6;
	(pc) =	sbr.rel @p0 .LBB2_3-.Ltmp0, $3  }
0x3f8: {  	_ = 	snop  }
0x3f9: {  	v4 =	vadd.f32 v4, v63;
	_ =	sdelay $0x1  }
0x3fa: {  	s28 =	sadd.s32 $0x1, s28;
	s26 =	sadd.s32 $0x80, s26;
	[tilespmem:s29+$0x1570] =	vst v4  }
0x3fb: {  	s0 =	smul.u32 $0x300, s25;
	s24 =	sadd.s32 $0x1, s24  }
0x3fc: {  	s31 =	rddreg [dreg:$0x6];
	p0 =	sne.s32 s24, $0x4  }
.Ltmp1:
0x3fd: {  	s0 =	sadd.s32 s31, s0;
	(pc) =	sbr.rel @p0 .LBB2_2-.Ltmp1, $4  }
0x3fe: {  	[hbm4b:s0+s7] =	stream.linear.scatter [tilespmem:s20], [sflag:$0x2], $0xC000, $0x38;
	[tilespmem:$0x18D00] =	vst v63  }
0x3ff: {  	_ =	swait.ge [sflag:s16], $0xC000  }
0x400: {  	[sflag:s16] =	ssyncset.done $0x0  }
0x401: {  	[sflag:s16] =	ssyncadd.s32 $0xFFFF4000  }
0x402: {  	s24 =	rddreg [dreg:$0x9]  }
0x403: {  	s0 =	rddreg [dreg:$0x8];
	s24 =	sadd.s32 $0x1, s24  }
0x404: {  	p0 =	sne.s32 s24, s0  }
.Ltmp2:
0x405: {  	_ = 	snop;
	(pc) =	sbr.rel @p0 .LBB2_1-.Ltmp2, $1  }
0x406: {  	_ =	sdelay $0x3  }
0x407: {  	_ =	sfence.sel $0x180000  }
0x408: {  	[bflag:$0x0] =	sbarrier.arrive $0xFFFF  }
0x409: {  	_ =	strace $0x90000047  }
0x40a: {  	s0 =	stileid.u32;
	[bflag:$0x2] =	sbarrier.arrive $0xFFFF  }
0x40b: {  	p0 =	sne.s32 s0, $0x0;
	s0 =	rddreg [dreg:$0x7]  }
0x40c: {  	s0 =	sadd.s32 @!p0 $0x100000, s0  }
0x40d: {  	[sflag:s0] =	ssyncadd.tile.s32 @!p0 $0x1;
	_ =	shalt  }
.Lfunc_end2:
_tile_overlayer_lowered:
.L_overlay_start_2:
0x40e: {  	(tag) =	ssettag $0x2  }
0x40f: {  	s0 =	rddreg [dreg:$0x0];
	s2 =	stileid.u32  }
0x410: {  	s1 =	rddreg [dreg:$0x1];
	p0 =	sne.s32 s2, $0x0  }
0x411: {  	s3 =	rddreg [dreg:$0x2];
	[bflag:$0x3] =	sbarrier.arrive $0xFFFF;
	s2 =	simm.s32 @!p0 $0x1C02  }
0x412: {  	[timem:s3], [sflag:s2] =	dma.local @!p0 [hbm:s0], s1  }
0x413: {  	s0 =	simm.s32 @!p0 $0x2  }
0x414: {  	_ =	swait.ge @!p0 [sflag:s0], s1  }
0x415: {  	s1 =	ssub.s32 @!p0 $0x0, s1;
	[sflag:s0] =	ssyncset.done @!p0 $0x0  }
0x416: {  	[sflag:s0] =	ssyncadd.s32 @!p0 s1  }
0x417: {  	[bflag:$0x3] =	sbarrier.arrive $0xFFFF  }
0x418: {  	_ =	shalt  }

</sc_bundles>
